<compile_context>
chip_gen: v7x
topology: tpu7x:2x2x1
jax: 0.10.2.dev20260603
libtpu: 0.0.44.dev20260713+nightly
codegen_flags: <defaults>
</compile_context>

<pallas_src>
import functools

import jax
import jax.numpy as jnp
from jax import lax
from jax.experimental import pallas as pl
from jax.experimental.pallas import tpu as pltpu
from jax.experimental.pallas import tpu_sc as plsc

_C = 400
_NW = 32


def _mlp_body(x_ref, w1_ref, b1_ref, w2_ref, b2_ref, w3_ref, b3_ref, out_ref):
    h = jnp.dot(x_ref[...], w1_ref[...], preferred_element_type=jnp.float32)
    h = jnp.maximum(h + b1_ref[...], 0.0)
    d = jnp.dot(h, w2_ref[...], preferred_element_type=jnp.float32) + b2_ref[...]
    out_ref[...] = (
        jnp.dot(d, w3_ref[...], preferred_element_type=jnp.float32) + b3_ref[...]
    )


def _mlp(x, W1, b1, W2, b2, W3, b3):
    n, d = x.shape
    h = W1.shape[1]
    h2 = W2.shape[1]
    out_d = W3.shape[1]
    blk = 1000
    return pl.pallas_call(
        _mlp_body,
        grid=(n // blk,),
        in_specs=[
            pl.BlockSpec((blk, d), lambda i: (i, 0)),
            pl.BlockSpec((d, h), lambda i: (0, 0)),
            pl.BlockSpec((1, h), lambda i: (0, 0)),
            pl.BlockSpec((h, h2), lambda i: (0, 0)),
            pl.BlockSpec((1, h2), lambda i: (0, 0)),
            pl.BlockSpec((h2, out_d), lambda i: (0, 0)),
            pl.BlockSpec((1, out_d), lambda i: (0, 0)),
        ],
        out_specs=pl.BlockSpec((blk, out_d), lambda i: (i, 0)),
        out_shape=jax.ShapeDtypeStruct((n, out_d), jnp.float32),
    )(x, W1, b1.reshape(1, -1), W2, b2.reshape(1, -1), W3, b3.reshape(1, -1))


_NB = 4


def _sc_gather(x_dnn, x, idx_l, idx_r, n_chunks, c, ipw, slot):
    del slot
    n_pad = idx_l.shape[0]
    d = x.shape[1]
    mesh = plsc.VectorSubcoreMesh(core_axis_name="c", subcore_axis_name="s")

    @functools.partial(
        pl.kernel,
        mesh=mesh,
        out_type=[
            jax.ShapeDtypeStruct((2, n_chunks, c, d), jnp.float32),
            jax.ShapeDtypeStruct((2, n_chunks, c, d), jnp.float32),
        ],
        scratch_types=[
            pltpu.VMEM((c,), jnp.int32),
            pltpu.VMEM((c, d), jnp.float32),
            pltpu.VMEM((c, d), jnp.float32),
            pltpu.SemaphoreType.DMA,
            pltpu.SemaphoreType.DMA,
            pltpu.SemaphoreType.DMA,
        ],
    )
    def k(dnn_hbm, x_hbm, idxl_hbm, idxr_hbm, emb_hbm, feat_hbm,
          idx_v, rows0, rows1, gsem, wsem0, wsem1):
        wid = lax.axis_index("s") * 2 + lax.axis_index("c")
        bufs = (rows0, rows1)
        wsems = (wsem0, wsem1)

        jobs = (
            (dnn_hbm, idxl_hbm, emb_hbm, 0),
            (dnn_hbm, idxr_hbm, emb_hbm, 1),
            (x_hbm, idxl_hbm, feat_hbm, 0),
            (x_hbm, idxr_hbm, feat_hbm, 1),
        )
        T = 4 * ipw

        def parts(t):
            j, i = divmod(t, ipw)
            table, idx_hbm, out_hbm, side = jobs[j]
            ch = wid + i * _NW
            live = i * _NW + _NW - 1 < n_chunks
            return table, idx_hbm.at[ch], out_hbm, side, ch, live

        def w_copy(t):
            _, _, out_hbm, side, ch, _ = parts(t)
            b = t % 2
            return pltpu.make_async_copy(bufs[b], out_hbm.at[side, ch],
                                         wsems[b])

        def maybe(t, fn):
            _, _, _, _, ch, live = parts(t)
            if live:
                fn()
            else:
                pl.when(ch < n_chunks)(fn)

        for t in range(T):
            table, idx_src, _, _, _, _ = parts(t)
            b = t % 2
            if t >= 2:
                maybe(t - 2, w_copy(t - 2).wait)

            def step(table=table, idx_src=idx_src, b=b, t=t):
                pltpu.sync_copy(idx_src, idx_v)
                pltpu.async_copy(table.at[idx_v], bufs[b], gsem).wait()
                w_copy(t).start()

            maybe(t, step)
        for t in range(T - 2, T):
            maybe(t, w_copy(t).wait)

    return k(x_dnn, x, idx_l, idx_r)


def kernel(x, edge_index, pair_idxs_left, pair_idxs_right, y, W_lin, b_lin,
           W_gat, a_src, a_dst, b_gat, W1, b1, W2, b2, W3, b3):
    p = pair_idxs_left.shape[0]
    x_dnn = _mlp(x, W1, b1, W2, b2, W3, b3)
    n_chunks = p // _C
    n_pad = ((n_chunks + _NW - 1) // _NW) * _NW
    ipw = n_pad // _NW
    slot = ((_C + 127) // 128) * 128

    def prep(idx):
        return jnp.pad(idx.reshape(-1, _C), ((0, n_pad - n_chunks), (0, 0)))

    emb, feat = _sc_gather(x_dnn, x, prep(pair_idxs_left),
                           prep(pair_idxs_right), n_chunks, _C, ipw, slot)
    return (emb.reshape(2, p, -1), feat.reshape(2, p, -1), y)

# --- scband reference (transcript-rebuilt; emitter-appended) ---
"""Pipeline reference for scband-drnetwork-25091198943262 (READ-ONLY COPY).

The authoritative reference and input builder live on the scoring server;
editing this copy changes nothing except your own understanding.
"""

import jax, jax.numpy as jnp
import numpy as np

N = 10000
E = 320000
P = 100000
D = 128
H = 128
OUT = 128


def setup_inputs(seed: int = 0) -> dict:
    key = jax.random.key(seed)
    ks = jax.random.split(key, 20)
    inp = {}
    inp['x'] = jax.random.normal(ks[0], (N, D), dtype=jnp.float32)
    inp['edge_index'] = jax.random.randint(ks[1], (2, E), 0, N, dtype=jnp.int32)
    inp['pair_idxs_left'] = jax.random.randint(ks[2], (P,), 0, N, dtype=jnp.int32)
    inp['pair_idxs_right'] = jax.random.randint(ks[3], (P,), 0, N, dtype=jnp.int32)
    inp['y'] = jax.random.normal(ks[4], (P,), dtype=jnp.float32)
    # learned parameters
    inp['W_lin'] = jax.random.normal(ks[5], (D, H), dtype=jnp.float32) * 0.05
    inp['b_lin'] = jnp.zeros((H,), dtype=jnp.float32)
    inp['W_gat'] = jax.random.normal(ks[6], (H, H), dtype=jnp.float32) * 0.05
    inp['a_src'] = jax.random.normal(ks[7], (H,), dtype=jnp.float32) * 0.05
    inp['a_dst'] = jax.random.normal(ks[8], (H,), dtype=jnp.float32) * 0.05
    inp['b_gat'] = jnp.zeros((H,), dtype=jnp.float32)
    inp['W1'] = jax.random.normal(ks[9], (D, H), dtype=jnp.float32) * 0.05
    inp['b1'] = jnp.zeros((H,), dtype=jnp.float32)
    inp['W2'] = jax.random.normal(ks[10], (H, 2 * H), dtype=jnp.float32) * 0.05
    inp['b2'] = jnp.zeros((2 * H,), dtype=jnp.float32)
    inp['W3'] = jax.random.normal(ks[11], (2 * H, OUT), dtype=jnp.float32) * 0.05
    inp['b3'] = jnp.zeros((OUT,), dtype=jnp.float32)
    return inp


def _gat_conv(h, edge_index, W, a_src, a_dst, b):
    # single-head GATConv (PyG semantics, negative_slope=0.2)
    g = h @ W
    src = edge_index[0]
    dst = edge_index[1]
    alpha_src = (g * a_src).sum(-1)
    alpha_dst = (g * a_dst).sum(-1)
    e = alpha_src[src] + alpha_dst[dst]
    e = jnp.where(e > 0, e, 0.2 * e)  # leaky_relu
    n = h.shape[0]
    m = jax.ops.segment_max(e, dst, num_segments=n)
    ex = jnp.exp(e - m[dst])
    denom = jax.ops.segment_sum(ex, dst, num_segments=n)
    alpha = ex / denom[dst]
    out = jax.ops.segment_sum(alpha[:, None] * g[src], dst, num_segments=n)
    return out + b


def reference(x, edge_index, pair_idxs_left, pair_idxs_right, y,
              W_lin, b_lin, W_gat, a_src, a_dst, b_gat,
              W1, b1, W2, b2, W3, b3):
    # x = self.linear(data.x).relu()
    h1 = jax.nn.relu(x @ W_lin + b_lin)
    # x = self.conv(x, edge_index).relu()  (result overwritten below, as in original)
    h2 = jax.nn.relu(_gat_conv(h1, edge_index, W_gat, a_src, a_dst, b_gat))
    _ = h2  # discarded by original forward
    # x = self.embedding_dnn(data.x)
    d = jax.nn.relu(x @ W1 + b1)
    d = d @ W2 + b2
    x_dnn = d @ W3 + b3
    first_embeddings = x_dnn[pair_idxs_left]
    second_embeddings = x_dnn[pair_idxs_right]
    first_feature = x[pair_idxs_left]
    second_feature = x[pair_idxs_right]
    pair_embeddings = jnp.stack([first_embeddings, second_embeddings])
    pair_features = jnp.stack([first_feature, second_feature])
    return (pair_embeddings, pair_features, y)

if __name__ == "__main__":
    import jax
    _d = setup_inputs()
    print(jax.jit(kernel)(*tuple(_d.values())))

</pallas_src>

<mosaic_0001>
#map = affine_map<(d0, d1) -> (0, 0)>
#map1 = affine_map<(d0, d1) -> (0, 0, 0, 0)>
module attributes {stable_mosaic.version = 14 : i64} {
  func.func @k(%arg0: i32, %arg1: i32, %arg2: memref<10000x128xf32, #tpu.memory_space<hbm>>, %arg3: memref<10000x128xf32, #tpu.memory_space<hbm>>, %arg4: memref<256x400xi32, #tpu.memory_space<hbm>>, %arg5: memref<256x400xi32, #tpu.memory_space<hbm>>, %arg6: memref<2x250x400x128xf32, #tpu.memory_space<hbm>>, %arg7: memref<2x250x400x128xf32, #tpu.memory_space<hbm>>, %arg8: memref<400xi32, #tpu.memory_space<vmem>>, %arg9: memref<400x128xf32, #tpu.memory_space<vmem>>, %arg10: memref<400x128xf32, #tpu.memory_space<vmem>>, %arg11: memref<!tpu.dma_semaphore, #tpu.memory_space<semaphore_mem>>, %arg12: memref<!tpu.dma_semaphore, #tpu.memory_space<semaphore_mem>>, %arg13: memref<!tpu.dma_semaphore, #tpu.memory_space<semaphore_mem>>) attributes {dimension_semantics = [#tpu.dimension_semantics<core_parallel>, #tpu.dimension_semantics<subcore_parallel>], iteration_bounds = array<i64: 2, 16>, scalar_prefetch = 0 : i64, scratch_operands = 6 : i64, tpu.core_type = #tpu.core_type<sc_vector_subcore>, window_params = [{transform_indices = #map}, {transform_indices = #map}, {transform_indices = #map}, {transform_indices = #map}, {transform_indices = #map1}, {transform_indices = #map1}]} {
    %mul3A = arith.constant 2 : i32
    %mul3A_0 = arith.muli %arg1, %mul3A : i32
    %add3A = arith.addi %mul3A_0, %arg0 : i32
    %add3A_1 = arith.constant 0 : i32
    %add3A_2 = arith.addi %add3A, %add3A_1 : i32
    %add3A_3 = arith.constant 0 : i32
    %add3A_4 = arith.addi %add3A, %add3A_3 : i32
    "tpu.region"() ({
      %run_scoped3A = tpu.sem_alloc : memref<!tpu.dma_semaphore, #tpu.memory_space<semaphore_mem>>
      %dma_start3A_1024 = arith.constant 0 : i32
      %dma_start3A_1025 = tpu.memref_slice %arg4[%add3A_2, %dma_start3A_1024] : memref<256x400xi32, #tpu.memory_space<hbm>> -> memref<1x400xi32, #tpu.memory_space<hbm>>
      %dma_start3A_1026 = tpu.memref_squeeze %dma_start3A_1025 : memref<1x400xi32, #tpu.memory_space<hbm>> -> memref<400xi32, #tpu.memory_space<hbm>>
      %dma_start3A_1027 = arith.constant 0 : i32
      %dma_start3A_1028 = tpu.memref_slice %arg4[%add3A_2, %dma_start3A_1027] : memref<256x400xi32, #tpu.memory_space<hbm>> -> memref<1x400xi32, #tpu.memory_space<hbm>>
      %dma_start3A_1029 = tpu.memref_squeeze %dma_start3A_1028 : memref<1x400xi32, #tpu.memory_space<hbm>> -> memref<400xi32, #tpu.memory_space<hbm>>
      tpu.enqueue_dma source(%dma_start3A_1029 : memref<400xi32, #tpu.memory_space<hbm>>) target(%arg8 : memref<400xi32, #tpu.memory_space<vmem>>) target_semaphore(%run_scoped3A : memref<!tpu.dma_semaphore, #tpu.memory_space<semaphore_mem>>)
      %dma_wait3A_1030 = arith.constant 0 : i32
      %dma_wait3A_1031 = tpu.memref_slice %arg4[%add3A_2, %dma_wait3A_1030] : memref<256x400xi32, #tpu.memory_space<hbm>> -> memref<1x400xi32, #tpu.memory_space<hbm>>
      %dma_wait3A_1032 = tpu.memref_squeeze %dma_wait3A_1031 : memref<1x400xi32, #tpu.memory_space<hbm>> -> memref<400xi32, #tpu.memory_space<hbm>>
      %dma_wait3A_1033 = arith.constant 0 : i32
      %dma_wait3A_1034 = tpu.memref_slice %arg4[%add3A_2, %dma_wait3A_1033] : memref<256x400xi32, #tpu.memory_space<hbm>> -> memref<1x400xi32, #tpu.memory_space<hbm>>
      %dma_wait3A_1035 = tpu.memref_squeeze %dma_wait3A_1034 : memref<1x400xi32, #tpu.memory_space<hbm>> -> memref<400xi32, #tpu.memory_space<hbm>>
      tpu.wait_dma2 semaphore(%run_scoped3A : memref<!tpu.dma_semaphore, #tpu.memory_space<semaphore_mem>>) src(%dma_wait3A_1035 : memref<400xi32, #tpu.memory_space<hbm>>) dst(%arg8 : memref<400xi32, #tpu.memory_space<vmem>>)
      tpu.yield
    }) : () -> ()
    %dma_start3A = arith.constant 0 : i32
    %dma_start3A_5 = arith.constant 0 : i32
    %dma_start3A_6 = tpu.memref_slice %arg2[%dma_start3A, %dma_start3A_5] : memref<10000x128xf32, #tpu.memory_space<hbm>> -> memref<10000x128xf32, #tpu.memory_space<hbm>>
    tpu.enqueue_indirect_dma source(%dma_start3A_6 : memref<10000x128xf32, #tpu.memory_space<hbm>>) target(%arg9 : memref<400x128xf32, #tpu.memory_space<vmem>>) offsets(%arg8 : memref<400xi32, #tpu.memory_space<vmem>>) semaphore(%arg11 : memref<!tpu.dma_semaphore, #tpu.memory_space<semaphore_mem>>)
    %dma_wait3A = arith.constant 0 : i32
    %dma_wait3A_7 = arith.constant 0 : i32
    %dma_wait3A_8 = tpu.memref_slice %arg2[%dma_wait3A, %dma_wait3A_7] : memref<10000x128xf32, #tpu.memory_space<hbm>> -> memref<10000x128xf32, #tpu.memory_space<hbm>>
    tpu.wait_indirect_dma semaphore(%arg11 : memref<!tpu.dma_semaphore, #tpu.memory_space<semaphore_mem>>) src(%dma_wait3A_8 : memref<10000x128xf32, #tpu.memory_space<hbm>>) dst(%arg9 : memref<400x128xf32, #tpu.memory_space<vmem>>)
    %add3A_9 = arith.constant 0 : i32
    %add3A_10 = arith.addi %add3A, %add3A_9 : i32
    %dma_start3A_11 = arith.constant 0 : i32
    %dma_start3A_12 = arith.constant 0 : i32
    %dma_start3A_13 = arith.constant 0 : i32
    %dma_start3A_14 = tpu.memref_slice %arg6[%dma_start3A_11, %add3A_10, %dma_start3A_12, %dma_start3A_13] : memref<2x250x400x128xf32, #tpu.memory_space<hbm>> -> memref<1x1x400x128xf32, #tpu.memory_space<hbm>>
    %dma_start3A_15 = tpu.memref_squeeze %dma_start3A_14 : memref<1x1x400x128xf32, #tpu.memory_space<hbm>> -> memref<400x128xf32, #tpu.memory_space<hbm>>
    %dma_start3A_16 = arith.constant 0 : i32
    %dma_start3A_17 = arith.constant 0 : i32
    %dma_start3A_18 = tpu.memref_slice %arg6[%dma_start3A_11, %add3A_10, %dma_start3A_16, %dma_start3A_17] : memref<2x250x400x128xf32, #tpu.memory_space<hbm>> -> memref<1x1x400x128xf32, #tpu.memory_space<hbm>>
    %dma_start3A_19 = tpu.memref_squeeze %dma_start3A_18 : memref<1x1x400x128xf32, #tpu.memory_space<hbm>> -> memref<400x128xf32, #tpu.memory_space<hbm>>
    tpu.enqueue_dma source(%arg9 : memref<400x128xf32, #tpu.memory_space<vmem>>) target(%dma_start3A_19 : memref<400x128xf32, #tpu.memory_space<hbm>>) target_semaphore(%arg12 : memref<!tpu.dma_semaphore, #tpu.memory_space<semaphore_mem>>)
    %add3A_20 = arith.constant 32 : i32
    %add3A_21 = arith.addi %add3A, %add3A_20 : i32
    %add3A_22 = arith.constant 32 : i32
    %add3A_23 = arith.addi %add3A, %add3A_22 : i32
    "tpu.region"() ({
      %run_scoped3A = tpu.sem_alloc : memref<!tpu.dma_semaphore, #tpu.memory_space<semaphore_mem>>
      %dma_start3A_1024 = arith.constant 0 : i32
      %dma_start3A_1025 = tpu.memref_slice %arg4[%add3A_21, %dma_start3A_1024] : memref<256x400xi32, #tpu.memory_space<hbm>> -> memref<1x400xi32, #tpu.memory_space<hbm>>
      %dma_start3A_1026 = tpu.memref_squeeze %dma_start3A_1025 : memref<1x400xi32, #tpu.memory_space<hbm>> -> memref<400xi32, #tpu.memory_space<hbm>>
      %dma_start3A_1027 = arith.constant 0 : i32
      %dma_start3A_1028 = tpu.memref_slice %arg4[%add3A_21, %dma_start3A_1027] : memref<256x400xi32, #tpu.memory_space<hbm>> -> memref<1x400xi32, #tpu.memory_space<hbm>>
      %dma_start3A_1029 = tpu.memref_squeeze %dma_start3A_1028 : memref<1x400xi32, #tpu.memory_space<hbm>> -> memref<400xi32, #tpu.memory_space<hbm>>
      tpu.enqueue_dma source(%dma_start3A_1029 : memref<400xi32, #tpu.memory_space<hbm>>) target(%arg8 : memref<400xi32, #tpu.memory_space<vmem>>) target_semaphore(%run_scoped3A : memref<!tpu.dma_semaphore, #tpu.memory_space<semaphore_mem>>)
      %dma_wait3A_1030 = arith.constant 0 : i32
      %dma_wait3A_1031 = tpu.memref_slice %arg4[%add3A_21, %dma_wait3A_1030] : memref<256x400xi32, #tpu.memory_space<hbm>> -> memref<1x400xi32, #tpu.memory_space<hbm>>
      %dma_wait3A_1032 = tpu.memref_squeeze %dma_wait3A_1031 : memref<1x400xi32, #tpu.memory_space<hbm>> -> memref<400xi32, #tpu.memory_space<hbm>>
      %dma_wait3A_1033 = arith.constant 0 : i32
      %dma_wait3A_1034 = tpu.memref_slice %arg4[%add3A_21, %dma_wait3A_1033] : memref<256x400xi32, #tpu.memory_space<hbm>> -> memref<1x400xi32, #tpu.memory_space<hbm>>
      %dma_wait3A_1035 = tpu.memref_squeeze %dma_wait3A_1034 : memref<1x400xi32, #tpu.memory_space<hbm>> -> memref<400xi32, #tpu.memory_space<hbm>>
      tpu.wait_dma2 semaphore(%run_scoped3A : memref<!tpu.dma_semaphore, #tpu.memory_space<semaphore_mem>>) src(%dma_wait3A_1035 : memref<400xi32, #tpu.memory_space<hbm>>) dst(%arg8 : memref<400xi32, #tpu.memory_space<vmem>>)
      tpu.yield
    }) : () -> ()
    %dma_start3A_24 = arith.constant 0 : i32
    %dma_start3A_25 = arith.constant 0 : i32
    %dma_start3A_26 = tpu.memref_slice %arg2[%dma_start3A_24, %dma_start3A_25] : memref<10000x128xf32, #tpu.memory_space<hbm>> -> memref<10000x128xf32, #tpu.memory_space<hbm>>
    tpu.enqueue_indirect_dma source(%dma_start3A_26 : memref<10000x128xf32, #tpu.memory_space<hbm>>) target(%arg10 : memref<400x128xf32, #tpu.memory_space<vmem>>) offsets(%arg8 : memref<400xi32, #tpu.memory_space<vmem>>) semaphore(%arg11 : memref<!tpu.dma_semaphore, #tpu.memory_space<semaphore_mem>>)
    %dma_wait3A_27 = arith.constant 0 : i32
    %dma_wait3A_28 = arith.constant 0 : i32
    %dma_wait3A_29 = tpu.memref_slice %arg2[%dma_wait3A_27, %dma_wait3A_28] : memref<10000x128xf32, #tpu.memory_space<hbm>> -> memref<10000x128xf32, #tpu.memory_space<hbm>>
    tpu.wait_indirect_dma semaphore(%arg11 : memref<!tpu.dma_semaphore, #tpu.memory_space<semaphore_mem>>) src(%dma_wait3A_29 : memref<10000x128xf32, #tpu.memory_space<hbm>>) dst(%arg10 : memref<400x128xf32, #tpu.memory_space<vmem>>)
    %add3A_30 = arith.constant 32 : i32
    %add3A_31 = arith.addi %add3A, %add3A_30 : i32
    %dma_start3A_32 = arith.constant 0 : i32
    %dma_start3A_33 = arith.constant 0 : i32
    %dma_start3A_34 = arith.constant 0 : i32
    %dma_start3A_35 = tpu.memref_slice %arg6[%dma_start3A_32, %add3A_31, %dma_start3A_33, %dma_start3A_34] : memref<2x250x400x128xf32, #tpu.memory_space<hbm>> -> memref<1x1x400x128xf32, #tpu.memory_space<hbm>>
    %dma_start3A_36 = tpu.memref_squeeze %dma_start3A_35 : memref<1x1x400x128xf32, #tpu.memory_space<hbm>> -> memref<400x128xf32, #tpu.memory_space<hbm>>
    %dma_start3A_37 = arith.constant 0 : i32
    %dma_start3A_38 = arith.constant 0 : i32
    %dma_start3A_39 = tpu.memref_slice %arg6[%dma_start3A_32, %add3A_31, %dma_start3A_37, %dma_start3A_38] : memref<2x250x400x128xf32, #tpu.memory_space<hbm>> -> memref<1x1x400x128xf32, #tpu.memory_space<hbm>>
    %dma_start3A_40 = tpu.memref_squeeze %dma_start3A_39 : memref<1x1x400x128xf32, #tpu.memory_space<hbm>> -> memref<400x128xf32, #tpu.memory_space<hbm>>
    tpu.enqueue_dma source(%arg10 : memref<400x128xf32, #tpu.memory_space<vmem>>) target(%dma_start3A_40 : memref<400x128xf32, #tpu.memory_space<hbm>>) target_semaphore(%arg13 : memref<!tpu.dma_semaphore, #tpu.memory_space<semaphore_mem>>)
    %add3A_41 = arith.constant 64 : i32
    %add3A_42 = arith.addi %add3A, %add3A_41 : i32
    %add3A_43 = arith.constant 0 : i32
    %add3A_44 = arith.addi %add3A, %add3A_43 : i32
    %add3A_45 = arith.constant 0 : i32
    %add3A_46 = arith.addi %add3A, %add3A_45 : i32
    %dma_wait3A_47 = arith.constant 0 : i32
    %dma_wait3A_48 = arith.constant 0 : i32
    %dma_wait3A_49 = arith.constant 0 : i32
    %dma_wait3A_50 = tpu.memref_slice %arg6[%dma_wait3A_47, %add3A_44, %dma_wait3A_48, %dma_wait3A_49] : memref<2x250x400x128xf32, #tpu.memory_space<hbm>> -> memref<1x1x400x128xf32, #tpu.memory_space<hbm>>
    %dma_wait3A_51 = tpu.memref_squeeze %dma_wait3A_50 : memref<1x1x400x128xf32, #tpu.memory_space<hbm>> -> memref<400x128xf32, #tpu.memory_space<hbm>>
    %dma_wait3A_52 = arith.constant 0 : i32
    %dma_wait3A_53 = arith.constant 0 : i32
    %dma_wait3A_54 = tpu.memref_slice %arg6[%dma_wait3A_47, %add3A_44, %dma_wait3A_52, %dma_wait3A_53] : memref<2x250x400x128xf32, #tpu.memory_space<hbm>> -> memref<1x1x400x128xf32, #tpu.memory_space<hbm>>
    %dma_wait3A_55 = tpu.memref_squeeze %dma_wait3A_54 : memref<1x1x400x128xf32, #tpu.memory_space<hbm>> -> memref<400x128xf32, #tpu.memory_space<hbm>>
    tpu.wait_dma2 semaphore(%arg12 : memref<!tpu.dma_semaphore, #tpu.memory_space<semaphore_mem>>) src(%arg9 : memref<400x128xf32, #tpu.memory_space<vmem>>) dst(%dma_wait3A_55 : memref<400x128xf32, #tpu.memory_space<hbm>>)
    %add3A_56 = arith.constant 64 : i32
    %add3A_57 = arith.addi %add3A, %add3A_56 : i32
    "tpu.region"() ({
      %run_scoped3A = tpu.sem_alloc : memref<!tpu.dma_semaphore, #tpu.memory_space<semaphore_mem>>
      %dma_start3A_1024 = arith.constant 0 : i32
      %dma_start3A_1025 = tpu.memref_slice %arg4[%add3A_42, %dma_start3A_1024] : memref<256x400xi32, #tpu.memory_space<hbm>> -> memref<1x400xi32, #tpu.memory_space<hbm>>
      %dma_start3A_1026 = tpu.memref_squeeze %dma_start3A_1025 : memref<1x400xi32, #tpu.memory_space<hbm>> -> memref<400xi32, #tpu.memory_space<hbm>>
      %dma_start3A_1027 = arith.constant 0 : i32
      %dma_start3A_1028 = tpu.memref_slice %arg4[%add3A_42, %dma_start3A_1027] : memref<256x400xi32, #tpu.memory_space<hbm>> -> memref<1x400xi32, #tpu.memory_space<hbm>>
      %dma_start3A_1029 = tpu.memref_squeeze %dma_start3A_1028 : memref<1x400xi32, #tpu.memory_space<hbm>> -> memref<400xi32, #tpu.memory_space<hbm>>
      tpu.enqueue_dma source(%dma_start3A_1029 : memref<400xi32, #tpu.memory_space<hbm>>) target(%arg8 : memref<400xi32, #tpu.memory_space<vmem>>) target_semaphore(%run_scoped3A : memref<!tpu.dma_semaphore, #tpu.memory_space<semaphore_mem>>)
      %dma_wait3A_1030 = arith.constant 0 : i32
      %dma_wait3A_1031 = tpu.memref_slice %arg4[%add3A_42, %dma_wait3A_1030] : memref<256x400xi32, #tpu.memory_space<hbm>> -> memref<1x400xi32, #tpu.memory_space<hbm>>
      %dma_wait3A_1032 = tpu.memref_squeeze %dma_wait3A_1031 : memref<1x400xi32, #tpu.memory_space<hbm>> -> memref<400xi32, #tpu.memory_space<hbm>>
      %dma_wait3A_1033 = arith.constant 0 : i32
      %dma_wait3A_1034 = tpu.memref_slice %arg4[%add3A_42, %dma_wait3A_1033] : memref<256x400xi32, #tpu.memory_space<hbm>> -> memref<1x400xi32, #tpu.memory_space<hbm>>
      %dma_wait3A_1035 = tpu.memref_squeeze %dma_wait3A_1034 : memref<1x400xi32, #tpu.memory_space<hbm>> -> memref<400xi32, #tpu.memory_space<hbm>>
      tpu.wait_dma2 semaphore(%run_scoped3A : memref<!tpu.dma_semaphore, #tpu.memory_space<semaphore_mem>>) src(%dma_wait3A_1035 : memref<400xi32, #tpu.memory_space<hbm>>) dst(%arg8 : memref<400xi32, #tpu.memory_space<vmem>>)
      tpu.yield
    }) : () -> ()
    %dma_start3A_58 = arith.constant 0 : i32
    %dma_start3A_59 = arith.constant 0 : i32
    %dma_start3A_60 = tpu.memref_slice %arg2[%dma_start3A_58, %dma_start3A_59] : memref<10000x128xf32, #tpu.memory_space<hbm>> -> memref<10000x128xf32, #tpu.memory_space<hbm>>
    tpu.enqueue_indirect_dma source(%dma_start3A_60 : memref<10000x128xf32, #tpu.memory_space<hbm>>) target(%arg9 : memref<400x128xf32, #tpu.memory_space<vmem>>) offsets(%arg8 : memref<400xi32, #tpu.memory_space<vmem>>) semaphore(%arg11 : memref<!tpu.dma_semaphore, #tpu.memory_space<semaphore_mem>>)
    %dma_wait3A_61 = arith.constant 0 : i32
    %dma_wait3A_62 = arith.constant 0 : i32
    %dma_wait3A_63 = tpu.memref_slice %arg2[%dma_wait3A_61, %dma_wait3A_62] : memref<10000x128xf32, #tpu.memory_space<hbm>> -> memref<10000x128xf32, #tpu.memory_space<hbm>>
    tpu.wait_indirect_dma semaphore(%arg11 : memref<!tpu.dma_semaphore, #tpu.memory_space<semaphore_mem>>) src(%dma_wait3A_63 : memref<10000x128xf32, #tpu.memory_space<hbm>>) dst(%arg9 : memref<400x128xf32, #tpu.memory_space<vmem>>)
    %add3A_64 = arith.constant 64 : i32
    %add3A_65 = arith.addi %add3A, %add3A_64 : i32
    %dma_start3A_66 = arith.constant 0 : i32
    %dma_start3A_67 = arith.constant 0 : i32
    %dma_start3A_68 = arith.constant 0 : i32
    %dma_start3A_69 = tpu.memref_slice %arg6[%dma_start3A_66, %add3A_65, %dma_start3A_67, %dma_start3A_68] : memref<2x250x400x128xf32, #tpu.memory_space<hbm>> -> memref<1x1x400x128xf32, #tpu.memory_space<hbm>>
    %dma_start3A_70 = tpu.memref_squeeze %dma_start3A_69 : memref<1x1x400x128xf32, #tpu.memory_space<hbm>> -> memref<400x128xf32, #tpu.memory_space<hbm>>
    %dma_start3A_71 = arith.constant 0 : i32
    %dma_start3A_72 = arith.constant 0 : i32
    %dma_start3A_73 = tpu.memref_slice %arg6[%dma_start3A_66, %add3A_65, %dma_start3A_71, %dma_start3A_72] : memref<2x250x400x128xf32, #tpu.memory_space<hbm>> -> memref<1x1x400x128xf32, #tpu.memory_space<hbm>>
    %dma_start3A_74 = tpu.memref_squeeze %dma_start3A_73 : memref<1x1x400x128xf32, #tpu.memory_space<hbm>> -> memref<400x128xf32, #tpu.memory_space<hbm>>
    tpu.enqueue_dma source(%arg9 : memref<400x128xf32, #tpu.memory_space<vmem>>) target(%dma_start3A_74 : memref<400x128xf32, #tpu.memory_space<hbm>>) target_semaphore(%arg12 : memref<!tpu.dma_semaphore, #tpu.memory_space<semaphore_mem>>)
    %add3A_75 = arith.constant 96 : i32
    %add3A_76 = arith.addi %add3A, %add3A_75 : i32
    %add3A_77 = arith.constant 32 : i32
    %add3A_78 = arith.addi %add3A, %add3A_77 : i32
    %add3A_79 = arith.constant 32 : i32
    %add3A_80 = arith.addi %add3A, %add3A_79 : i32
    %dma_wait3A_81 = arith.constant 0 : i32
    %dma_wait3A_82 = arith.constant 0 : i32
    %dma_wait3A_83 = arith.constant 0 : i32
    %dma_wait3A_84 = tpu.memref_slice %arg6[%dma_wait3A_81, %add3A_78, %dma_wait3A_82, %dma_wait3A_83] : memref<2x250x400x128xf32, #tpu.memory_space<hbm>> -> memref<1x1x400x128xf32, #tpu.memory_space<hbm>>
    %dma_wait3A_85 = tpu.memref_squeeze %dma_wait3A_84 : memref<1x1x400x128xf32, #tpu.memory_space<hbm>> -> memref<400x128xf32, #tpu.memory_space<hbm>>
    %dma_wait3A_86 = arith.constant 0 : i32
    %dma_wait3A_87 = arith.constant 0 : i32
    %dma_wait3A_88 = tpu.memref_slice %arg6[%dma_wait3A_81, %add3A_78, %dma_wait3A_86, %dma_wait3A_87] : memref<2x250x400x128xf32, #tpu.memory_space<hbm>> -> memref<1x1x400x128xf32, #tpu.memory_space<hbm>>
    %dma_wait3A_89 = tpu.memref_squeeze %dma_wait3A_88 : memref<1x1x400x128xf32, #tpu.memory_space<hbm>> -> memref<400x128xf32, #tpu.memory_space<hbm>>
    tpu.wait_dma2 semaphore(%arg13 : memref<!tpu.dma_semaphore, #tpu.memory_space<semaphore_mem>>) src(%arg10 : memref<400x128xf32, #tpu.memory_space<vmem>>) dst(%dma_wait3A_89 : memref<400x128xf32, #tpu.memory_space<hbm>>)
    %add3A_90 = arith.constant 96 : i32
    %add3A_91 = arith.addi %add3A, %add3A_90 : i32
    "tpu.region"() ({
      %run_scoped3A = tpu.sem_alloc : memref<!tpu.dma_semaphore, #tpu.memory_space<semaphore_mem>>
      %dma_start3A_1024 = arith.constant 0 : i32
      %dma_start3A_1025 = tpu.memref_slice %arg4[%add3A_76, %dma_start3A_1024] : memref<256x400xi32, #tpu.memory_space<hbm>> -> memref<1x400xi32, #tpu.memory_space<hbm>>
      %dma_start3A_1026 = tpu.memref_squeeze %dma_start3A_1025 : memref<1x400xi32, #tpu.memory_space<hbm>> -> memref<400xi32, #tpu.memory_space<hbm>>
      %dma_start3A_1027 = arith.constant 0 : i32
      %dma_start3A_1028 = tpu.memref_slice %arg4[%add3A_76, %dma_start3A_1027] : memref<256x400xi32, #tpu.memory_space<hbm>> -> memref<1x400xi32, #tpu.memory_space<hbm>>
      %dma_start3A_1029 = tpu.memref_squeeze %dma_start3A_1028 : memref<1x400xi32, #tpu.memory_space<hbm>> -> memref<400xi32, #tpu.memory_space<hbm>>
      tpu.enqueue_dma source(%dma_start3A_1029 : memref<400xi32, #tpu.memory_space<hbm>>) target(%arg8 : memref<400xi32, #tpu.memory_space<vmem>>) target_semaphore(%run_scoped3A : memref<!tpu.dma_semaphore, #tpu.memory_space<semaphore_mem>>)
      %dma_wait3A_1030 = arith.constant 0 : i32
      %dma_wait3A_1031 = tpu.memref_slice %arg4[%add3A_76, %dma_wait3A_1030] : memref<256x400xi32, #tpu.memory_space<hbm>> -> memref<1x400xi32, #tpu.memory_space<hbm>>
      %dma_wait3A_1032 = tpu.memref_squeeze %dma_wait3A_1031 : memref<1x400xi32, #tpu.memory_space<hbm>> -> memref<400xi32, #tpu.memory_space<hbm>>
      %dma_wait3A_1033 = arith.constant 0 : i32
      %dma_wait3A_1034 = tpu.memref_slice %arg4[%add3A_76, %dma_wait3A_1033] : memref<256x400xi32, #tpu.memory_space<hbm>> -> memref<1x400xi32, #tpu.memory_space<hbm>>
      %dma_wait3A_1035 = tpu.memref_squeeze %dma_wait3A_1034 : memref<1x400xi32, #tpu.memory_space<hbm>> -> memref<400xi32, #tpu.memory_space<hbm>>
      tpu.wait_dma2 semaphore(%run_scoped3A : memref<!tpu.dma_semaphore, #tpu.memory_space<semaphore_mem>>) src(%dma_wait3A_1035 : memref<400xi32, #tpu.memory_space<hbm>>) dst(%arg8 : memref<400xi32, #tpu.memory_space<vmem>>)
      tpu.yield
    }) : () -> ()
    %dma_start3A_92 = arith.constant 0 : i32
    %dma_start3A_93 = arith.constant 0 : i32
    %dma_start3A_94 = tpu.memref_slice %arg2[%dma_start3A_92, %dma_start3A_93] : memref<10000x128xf32, #tpu.memory_space<hbm>> -> memref<10000x128xf32, #tpu.memory_space<hbm>>
    tpu.enqueue_indirect_dma source(%dma_start3A_94 : memref<10000x128xf32, #tpu.memory_space<hbm>>) target(%arg10 : memref<400x128xf32, #tpu.memory_space<vmem>>) offsets(%arg8 : memref<400xi32, #tpu.memory_space<vmem>>) semaphore(%arg11 : memref<!tpu.dma_semaphore, #tpu.memory_space<semaphore_mem>>)
    %dma_wait3A_95 = arith.constant 0 : i32
    %dma_wait3A_96 = arith.constant 0 : i32
    %dma_wait3A_97 = tpu.memref_slice %arg2[%dma_wait3A_95, %dma_wait3A_96] : memref<10000x128xf32, #tpu.memory_space<hbm>> -> memref<10000x128xf32, #tpu.memory_space<hbm>>
    tpu.wait_indirect_dma semaphore(%arg11 : memref<!tpu.dma_semaphore, #tpu.memory_space<semaphore_mem>>) src(%dma_wait3A_97 : memref<10000x128xf32, #tpu.memory_space<hbm>>) dst(%arg10 : memref<400x128xf32, #tpu.memory_space<vmem>>)
    %add3A_98 = arith.constant 96 : i32
    %add3A_99 = arith.addi %add3A, %add3A_98 : i32
    %dma_start3A_100 = arith.constant 0 : i32
    %dma_start3A_101 = arith.constant 0 : i32
    %dma_start3A_102 = arith.constant 0 : i32
    %dma_start3A_103 = tpu.memref_slice %arg6[%dma_start3A_100, %add3A_99, %dma_start3A_101, %dma_start3A_102] : memref<2x250x400x128xf32, #tpu.memory_space<hbm>> -> memref<1x1x400x128xf32, #tpu.memory_space<hbm>>
    %dma_start3A_104 = tpu.memref_squeeze %dma_start3A_103 : memref<1x1x400x128xf32, #tpu.memory_space<hbm>> -> memref<400x128xf32, #tpu.memory_space<hbm>>
    %dma_start3A_105 = arith.constant 0 : i32
    %dma_start3A_106 = arith.constant 0 : i32
    %dma_start3A_107 = tpu.memref_slice %arg6[%dma_start3A_100, %add3A_99, %dma_start3A_105, %dma_start3A_106] : memref<2x250x400x128xf32, #tpu.memory_space<hbm>> -> memref<1x1x400x128xf32, #tpu.memory_space<hbm>>
    %dma_start3A_108 = tpu.memref_squeeze %dma_start3A_107 : memref<1x1x400x128xf32, #tpu.memory_space<hbm>> -> memref<400x128xf32, #tpu.memory_space<hbm>>
    tpu.enqueue_dma source(%arg10 : memref<400x128xf32, #tpu.memory_space<vmem>>) target(%dma_start3A_108 : memref<400x128xf32, #tpu.memory_space<hbm>>) target_semaphore(%arg13 : memref<!tpu.dma_semaphore, #tpu.memory_space<semaphore_mem>>)
    %add3A_109 = arith.constant 128 : i32
    %add3A_110 = arith.addi %add3A, %add3A_109 : i32
    %add3A_111 = arith.constant 64 : i32
    %add3A_112 = arith.addi %add3A, %add3A_111 : i32
    %add3A_113 = arith.constant 64 : i32
    %add3A_114 = arith.addi %add3A, %add3A_113 : i32
    %dma_wait3A_115 = arith.constant 0 : i32
    %dma_wait3A_116 = arith.constant 0 : i32
    %dma_wait3A_117 = arith.constant 0 : i32
    %dma_wait3A_118 = tpu.memref_slice %arg6[%dma_wait3A_115, %add3A_112, %dma_wait3A_116, %dma_wait3A_117] : memref<2x250x400x128xf32, #tpu.memory_space<hbm>> -> memref<1x1x400x128xf32, #tpu.memory_space<hbm>>
    %dma_wait3A_119 = tpu.memref_squeeze %dma_wait3A_118 : memref<1x1x400x128xf32, #tpu.memory_space<hbm>> -> memref<400x128xf32, #tpu.memory_space<hbm>>
    %dma_wait3A_120 = arith.constant 0 : i32
    %dma_wait3A_121 = arith.constant 0 : i32
    %dma_wait3A_122 = tpu.memref_slice %arg6[%dma_wait3A_115, %add3A_112, %dma_wait3A_120, %dma_wait3A_121] : memref<2x250x400x128xf32, #tpu.memory_space<hbm>> -> memref<1x1x400x128xf32, #tpu.memory_space<hbm>>
    %dma_wait3A_123 = tpu.memref_squeeze %dma_wait3A_122 : memref<1x1x400x128xf32, #tpu.memory_space<hbm>> -> memref<400x128xf32, #tpu.memory_space<hbm>>
    tpu.wait_dma2 semaphore(%arg12 : memref<!tpu.dma_semaphore, #tpu.memory_space<semaphore_mem>>) src(%arg9 : memref<400x128xf32, #tpu.memory_space<vmem>>) dst(%dma_wait3A_123 : memref<400x128xf32, #tpu.memory_space<hbm>>)
    %add3A_124 = arith.constant 128 : i32
    %add3A_125 = arith.addi %add3A, %add3A_124 : i32
    "tpu.region"() ({
      %run_scoped3A = tpu.sem_alloc : memref<!tpu.dma_semaphore, #tpu.memory_space<semaphore_mem>>
      %dma_start3A_1024 = arith.constant 0 : i32
      %dma_start3A_1025 = tpu.memref_slice %arg4[%add3A_110, %dma_start3A_1024] : memref<256x400xi32, #tpu.memory_space<hbm>> -> memref<1x400xi32, #tpu.memory_space<hbm>>
      %dma_start3A_1026 = tpu.memref_squeeze %dma_start3A_1025 : memref<1x400xi32, #tpu.memory_space<hbm>> -> memref<400xi32, #tpu.memory_space<hbm>>
      %dma_start3A_1027 = arith.constant 0 : i32
      %dma_start3A_1028 = tpu.memref_slice %arg4[%add3A_110, %dma_start3A_1027] : memref<256x400xi32, #tpu.memory_space<hbm>> -> memref<1x400xi32, #tpu.memory_space<hbm>>
      %dma_start3A_1029 = tpu.memref_squeeze %dma_start3A_1028 : memref<1x400xi32, #tpu.memory_space<hbm>> -> memref<400xi32, #tpu.memory_space<hbm>>
      tpu.enqueue_dma source(%dma_start3A_1029 : memref<400xi32, #tpu.memory_space<hbm>>) target(%arg8 : memref<400xi32, #tpu.memory_space<vmem>>) target_semaphore(%run_scoped3A : memref<!tpu.dma_semaphore, #tpu.memory_space<semaphore_mem>>)
      %dma_wait3A_1030 = arith.constant 0 : i32
      %dma_wait3A_1031 = tpu.memref_slice %arg4[%add3A_110, %dma_wait3A_1030] : memref<256x400xi32, #tpu.memory_space<hbm>> -> memref<1x400xi32, #tpu.memory_space<hbm>>
      %dma_wait3A_1032 = tpu.memref_squeeze %dma_wait3A_1031 : memref<1x400xi32, #tpu.memory_space<hbm>> -> memref<400xi32, #tpu.memory_space<hbm>>
      %dma_wait3A_1033 = arith.constant 0 : i32
      %dma_wait3A_1034 = tpu.memref_slice %arg4[%add3A_110, %dma_wait3A_1033] : memref<256x400xi32, #tpu.memory_space<hbm>> -> memref<1x400xi32, #tpu.memory_space<hbm>>
      %dma_wait3A_1035 = tpu.memref_squeeze %dma_wait3A_1034 : memref<1x400xi32, #tpu.memory_space<hbm>> -> memref<400xi32, #tpu.memory_space<hbm>>
      tpu.wait_dma2 semaphore(%run_scoped3A : memref<!tpu.dma_semaphore, #tpu.memory_space<semaphore_mem>>) src(%dma_wait3A_1035 : memref<400xi32, #tpu.memory_space<hbm>>) dst(%arg8 : memref<400xi32, #tpu.memory_space<vmem>>)
      tpu.yield
    }) : () -> ()
    %dma_start3A_126 = arith.constant 0 : i32
    %dma_start3A_127 = arith.constant 0 : i32
    %dma_start3A_128 = tpu.memref_slice %arg2[%dma_start3A_126, %dma_start3A_127] : memref<10000x128xf32, #tpu.memory_space<hbm>> -> memref<10000x128xf32, #tpu.memory_space<hbm>>
    tpu.enqueue_indirect_dma source(%dma_start3A_128 : memref<10000x128xf32, #tpu.memory_space<hbm>>) target(%arg9 : memref<400x128xf32, #tpu.memory_space<vmem>>) offsets(%arg8 : memref<400xi32, #tpu.memory_space<vmem>>) semaphore(%arg11 : memref<!tpu.dma_semaphore, #tpu.memory_space<semaphore_mem>>)
    %dma_wait3A_129 = arith.constant 0 : i32
    %dma_wait3A_130 = arith.constant 0 : i32
    %dma_wait3A_131 = tpu.memref_slice %arg2[%dma_wait3A_129, %dma_wait3A_130] : memref<10000x128xf32, #tpu.memory_space<hbm>> -> memref<10000x128xf32, #tpu.memory_space<hbm>>
    tpu.wait_indirect_dma semaphore(%arg11 : memref<!tpu.dma_semaphore, #tpu.memory_space<semaphore_mem>>) src(%dma_wait3A_131 : memref<10000x128xf32, #tpu.memory_space<hbm>>) dst(%arg9 : memref<400x128xf32, #tpu.memory_space<vmem>>)
    %add3A_132 = arith.constant 128 : i32
    %add3A_133 = arith.addi %add3A, %add3A_132 : i32
    %dma_start3A_134 = arith.constant 0 : i32
    %dma_start3A_135 = arith.constant 0 : i32
    %dma_start3A_136 = arith.constant 0 : i32
    %dma_start3A_137 = tpu.memref_slice %arg6[%dma_start3A_134, %add3A_133, %dma_start3A_135, %dma_start3A_136] : memref<2x250x400x128xf32, #tpu.memory_space<hbm>> -> memref<1x1x400x128xf32, #tpu.memory_space<hbm>>
    %dma_start3A_138 = tpu.memref_squeeze %dma_start3A_137 : memref<1x1x400x128xf32, #tpu.memory_space<hbm>> -> memref<400x128xf32, #tpu.memory_space<hbm>>
    %dma_start3A_139 = arith.constant 0 : i32
    %dma_start3A_140 = arith.constant 0 : i32
    %dma_start3A_141 = tpu.memref_slice %arg6[%dma_start3A_134, %add3A_133, %dma_start3A_139, %dma_start3A_140] : memref<2x250x400x128xf32, #tpu.memory_space<hbm>> -> memref<1x1x400x128xf32, #tpu.memory_space<hbm>>
    %dma_start3A_142 = tpu.memref_squeeze %dma_start3A_141 : memref<1x1x400x128xf32, #tpu.memory_space<hbm>> -> memref<400x128xf32, #tpu.memory_space<hbm>>
    tpu.enqueue_dma source(%arg9 : memref<400x128xf32, #tpu.memory_space<vmem>>) target(%dma_start3A_142 : memref<400x128xf32, #tpu.memory_space<hbm>>) target_semaphore(%arg12 : memref<!tpu.dma_semaphore, #tpu.memory_space<semaphore_mem>>)
    %add3A_143 = arith.constant 160 : i32
    %add3A_144 = arith.addi %add3A, %add3A_143 : i32
    %add3A_145 = arith.constant 96 : i32
    %add3A_146 = arith.addi %add3A, %add3A_145 : i32
    %add3A_147 = arith.constant 96 : i32
    %add3A_148 = arith.addi %add3A, %add3A_147 : i32
    %dma_wait3A_149 = arith.constant 0 : i32
    %dma_wait3A_150 = arith.constant 0 : i32
    %dma_wait3A_151 = arith.constant 0 : i32
    %dma_wait3A_152 = tpu.memref_slice %arg6[%dma_wait3A_149, %add3A_146, %dma_wait3A_150, %dma_wait3A_151] : memref<2x250x400x128xf32, #tpu.memory_space<hbm>> -> memref<1x1x400x128xf32, #tpu.memory_space<hbm>>
    %dma_wait3A_153 = tpu.memref_squeeze %dma_wait3A_152 : memref<1x1x400x128xf32, #tpu.memory_space<hbm>> -> memref<400x128xf32, #tpu.memory_space<hbm>>
    %dma_wait3A_154 = arith.constant 0 : i32
    %dma_wait3A_155 = arith.constant 0 : i32
    %dma_wait3A_156 = tpu.memref_slice %arg6[%dma_wait3A_149, %add3A_146, %dma_wait3A_154, %dma_wait3A_155] : memref<2x250x400x128xf32, #tpu.memory_space<hbm>> -> memref<1x1x400x128xf32, #tpu.memory_space<hbm>>
    %dma_wait3A_157 = tpu.memref_squeeze %dma_wait3A_156 : memref<1x1x400x128xf32, #tpu.memory_space<hbm>> -> memref<400x128xf32, #tpu.memory_space<hbm>>
    tpu.wait_dma2 semaphore(%arg13 : memref<!tpu.dma_semaphore, #tpu.memory_space<semaphore_mem>>) src(%arg10 : memref<400x128xf32, #tpu.memory_space<vmem>>) dst(%dma_wait3A_157 : memref<400x128xf32, #tpu.memory_space<hbm>>)
    %add3A_158 = arith.constant 160 : i32
    %add3A_159 = arith.addi %add3A, %add3A_158 : i32
    "tpu.region"() ({
      %run_scoped3A = tpu.sem_alloc : memref<!tpu.dma_semaphore, #tpu.memory_space<semaphore_mem>>
      %dma_start3A_1024 = arith.constant 0 : i32
      %dma_start3A_1025 = tpu.memref_slice %arg4[%add3A_144, %dma_start3A_1024] : memref<256x400xi32, #tpu.memory_space<hbm>> -> memref<1x400xi32, #tpu.memory_space<hbm>>
      %dma_start3A_1026 = tpu.memref_squeeze %dma_start3A_1025 : memref<1x400xi32, #tpu.memory_space<hbm>> -> memref<400xi32, #tpu.memory_space<hbm>>
      %dma_start3A_1027 = arith.constant 0 : i32
      %dma_start3A_1028 = tpu.memref_slice %arg4[%add3A_144, %dma_start3A_1027] : memref<256x400xi32, #tpu.memory_space<hbm>> -> memref<1x400xi32, #tpu.memory_space<hbm>>
      %dma_start3A_1029 = tpu.memref_squeeze %dma_start3A_1028 : memref<1x400xi32, #tpu.memory_space<hbm>> -> memref<400xi32, #tpu.memory_space<hbm>>
      tpu.enqueue_dma source(%dma_start3A_1029 : memref<400xi32, #tpu.memory_space<hbm>>) target(%arg8 : memref<400xi32, #tpu.memory_space<vmem>>) target_semaphore(%run_scoped3A : memref<!tpu.dma_semaphore, #tpu.memory_space<semaphore_mem>>)
      %dma_wait3A_1030 = arith.constant 0 : i32
      %dma_wait3A_1031 = tpu.memref_slice %arg4[%add3A_144, %dma_wait3A_1030] : memref<256x400xi32, #tpu.memory_space<hbm>> -> memref<1x400xi32, #tpu.memory_space<hbm>>
      %dma_wait3A_1032 = tpu.memref_squeeze %dma_wait3A_1031 : memref<1x400xi32, #tpu.memory_space<hbm>> -> memref<400xi32, #tpu.memory_space<hbm>>
      %dma_wait3A_1033 = arith.constant 0 : i32
      %dma_wait3A_1034 = tpu.memref_slice %arg4[%add3A_144, %dma_wait3A_1033] : memref<256x400xi32, #tpu.memory_space<hbm>> -> memref<1x400xi32, #tpu.memory_space<hbm>>
      %dma_wait3A_1035 = tpu.memref_squeeze %dma_wait3A_1034 : memref<1x400xi32, #tpu.memory_space<hbm>> -> memref<400xi32, #tpu.memory_space<hbm>>
      tpu.wait_dma2 semaphore(%run_scoped3A : memref<!tpu.dma_semaphore, #tpu.memory_space<semaphore_mem>>) src(%dma_wait3A_1035 : memref<400xi32, #tpu.memory_space<hbm>>) dst(%arg8 : memref<400xi32, #tpu.memory_space<vmem>>)
      tpu.yield
    }) : () -> ()
    %dma_start3A_160 = arith.constant 0 : i32
    %dma_start3A_161 = arith.constant 0 : i32
    %dma_start3A_162 = tpu.memref_slice %arg2[%dma_start3A_160, %dma_start3A_161] : memref<10000x128xf32, #tpu.memory_space<hbm>> -> memref<10000x128xf32, #tpu.memory_space<hbm>>
    tpu.enqueue_indirect_dma source(%dma_start3A_162 : memref<10000x128xf32, #tpu.memory_space<hbm>>) target(%arg10 : memref<400x128xf32, #tpu.memory_space<vmem>>) offsets(%arg8 : memref<400xi32, #tpu.memory_space<vmem>>) semaphore(%arg11 : memref<!tpu.dma_semaphore, #tpu.memory_space<semaphore_mem>>)
    %dma_wait3A_163 = arith.constant 0 : i32
    %dma_wait3A_164 = arith.constant 0 : i32
    %dma_wait3A_165 = tpu.memref_slice %arg2[%dma_wait3A_163, %dma_wait3A_164] : memref<10000x128xf32, #tpu.memory_space<hbm>> -> memref<10000x128xf32, #tpu.memory_space<hbm>>
    tpu.wait_indirect_dma semaphore(%arg11 : memref<!tpu.dma_semaphore, #tpu.memory_space<semaphore_mem>>) src(%dma_wait3A_165 : memref<10000x128xf32, #tpu.memory_space<hbm>>) dst(%arg10 : memref<400x128xf32, #tpu.memory_space<vmem>>)
    %add3A_166 = arith.constant 160 : i32
    %add3A_167 = arith.addi %add3A, %add3A_166 : i32
    %dma_start3A_168 = arith.constant 0 : i32
    %dma_start3A_169 = arith.constant 0 : i32
    %dma_start3A_170 = arith.constant 0 : i32
    %dma_start3A_171 = tpu.memref_slice %arg6[%dma_start3A_168, %add3A_167, %dma_start3A_169, %dma_start3A_170] : memref<2x250x400x128xf32, #tpu.memory_space<hbm>> -> memref<1x1x400x128xf32, #tpu.memory_space<hbm>>
    %dma_start3A_172 = tpu.memref_squeeze %dma_start3A_171 : memref<1x1x400x128xf32, #tpu.memory_space<hbm>> -> memref<400x128xf32, #tpu.memory_space<hbm>>
    %dma_start3A_173 = arith.constant 0 : i32
    %dma_start3A_174 = arith.constant 0 : i32
    %dma_start3A_175 = tpu.memref_slice %arg6[%dma_start3A_168, %add3A_167, %dma_start3A_173, %dma_start3A_174] : memref<2x250x400x128xf32, #tpu.memory_space<hbm>> -> memref<1x1x400x128xf32, #tpu.memory_space<hbm>>
    %dma_start3A_176 = tpu.memref_squeeze %dma_start3A_175 : memref<1x1x400x128xf32, #tpu.memory_space<hbm>> -> memref<400x128xf32, #tpu.memory_space<hbm>>
    tpu.enqueue_dma source(%arg10 : memref<400x128xf32, #tpu.memory_space<vmem>>) target(%dma_start3A_176 : memref<400x128xf32, #tpu.memory_space<hbm>>) target_semaphore(%arg13 : memref<!tpu.dma_semaphore, #tpu.memory_space<semaphore_mem>>)
    %add3A_177 = arith.constant 192 : i32
    %add3A_178 = arith.addi %add3A, %add3A_177 : i32
    %add3A_179 = arith.constant 128 : i32
    %add3A_180 = arith.addi %add3A, %add3A_179 : i32
    %add3A_181 = arith.constant 128 : i32
    %add3A_182 = arith.addi %add3A, %add3A_181 : i32
    %dma_wait3A_183 = arith.constant 0 : i32
    %dma_wait3A_184 = arith.constant 0 : i32
    %dma_wait3A_185 = arith.constant 0 : i32
    %dma_wait3A_186 = tpu.memref_slice %arg6[%dma_wait3A_183, %add3A_180, %dma_wait3A_184, %dma_wait3A_185] : memref<2x250x400x128xf32, #tpu.memory_space<hbm>> -> memref<1x1x400x128xf32, #tpu.memory_space<hbm>>
    %dma_wait3A_187 = tpu.memref_squeeze %dma_wait3A_186 : memref<1x1x400x128xf32, #tpu.memory_space<hbm>> -> memref<400x128xf32, #tpu.memory_space<hbm>>
    %dma_wait3A_188 = arith.constant 0 : i32
    %dma_wait3A_189 = arith.constant 0 : i32
    %dma_wait3A_190 = tpu.memref_slice %arg6[%dma_wait3A_183, %add3A_180, %dma_wait3A_188, %dma_wait3A_189] : memref<2x250x400x128xf32, #tpu.memory_space<hbm>> -> memref<1x1x400x128xf32, #tpu.memory_space<hbm>>
    %dma_wait3A_191 = tpu.memref_squeeze %dma_wait3A_190 : memref<1x1x400x128xf32, #tpu.memory_space<hbm>> -> memref<400x128xf32, #tpu.memory_space<hbm>>
    tpu.wait_dma2 semaphore(%arg12 : memref<!tpu.dma_semaphore, #tpu.memory_space<semaphore_mem>>) src(%arg9 : memref<400x128xf32, #tpu.memory_space<vmem>>) dst(%dma_wait3A_191 : memref<400x128xf32, #tpu.memory_space<hbm>>)
    %add3A_192 = arith.constant 192 : i32
    %add3A_193 = arith.addi %add3A, %add3A_192 : i32
    "tpu.region"() ({
      %run_scoped3A = tpu.sem_alloc : memref<!tpu.dma_semaphore, #tpu.memory_space<semaphore_mem>>
      %dma_start3A_1024 = arith.constant 0 : i32
      %dma_start3A_1025 = tpu.memref_slice %arg4[%add3A_178, %dma_start3A_1024] : memref<256x400xi32, #tpu.memory_space<hbm>> -> memref<1x400xi32, #tpu.memory_space<hbm>>
      %dma_start3A_1026 = tpu.memref_squeeze %dma_start3A_1025 : memref<1x400xi32, #tpu.memory_space<hbm>> -> memref<400xi32, #tpu.memory_space<hbm>>
      %dma_start3A_1027 = arith.constant 0 : i32
      %dma_start3A_1028 = tpu.memref_slice %arg4[%add3A_178, %dma_start3A_1027] : memref<256x400xi32, #tpu.memory_space<hbm>> -> memref<1x400xi32, #tpu.memory_space<hbm>>
      %dma_start3A_1029 = tpu.memref_squeeze %dma_start3A_1028 : memref<1x400xi32, #tpu.memory_space<hbm>> -> memref<400xi32, #tpu.memory_space<hbm>>
      tpu.enqueue_dma source(%dma_start3A_1029 : memref<400xi32, #tpu.memory_space<hbm>>) target(%arg8 : memref<400xi32, #tpu.memory_space<vmem>>) target_semaphore(%run_scoped3A : memref<!tpu.dma_semaphore, #tpu.memory_space<semaphore_mem>>)
      %dma_wait3A_1030 = arith.constant 0 : i32
      %dma_wait3A_1031 = tpu.memref_slice %arg4[%add3A_178, %dma_wait3A_1030] : memref<256x400xi32, #tpu.memory_space<hbm>> -> memref<1x400xi32, #tpu.memory_space<hbm>>
      %dma_wait3A_1032 = tpu.memref_squeeze %dma_wait3A_1031 : memref<1x400xi32, #tpu.memory_space<hbm>> -> memref<400xi32, #tpu.memory_space<hbm>>
      %dma_wait3A_1033 = arith.constant 0 : i32
      %dma_wait3A_1034 = tpu.memref_slice %arg4[%add3A_178, %dma_wait3A_1033] : memref<256x400xi32, #tpu.memory_space<hbm>> -> memref<1x400xi32, #tpu.memory_space<hbm>>
      %dma_wait3A_1035 = tpu.memref_squeeze %dma_wait3A_1034 : memref<1x400xi32, #tpu.memory_space<hbm>> -> memref<400xi32, #tpu.memory_space<hbm>>
      tpu.wait_dma2 semaphore(%run_scoped3A : memref<!tpu.dma_semaphore, #tpu.memory_space<semaphore_mem>>) src(%dma_wait3A_1035 : memref<400xi32, #tpu.memory_space<hbm>>) dst(%arg8 : memref<400xi32, #tpu.memory_space<vmem>>)
      tpu.yield
    }) : () -> ()
    %dma_start3A_194 = arith.constant 0 : i32
    %dma_start3A_195 = arith.constant 0 : i32
    %dma_start3A_196 = tpu.memref_slice %arg2[%dma_start3A_194, %dma_start3A_195] : memref<10000x128xf32, #tpu.memory_space<hbm>> -> memref<10000x128xf32, #tpu.memory_space<hbm>>
    tpu.enqueue_indirect_dma source(%dma_start3A_196 : memref<10000x128xf32, #tpu.memory_space<hbm>>) target(%arg9 : memref<400x128xf32, #tpu.memory_space<vmem>>) offsets(%arg8 : memref<400xi32, #tpu.memory_space<vmem>>) semaphore(%arg11 : memref<!tpu.dma_semaphore, #tpu.memory_space<semaphore_mem>>)
    %dma_wait3A_197 = arith.constant 0 : i32
    %dma_wait3A_198 = arith.constant 0 : i32
    %dma_wait3A_199 = tpu.memref_slice %arg2[%dma_wait3A_197, %dma_wait3A_198] : memref<10000x128xf32, #tpu.memory_space<hbm>> -> memref<10000x128xf32, #tpu.memory_space<hbm>>
    tpu.wait_indirect_dma semaphore(%arg11 : memref<!tpu.dma_semaphore, #tpu.memory_space<semaphore_mem>>) src(%dma_wait3A_199 : memref<10000x128xf32, #tpu.memory_space<hbm>>) dst(%arg9 : memref<400x128xf32, #tpu.memory_space<vmem>>)
    %add3A_200 = arith.constant 192 : i32
    %add3A_201 = arith.addi %add3A, %add3A_200 : i32
    %dma_start3A_202 = arith.constant 0 : i32
    %dma_start3A_203 = arith.constant 0 : i32
    %dma_start3A_204 = arith.constant 0 : i32
    %dma_start3A_205 = tpu.memref_slice %arg6[%dma_start3A_202, %add3A_201, %dma_start3A_203, %dma_start3A_204] : memref<2x250x400x128xf32, #tpu.memory_space<hbm>> -> memref<1x1x400x128xf32, #tpu.memory_space<hbm>>
    %dma_start3A_206 = tpu.memref_squeeze %dma_start3A_205 : memref<1x1x400x128xf32, #tpu.memory_space<hbm>> -> memref<400x128xf32, #tpu.memory_space<hbm>>
    %dma_start3A_207 = arith.constant 0 : i32
    %dma_start3A_208 = arith.constant 0 : i32
    %dma_start3A_209 = tpu.memref_slice %arg6[%dma_start3A_202, %add3A_201, %dma_start3A_207, %dma_start3A_208] : memref<2x250x400x128xf32, #tpu.memory_space<hbm>> -> memref<1x1x400x128xf32, #tpu.memory_space<hbm>>
    %dma_start3A_210 = tpu.memref_squeeze %dma_start3A_209 : memref<1x1x400x128xf32, #tpu.memory_space<hbm>> -> memref<400x128xf32, #tpu.memory_space<hbm>>
    tpu.enqueue_dma source(%arg9 : memref<400x128xf32, #tpu.memory_space<vmem>>) target(%dma_start3A_210 : memref<400x128xf32, #tpu.memory_space<hbm>>) target_semaphore(%arg12 : memref<!tpu.dma_semaphore, #tpu.memory_space<semaphore_mem>>)
    %add3A_211 = arith.constant 224 : i32
    %add3A_212 = arith.addi %add3A, %add3A_211 : i32
    %add3A_213 = arith.constant 160 : i32
    %add3A_214 = arith.addi %add3A, %add3A_213 : i32
    %add3A_215 = arith.constant 160 : i32
    %add3A_216 = arith.addi %add3A, %add3A_215 : i32
    %dma_wait3A_217 = arith.constant 0 : i32
    %dma_wait3A_218 = arith.constant 0 : i32
    %dma_wait3A_219 = arith.constant 0 : i32
    %dma_wait3A_220 = tpu.memref_slice %arg6[%dma_wait3A_217, %add3A_214, %dma_wait3A_218, %dma_wait3A_219] : memref<2x250x400x128xf32, #tpu.memory_space<hbm>> -> memref<1x1x400x128xf32, #tpu.memory_space<hbm>>
    %dma_wait3A_221 = tpu.memref_squeeze %dma_wait3A_220 : memref<1x1x400x128xf32, #tpu.memory_space<hbm>> -> memref<400x128xf32, #tpu.memory_space<hbm>>
    %dma_wait3A_222 = arith.constant 0 : i32
    %dma_wait3A_223 = arith.constant 0 : i32
    %dma_wait3A_224 = tpu.memref_slice %arg6[%dma_wait3A_217, %add3A_214, %dma_wait3A_222, %dma_wait3A_223] : memref<2x250x400x128xf32, #tpu.memory_space<hbm>> -> memref<1x1x400x128xf32, #tpu.memory_space<hbm>>
    %dma_wait3A_225 = tpu.memref_squeeze %dma_wait3A_224 : memref<1x1x400x128xf32, #tpu.memory_space<hbm>> -> memref<400x128xf32, #tpu.memory_space<hbm>>
    tpu.wait_dma2 semaphore(%arg13 : memref<!tpu.dma_semaphore, #tpu.memory_space<semaphore_mem>>) src(%arg10 : memref<400x128xf32, #tpu.memory_space<vmem>>) dst(%dma_wait3A_225 : memref<400x128xf32, #tpu.memory_space<hbm>>)
    %add3A_226 = arith.constant 224 : i32
    %add3A_227 = arith.addi %add3A, %add3A_226 : i32
    %lt3A = arith.constant 250 : i32
    %lt3A_228 = arith.cmpi slt, %add3A_227, %lt3A : i32
    %convert_element_type3A = arith.extui %lt3A_228 : i1 to i32
    %cond3A = arith.constant 0 : i32
    %cond3A_229 = arith.cmpi ne, %convert_element_type3A, %cond3A : i32
    scf.if %cond3A_229 {
      "tpu.region"() ({
        %run_scoped3A = tpu.sem_alloc : memref<!tpu.dma_semaphore, #tpu.memory_space<semaphore_mem>>
        %dma_start3A_1041 = arith.constant 0 : i32
        %dma_start3A_1042 = tpu.memref_slice %arg4[%add3A_212, %dma_start3A_1041] : memref<256x400xi32, #tpu.memory_space<hbm>> -> memref<1x400xi32, #tpu.memory_space<hbm>>
        %dma_start3A_1043 = tpu.memref_squeeze %dma_start3A_1042 : memref<1x400xi32, #tpu.memory_space<hbm>> -> memref<400xi32, #tpu.memory_space<hbm>>
        %dma_start3A_1044 = arith.constant 0 : i32
        %dma_start3A_1045 = tpu.memref_slice %arg4[%add3A_212, %dma_start3A_1044] : memref<256x400xi32, #tpu.memory_space<hbm>> -> memref<1x400xi32, #tpu.memory_space<hbm>>
        %dma_start3A_1046 = tpu.memref_squeeze %dma_start3A_1045 : memref<1x400xi32, #tpu.memory_space<hbm>> -> memref<400xi32, #tpu.memory_space<hbm>>
        tpu.enqueue_dma source(%dma_start3A_1046 : memref<400xi32, #tpu.memory_space<hbm>>) target(%arg8 : memref<400xi32, #tpu.memory_space<vmem>>) target_semaphore(%run_scoped3A : memref<!tpu.dma_semaphore, #tpu.memory_space<semaphore_mem>>)
        %dma_wait3A_1047 = arith.constant 0 : i32
        %dma_wait3A_1048 = tpu.memref_slice %arg4[%add3A_212, %dma_wait3A_1047] : memref<256x400xi32, #tpu.memory_space<hbm>> -> memref<1x400xi32, #tpu.memory_space<hbm>>
        %dma_wait3A_1049 = tpu.memref_squeeze %dma_wait3A_1048 : memref<1x400xi32, #tpu.memory_space<hbm>> -> memref<400xi32, #tpu.memory_space<hbm>>
        %dma_wait3A_1050 = arith.constant 0 : i32
        %dma_wait3A_1051 = tpu.memref_slice %arg4[%add3A_212, %dma_wait3A_1050] : memref<256x400xi32, #tpu.memory_space<hbm>> -> memref<1x400xi32, #tpu.memory_space<hbm>>
        %dma_wait3A_1052 = tpu.memref_squeeze %dma_wait3A_1051 : memref<1x400xi32, #tpu.memory_space<hbm>> -> memref<400xi32, #tpu.memory_space<hbm>>
        tpu.wait_dma2 semaphore(%run_scoped3A : memref<!tpu.dma_semaphore, #tpu.memory_space<semaphore_mem>>) src(%dma_wait3A_1052 : memref<400xi32, #tpu.memory_space<hbm>>) dst(%arg8 : memref<400xi32, #tpu.memory_space<vmem>>)
        tpu.yield
      }) : () -> ()
      %dma_start3A_1024 = arith.constant 0 : i32
      %dma_start3A_1025 = arith.constant 0 : i32
      %dma_start3A_1026 = tpu.memref_slice %arg2[%dma_start3A_1024, %dma_start3A_1025] : memref<10000x128xf32, #tpu.memory_space<hbm>> -> memref<10000x128xf32, #tpu.memory_space<hbm>>
      tpu.enqueue_indirect_dma source(%dma_start3A_1026 : memref<10000x128xf32, #tpu.memory_space<hbm>>) target(%arg10 : memref<400x128xf32, #tpu.memory_space<vmem>>) offsets(%arg8 : memref<400xi32, #tpu.memory_space<vmem>>) semaphore(%arg11 : memref<!tpu.dma_semaphore, #tpu.memory_space<semaphore_mem>>)
      %dma_wait3A_1027 = arith.constant 0 : i32
      %dma_wait3A_1028 = arith.constant 0 : i32
      %dma_wait3A_1029 = tpu.memref_slice %arg2[%dma_wait3A_1027, %dma_wait3A_1028] : memref<10000x128xf32, #tpu.memory_space<hbm>> -> memref<10000x128xf32, #tpu.memory_space<hbm>>
      tpu.wait_indirect_dma semaphore(%arg11 : memref<!tpu.dma_semaphore, #tpu.memory_space<semaphore_mem>>) src(%dma_wait3A_1029 : memref<10000x128xf32, #tpu.memory_space<hbm>>) dst(%arg10 : memref<400x128xf32, #tpu.memory_space<vmem>>)
      %add3A_1030 = arith.constant 224 : i32
      %add3A_1031 = arith.addi %add3A, %add3A_1030 : i32
      %dma_start3A_1032 = arith.constant 0 : i32
      %dma_start3A_1033 = arith.constant 0 : i32
      %dma_start3A_1034 = arith.constant 0 : i32
      %dma_start3A_1035 = tpu.memref_slice %arg6[%dma_start3A_1032, %add3A_1031, %dma_start3A_1033, %dma_start3A_1034] : memref<2x250x400x128xf32, #tpu.memory_space<hbm>> -> memref<1x1x400x128xf32, #tpu.memory_space<hbm>>
      %dma_start3A_1036 = tpu.memref_squeeze %dma_start3A_1035 : memref<1x1x400x128xf32, #tpu.memory_space<hbm>> -> memref<400x128xf32, #tpu.memory_space<hbm>>
      %dma_start3A_1037 = arith.constant 0 : i32
      %dma_start3A_1038 = arith.constant 0 : i32
      %dma_start3A_1039 = tpu.memref_slice %arg6[%dma_start3A_1032, %add3A_1031, %dma_start3A_1037, %dma_start3A_1038] : memref<2x250x400x128xf32, #tpu.memory_space<hbm>> -> memref<1x1x400x128xf32, #tpu.memory_space<hbm>>
      %dma_start3A_1040 = tpu.memref_squeeze %dma_start3A_1039 : memref<1x1x400x128xf32, #tpu.memory_space<hbm>> -> memref<400x128xf32, #tpu.memory_space<hbm>>
      tpu.enqueue_dma source(%arg10 : memref<400x128xf32, #tpu.memory_space<vmem>>) target(%dma_start3A_1040 : memref<400x128xf32, #tpu.memory_space<hbm>>) target_semaphore(%arg13 : memref<!tpu.dma_semaphore, #tpu.memory_space<semaphore_mem>>)
    } else {
    }
    %add3A_230 = arith.constant 0 : i32
    %add3A_231 = arith.addi %add3A, %add3A_230 : i32
    %add3A_232 = arith.constant 192 : i32
    %add3A_233 = arith.addi %add3A, %add3A_232 : i32
    %add3A_234 = arith.constant 192 : i32
    %add3A_235 = arith.addi %add3A, %add3A_234 : i32
    %dma_wait3A_236 = arith.constant 0 : i32
    %dma_wait3A_237 = arith.constant 0 : i32
    %dma_wait3A_238 = arith.constant 0 : i32
    %dma_wait3A_239 = tpu.memref_slice %arg6[%dma_wait3A_236, %add3A_233, %dma_wait3A_237, %dma_wait3A_238] : memref<2x250x400x128xf32, #tpu.memory_space<hbm>> -> memref<1x1x400x128xf32, #tpu.memory_space<hbm>>
    %dma_wait3A_240 = tpu.memref_squeeze %dma_wait3A_239 : memref<1x1x400x128xf32, #tpu.memory_space<hbm>> -> memref<400x128xf32, #tpu.memory_space<hbm>>
    %dma_wait3A_241 = arith.constant 0 : i32
    %dma_wait3A_242 = arith.constant 0 : i32
    %dma_wait3A_243 = tpu.memref_slice %arg6[%dma_wait3A_236, %add3A_233, %dma_wait3A_241, %dma_wait3A_242] : memref<2x250x400x128xf32, #tpu.memory_space<hbm>> -> memref<1x1x400x128xf32, #tpu.memory_space<hbm>>
    %dma_wait3A_244 = tpu.memref_squeeze %dma_wait3A_243 : memref<1x1x400x128xf32, #tpu.memory_space<hbm>> -> memref<400x128xf32, #tpu.memory_space<hbm>>
    tpu.wait_dma2 semaphore(%arg12 : memref<!tpu.dma_semaphore, #tpu.memory_space<semaphore_mem>>) src(%arg9 : memref<400x128xf32, #tpu.memory_space<vmem>>) dst(%dma_wait3A_244 : memref<400x128xf32, #tpu.memory_space<hbm>>)
    %add3A_245 = arith.constant 0 : i32
    %add3A_246 = arith.addi %add3A, %add3A_245 : i32
    "tpu.region"() ({
      %run_scoped3A = tpu.sem_alloc : memref<!tpu.dma_semaphore, #tpu.memory_space<semaphore_mem>>
      %dma_start3A_1024 = arith.constant 0 : i32
      %dma_start3A_1025 = tpu.memref_slice %arg5[%add3A_231, %dma_start3A_1024] : memref<256x400xi32, #tpu.memory_space<hbm>> -> memref<1x400xi32, #tpu.memory_space<hbm>>
      %dma_start3A_1026 = tpu.memref_squeeze %dma_start3A_1025 : memref<1x400xi32, #tpu.memory_space<hbm>> -> memref<400xi32, #tpu.memory_space<hbm>>
      %dma_start3A_1027 = arith.constant 0 : i32
      %dma_start3A_1028 = tpu.memref_slice %arg5[%add3A_231, %dma_start3A_1027] : memref<256x400xi32, #tpu.memory_space<hbm>> -> memref<1x400xi32, #tpu.memory_space<hbm>>
      %dma_start3A_1029 = tpu.memref_squeeze %dma_start3A_1028 : memref<1x400xi32, #tpu.memory_space<hbm>> -> memref<400xi32, #tpu.memory_space<hbm>>
      tpu.enqueue_dma source(%dma_start3A_1029 : memref<400xi32, #tpu.memory_space<hbm>>) target(%arg8 : memref<400xi32, #tpu.memory_space<vmem>>) target_semaphore(%run_scoped3A : memref<!tpu.dma_semaphore, #tpu.memory_space<semaphore_mem>>)
      %dma_wait3A_1030 = arith.constant 0 : i32
      %dma_wait3A_1031 = tpu.memref_slice %arg5[%add3A_231, %dma_wait3A_1030] : memref<256x400xi32, #tpu.memory_space<hbm>> -> memref<1x400xi32, #tpu.memory_space<hbm>>
      %dma_wait3A_1032 = tpu.memref_squeeze %dma_wait3A_1031 : memref<1x400xi32, #tpu.memory_space<hbm>> -> memref<400xi32, #tpu.memory_space<hbm>>
      %dma_wait3A_1033 = arith.constant 0 : i32
      %dma_wait3A_1034 = tpu.memref_slice %arg5[%add3A_231, %dma_wait3A_1033] : memref<256x400xi32, #tpu.memory_space<hbm>> -> memref<1x400xi32, #tpu.memory_space<hbm>>
      %dma_wait3A_1035 = tpu.memref_squeeze %dma_wait3A_1034 : memref<1x400xi32, #tpu.memory_space<hbm>> -> memref<400xi32, #tpu.memory_space<hbm>>
      tpu.wait_dma2 semaphore(%run_scoped3A : memref<!tpu.dma_semaphore, #tpu.memory_space<semaphore_mem>>) src(%dma_wait3A_1035 : memref<400xi32, #tpu.memory_space<hbm>>) dst(%arg8 : memref<400xi32, #tpu.memory_space<vmem>>)
      tpu.yield
    }) : () -> ()
    %dma_start3A_247 = arith.constant 0 : i32
    %dma_start3A_248 = arith.constant 0 : i32
    %dma_start3A_249 = tpu.memref_slice %arg2[%dma_start3A_247, %dma_start3A_248] : memref<10000x128xf32, #tpu.memory_space<hbm>> -> memref<10000x128xf32, #tpu.memory_space<hbm>>
    tpu.enqueue_indirect_dma source(%dma_start3A_249 : memref<10000x128xf32, #tpu.memory_space<hbm>>) target(%arg9 : memref<400x128xf32, #tpu.memory_space<vmem>>) offsets(%arg8 : memref<400xi32, #tpu.memory_space<vmem>>) semaphore(%arg11 : memref<!tpu.dma_semaphore, #tpu.memory_space<semaphore_mem>>)
    %dma_wait3A_250 = arith.constant 0 : i32
    %dma_wait3A_251 = arith.constant 0 : i32
    %dma_wait3A_252 = tpu.memref_slice %arg2[%dma_wait3A_250, %dma_wait3A_251] : memref<10000x128xf32, #tpu.memory_space<hbm>> -> memref<10000x128xf32, #tpu.memory_space<hbm>>
    tpu.wait_indirect_dma semaphore(%arg11 : memref<!tpu.dma_semaphore, #tpu.memory_space<semaphore_mem>>) src(%dma_wait3A_252 : memref<10000x128xf32, #tpu.memory_space<hbm>>) dst(%arg9 : memref<400x128xf32, #tpu.memory_space<vmem>>)
    %add3A_253 = arith.constant 0 : i32
    %add3A_254 = arith.addi %add3A, %add3A_253 : i32
    %dma_start3A_255 = arith.constant 1 : i32
    %dma_start3A_256 = arith.constant 0 : i32
    %dma_start3A_257 = arith.constant 0 : i32
    %dma_start3A_258 = tpu.memref_slice %arg6[%dma_start3A_255, %add3A_254, %dma_start3A_256, %dma_start3A_257] : memref<2x250x400x128xf32, #tpu.memory_space<hbm>> -> memref<1x1x400x128xf32, #tpu.memory_space<hbm>>
    %dma_start3A_259 = tpu.memref_squeeze %dma_start3A_258 : memref<1x1x400x128xf32, #tpu.memory_space<hbm>> -> memref<400x128xf32, #tpu.memory_space<hbm>>
    %dma_start3A_260 = arith.constant 0 : i32
    %dma_start3A_261 = arith.constant 0 : i32
    %dma_start3A_262 = tpu.memref_slice %arg6[%dma_start3A_255, %add3A_254, %dma_start3A_260, %dma_start3A_261] : memref<2x250x400x128xf32, #tpu.memory_space<hbm>> -> memref<1x1x400x128xf32, #tpu.memory_space<hbm>>
    %dma_start3A_263 = tpu.memref_squeeze %dma_start3A_262 : memref<1x1x400x128xf32, #tpu.memory_space<hbm>> -> memref<400x128xf32, #tpu.memory_space<hbm>>
    tpu.enqueue_dma source(%arg9 : memref<400x128xf32, #tpu.memory_space<vmem>>) target(%dma_start3A_263 : memref<400x128xf32, #tpu.memory_space<hbm>>) target_semaphore(%arg12 : memref<!tpu.dma_semaphore, #tpu.memory_space<semaphore_mem>>)
    %add3A_264 = arith.constant 32 : i32
    %add3A_265 = arith.addi %add3A, %add3A_264 : i32
    %add3A_266 = arith.constant 224 : i32
    %add3A_267 = arith.addi %add3A, %add3A_266 : i32
    %add3A_268 = arith.constant 224 : i32
    %add3A_269 = arith.addi %add3A, %add3A_268 : i32
    %lt3A_270 = arith.constant 250 : i32
    %lt3A_271 = arith.cmpi slt, %add3A_269, %lt3A_270 : i32
    %convert_element_type3A_272 = arith.extui %lt3A_271 : i1 to i32
    %cond3A_273 = arith.constant 0 : i32
    %cond3A_274 = arith.constant 0 : i32
    %cond3A_275 = arith.cmpi ne, %convert_element_type3A_272, %cond3A_274 : i32
    scf.if %cond3A_275 {
      %dma_wait3A_1024 = arith.constant 0 : i32
      %dma_wait3A_1025 = arith.constant 0 : i32
      %dma_wait3A_1026 = tpu.memref_slice %arg6[%cond3A_273, %add3A_267, %dma_wait3A_1024, %dma_wait3A_1025] : memref<2x250x400x128xf32, #tpu.memory_space<hbm>> -> memref<1x1x400x128xf32, #tpu.memory_space<hbm>>
      %dma_wait3A_1027 = tpu.memref_squeeze %dma_wait3A_1026 : memref<1x1x400x128xf32, #tpu.memory_space<hbm>> -> memref<400x128xf32, #tpu.memory_space<hbm>>
      %dma_wait3A_1028 = arith.constant 0 : i32
      %dma_wait3A_1029 = arith.constant 0 : i32
      %dma_wait3A_1030 = tpu.memref_slice %arg6[%cond3A_273, %add3A_267, %dma_wait3A_1028, %dma_wait3A_1029] : memref<2x250x400x128xf32, #tpu.memory_space<hbm>> -> memref<1x1x400x128xf32, #tpu.memory_space<hbm>>
      %dma_wait3A_1031 = tpu.memref_squeeze %dma_wait3A_1030 : memref<1x1x400x128xf32, #tpu.memory_space<hbm>> -> memref<400x128xf32, #tpu.memory_space<hbm>>
      tpu.wait_dma2 semaphore(%arg13 : memref<!tpu.dma_semaphore, #tpu.memory_space<semaphore_mem>>) src(%arg10 : memref<400x128xf32, #tpu.memory_space<vmem>>) dst(%dma_wait3A_1031 : memref<400x128xf32, #tpu.memory_space<hbm>>)
    } else {
    }
    %add3A_276 = arith.constant 32 : i32
    %add3A_277 = arith.addi %add3A, %add3A_276 : i32
    "tpu.region"() ({
      %run_scoped3A = tpu.sem_alloc : memref<!tpu.dma_semaphore, #tpu.memory_space<semaphore_mem>>
      %dma_start3A_1024 = arith.constant 0 : i32
      %dma_start3A_1025 = tpu.memref_slice %arg5[%add3A_265, %dma_start3A_1024] : memref<256x400xi32, #tpu.memory_space<hbm>> -> memref<1x400xi32, #tpu.memory_space<hbm>>
      %dma_start3A_1026 = tpu.memref_squeeze %dma_start3A_1025 : memref<1x400xi32, #tpu.memory_space<hbm>> -> memref<400xi32, #tpu.memory_space<hbm>>
      %dma_start3A_1027 = arith.constant 0 : i32
      %dma_start3A_1028 = tpu.memref_slice %arg5[%add3A_265, %dma_start3A_1027] : memref<256x400xi32, #tpu.memory_space<hbm>> -> memref<1x400xi32, #tpu.memory_space<hbm>>
      %dma_start3A_1029 = tpu.memref_squeeze %dma_start3A_1028 : memref<1x400xi32, #tpu.memory_space<hbm>> -> memref<400xi32, #tpu.memory_space<hbm>>
      tpu.enqueue_dma source(%dma_start3A_1029 : memref<400xi32, #tpu.memory_space<hbm>>) target(%arg8 : memref<400xi32, #tpu.memory_space<vmem>>) target_semaphore(%run_scoped3A : memref<!tpu.dma_semaphore, #tpu.memory_space<semaphore_mem>>)
      %dma_wait3A_1030 = arith.constant 0 : i32
      %dma_wait3A_1031 = tpu.memref_slice %arg5[%add3A_265, %dma_wait3A_1030] : memref<256x400xi32, #tpu.memory_space<hbm>> -> memref<1x400xi32, #tpu.memory_space<hbm>>
      %dma_wait3A_1032 = tpu.memref_squeeze %dma_wait3A_1031 : memref<1x400xi32, #tpu.memory_space<hbm>> -> memref<400xi32, #tpu.memory_space<hbm>>
      %dma_wait3A_1033 = arith.constant 0 : i32
      %dma_wait3A_1034 = tpu.memref_slice %arg5[%add3A_265, %dma_wait3A_1033] : memref<256x400xi32, #tpu.memory_space<hbm>> -> memref<1x400xi32, #tpu.memory_space<hbm>>
      %dma_wait3A_1035 = tpu.memref_squeeze %dma_wait3A_1034 : memref<1x400xi32, #tpu.memory_space<hbm>> -> memref<400xi32, #tpu.memory_space<hbm>>
      tpu.wait_dma2 semaphore(%run_scoped3A : memref<!tpu.dma_semaphore, #tpu.memory_space<semaphore_mem>>) src(%dma_wait3A_1035 : memref<400xi32, #tpu.memory_space<hbm>>) dst(%arg8 : memref<400xi32, #tpu.memory_space<vmem>>)
      tpu.yield
    }) : () -> ()
    %dma_start3A_278 = arith.constant 0 : i32
    %dma_start3A_279 = arith.constant 0 : i32
    %dma_start3A_280 = tpu.memref_slice %arg2[%dma_start3A_278, %dma_start3A_279] : memref<10000x128xf32, #tpu.memory_space<hbm>> -> memref<10000x128xf32, #tpu.memory_space<hbm>>
    tpu.enqueue_indirect_dma source(%dma_start3A_280 : memref<10000x128xf32, #tpu.memory_space<hbm>>) target(%arg10 : memref<400x128xf32, #tpu.memory_space<vmem>>) offsets(%arg8 : memref<400xi32, #tpu.memory_space<vmem>>) semaphore(%arg11 : memref<!tpu.dma_semaphore, #tpu.memory_space<semaphore_mem>>)
    %dma_wait3A_281 = arith.constant 0 : i32
    %dma_wait3A_282 = arith.constant 0 : i32
    %dma_wait3A_283 = tpu.memref_slice %arg2[%dma_wait3A_281, %dma_wait3A_282] : memref<10000x128xf32, #tpu.memory_space<hbm>> -> memref<10000x128xf32, #tpu.memory_space<hbm>>
    tpu.wait_indirect_dma semaphore(%arg11 : memref<!tpu.dma_semaphore, #tpu.memory_space<semaphore_mem>>) src(%dma_wait3A_283 : memref<10000x128xf32, #tpu.memory_space<hbm>>) dst(%arg10 : memref<400x128xf32, #tpu.memory_space<vmem>>)
    %add3A_284 = arith.constant 32 : i32
    %add3A_285 = arith.addi %add3A, %add3A_284 : i32
    %dma_start3A_286 = arith.constant 1 : i32
    %dma_start3A_287 = arith.constant 0 : i32
    %dma_start3A_288 = arith.constant 0 : i32
    %dma_start3A_289 = tpu.memref_slice %arg6[%dma_start3A_286, %add3A_285, %dma_start3A_287, %dma_start3A_288] : memref<2x250x400x128xf32, #tpu.memory_space<hbm>> -> memref<1x1x400x128xf32, #tpu.memory_space<hbm>>
    %dma_start3A_290 = tpu.memref_squeeze %dma_start3A_289 : memref<1x1x400x128xf32, #tpu.memory_space<hbm>> -> memref<400x128xf32, #tpu.memory_space<hbm>>
    %dma_start3A_291 = arith.constant 0 : i32
    %dma_start3A_292 = arith.constant 0 : i32
    %dma_start3A_293 = tpu.memref_slice %arg6[%dma_start3A_286, %add3A_285, %dma_start3A_291, %dma_start3A_292] : memref<2x250x400x128xf32, #tpu.memory_space<hbm>> -> memref<1x1x400x128xf32, #tpu.memory_space<hbm>>
    %dma_start3A_294 = tpu.memref_squeeze %dma_start3A_293 : memref<1x1x400x128xf32, #tpu.memory_space<hbm>> -> memref<400x128xf32, #tpu.memory_space<hbm>>
    tpu.enqueue_dma source(%arg10 : memref<400x128xf32, #tpu.memory_space<vmem>>) target(%dma_start3A_294 : memref<400x128xf32, #tpu.memory_space<hbm>>) target_semaphore(%arg13 : memref<!tpu.dma_semaphore, #tpu.memory_space<semaphore_mem>>)
    %add3A_295 = arith.constant 64 : i32
    %add3A_296 = arith.addi %add3A, %add3A_295 : i32
    %add3A_297 = arith.constant 0 : i32
    %add3A_298 = arith.addi %add3A, %add3A_297 : i32
    %add3A_299 = arith.constant 0 : i32
    %add3A_300 = arith.addi %add3A, %add3A_299 : i32
    %dma_wait3A_301 = arith.constant 1 : i32
    %dma_wait3A_302 = arith.constant 0 : i32
    %dma_wait3A_303 = arith.constant 0 : i32
    %dma_wait3A_304 = tpu.memref_slice %arg6[%dma_wait3A_301, %add3A_298, %dma_wait3A_302, %dma_wait3A_303] : memref<2x250x400x128xf32, #tpu.memory_space<hbm>> -> memref<1x1x400x128xf32, #tpu.memory_space<hbm>>
    %dma_wait3A_305 = tpu.memref_squeeze %dma_wait3A_304 : memref<1x1x400x128xf32, #tpu.memory_space<hbm>> -> memref<400x128xf32, #tpu.memory_space<hbm>>
    %dma_wait3A_306 = arith.constant 0 : i32
    %dma_wait3A_307 = arith.constant 0 : i32
    %dma_wait3A_308 = tpu.memref_slice %arg6[%dma_wait3A_301, %add3A_298, %dma_wait3A_306, %dma_wait3A_307] : memref<2x250x400x128xf32, #tpu.memory_space<hbm>> -> memref<1x1x400x128xf32, #tpu.memory_space<hbm>>
    %dma_wait3A_309 = tpu.memref_squeeze %dma_wait3A_308 : memref<1x1x400x128xf32, #tpu.memory_space<hbm>> -> memref<400x128xf32, #tpu.memory_space<hbm>>
    tpu.wait_dma2 semaphore(%arg12 : memref<!tpu.dma_semaphore, #tpu.memory_space<semaphore_mem>>) src(%arg9 : memref<400x128xf32, #tpu.memory_space<vmem>>) dst(%dma_wait3A_309 : memref<400x128xf32, #tpu.memory_space<hbm>>)
    %add3A_310 = arith.constant 64 : i32
    %add3A_311 = arith.addi %add3A, %add3A_310 : i32
    "tpu.region"() ({
      %run_scoped3A = tpu.sem_alloc : memref<!tpu.dma_semaphore, #tpu.memory_space<semaphore_mem>>
      %dma_start3A_1024 = arith.constant 0 : i32
      %dma_start3A_1025 = tpu.memref_slice %arg5[%add3A_296, %dma_start3A_1024] : memref<256x400xi32, #tpu.memory_space<hbm>> -> memref<1x400xi32, #tpu.memory_space<hbm>>
      %dma_start3A_1026 = tpu.memref_squeeze %dma_start3A_1025 : memref<1x400xi32, #tpu.memory_space<hbm>> -> memref<400xi32, #tpu.memory_space<hbm>>
      %dma_start3A_1027 = arith.constant 0 : i32
      %dma_start3A_1028 = tpu.memref_slice %arg5[%add3A_296, %dma_start3A_1027] : memref<256x400xi32, #tpu.memory_space<hbm>> -> memref<1x400xi32, #tpu.memory_space<hbm>>
      %dma_start3A_1029 = tpu.memref_squeeze %dma_start3A_1028 : memref<1x400xi32, #tpu.memory_space<hbm>> -> memref<400xi32, #tpu.memory_space<hbm>>
      tpu.enqueue_dma source(%dma_start3A_1029 : memref<400xi32, #tpu.memory_space<hbm>>) target(%arg8 : memref<400xi32, #tpu.memory_space<vmem>>) target_semaphore(%run_scoped3A : memref<!tpu.dma_semaphore, #tpu.memory_space<semaphore_mem>>)
      %dma_wait3A_1030 = arith.constant 0 : i32
      %dma_wait3A_1031 = tpu.memref_slice %arg5[%add3A_296, %dma_wait3A_1030] : memref<256x400xi32, #tpu.memory_space<hbm>> -> memref<1x400xi32, #tpu.memory_space<hbm>>
      %dma_wait3A_1032 = tpu.memref_squeeze %dma_wait3A_1031 : memref<1x400xi32, #tpu.memory_space<hbm>> -> memref<400xi32, #tpu.memory_space<hbm>>
      %dma_wait3A_1033 = arith.constant 0 : i32
      %dma_wait3A_1034 = tpu.memref_slice %arg5[%add3A_296, %dma_wait3A_1033] : memref<256x400xi32, #tpu.memory_space<hbm>> -> memref<1x400xi32, #tpu.memory_space<hbm>>
      %dma_wait3A_1035 = tpu.memref_squeeze %dma_wait3A_1034 : memref<1x400xi32, #tpu.memory_space<hbm>> -> memref<400xi32, #tpu.memory_space<hbm>>
      tpu.wait_dma2 semaphore(%run_scoped3A : memref<!tpu.dma_semaphore, #tpu.memory_space<semaphore_mem>>) src(%dma_wait3A_1035 : memref<400xi32, #tpu.memory_space<hbm>>) dst(%arg8 : memref<400xi32, #tpu.memory_space<vmem>>)
      tpu.yield
    }) : () -> ()
    %dma_start3A_312 = arith.constant 0 : i32
    %dma_start3A_313 = arith.constant 0 : i32
    %dma_start3A_314 = tpu.memref_slice %arg2[%dma_start3A_312, %dma_start3A_313] : memref<10000x128xf32, #tpu.memory_space<hbm>> -> memref<10000x128xf32, #tpu.memory_space<hbm>>
    tpu.enqueue_indirect_dma source(%dma_start3A_314 : memref<10000x128xf32, #tpu.memory_space<hbm>>) target(%arg9 : memref<400x128xf32, #tpu.memory_space<vmem>>) offsets(%arg8 : memref<400xi32, #tpu.memory_space<vmem>>) semaphore(%arg11 : memref<!tpu.dma_semaphore, #tpu.memory_space<semaphore_mem>>)
    %dma_wait3A_315 = arith.constant 0 : i32
    %dma_wait3A_316 = arith.constant 0 : i32
    %dma_wait3A_317 = tpu.memref_slice %arg2[%dma_wait3A_315, %dma_wait3A_316] : memref<10000x128xf32, #tpu.memory_space<hbm>> -> memref<10000x128xf32, #tpu.memory_space<hbm>>
    tpu.wait_indirect_dma semaphore(%arg11 : memref<!tpu.dma_semaphore, #tpu.memory_space<semaphore_mem>>) src(%dma_wait3A_317 : memref<10000x128xf32, #tpu.memory_space<hbm>>) dst(%arg9 : memref<400x128xf32, #tpu.memory_space<vmem>>)
    %add3A_318 = arith.constant 64 : i32
    %add3A_319 = arith.addi %add3A, %add3A_318 : i32
    %dma_start3A_320 = arith.constant 1 : i32
    %dma_start3A_321 = arith.constant 0 : i32
    %dma_start3A_322 = arith.constant 0 : i32
    %dma_start3A_323 = tpu.memref_slice %arg6[%dma_start3A_320, %add3A_319, %dma_start3A_321, %dma_start3A_322] : memref<2x250x400x128xf32, #tpu.memory_space<hbm>> -> memref<1x1x400x128xf32, #tpu.memory_space<hbm>>
    %dma_start3A_324 = tpu.memref_squeeze %dma_start3A_323 : memref<1x1x400x128xf32, #tpu.memory_space<hbm>> -> memref<400x128xf32, #tpu.memory_space<hbm>>
    %dma_start3A_325 = arith.constant 0 : i32
    %dma_start3A_326 = arith.constant 0 : i32
    %dma_start3A_327 = tpu.memref_slice %arg6[%dma_start3A_320, %add3A_319, %dma_start3A_325, %dma_start3A_326] : memref<2x250x400x128xf32, #tpu.memory_space<hbm>> -> memref<1x1x400x128xf32, #tpu.memory_space<hbm>>
    %dma_start3A_328 = tpu.memref_squeeze %dma_start3A_327 : memref<1x1x400x128xf32, #tpu.memory_space<hbm>> -> memref<400x128xf32, #tpu.memory_space<hbm>>
    tpu.enqueue_dma source(%arg9 : memref<400x128xf32, #tpu.memory_space<vmem>>) target(%dma_start3A_328 : memref<400x128xf32, #tpu.memory_space<hbm>>) target_semaphore(%arg12 : memref<!tpu.dma_semaphore, #tpu.memory_space<semaphore_mem>>)
    %add3A_329 = arith.constant 96 : i32
    %add3A_330 = arith.addi %add3A, %add3A_329 : i32
    %add3A_331 = arith.constant 32 : i32
    %add3A_332 = arith.addi %add3A, %add3A_331 : i32
    %add3A_333 = arith.constant 32 : i32
    %add3A_334 = arith.addi %add3A, %add3A_333 : i32
    %dma_wait3A_335 = arith.constant 1 : i32
    %dma_wait3A_336 = arith.constant 0 : i32
    %dma_wait3A_337 = arith.constant 0 : i32
    %dma_wait3A_338 = tpu.memref_slice %arg6[%dma_wait3A_335, %add3A_332, %dma_wait3A_336, %dma_wait3A_337] : memref<2x250x400x128xf32, #tpu.memory_space<hbm>> -> memref<1x1x400x128xf32, #tpu.memory_space<hbm>>
    %dma_wait3A_339 = tpu.memref_squeeze %dma_wait3A_338 : memref<1x1x400x128xf32, #tpu.memory_space<hbm>> -> memref<400x128xf32, #tpu.memory_space<hbm>>
    %dma_wait3A_340 = arith.constant 0 : i32
    %dma_wait3A_341 = arith.constant 0 : i32
    %dma_wait3A_342 = tpu.memref_slice %arg6[%dma_wait3A_335, %add3A_332, %dma_wait3A_340, %dma_wait3A_341] : memref<2x250x400x128xf32, #tpu.memory_space<hbm>> -> memref<1x1x400x128xf32, #tpu.memory_space<hbm>>
    %dma_wait3A_343 = tpu.memref_squeeze %dma_wait3A_342 : memref<1x1x400x128xf32, #tpu.memory_space<hbm>> -> memref<400x128xf32, #tpu.memory_space<hbm>>
    tpu.wait_dma2 semaphore(%arg13 : memref<!tpu.dma_semaphore, #tpu.memory_space<semaphore_mem>>) src(%arg10 : memref<400x128xf32, #tpu.memory_space<vmem>>) dst(%dma_wait3A_343 : memref<400x128xf32, #tpu.memory_space<hbm>>)
    %add3A_344 = arith.constant 96 : i32
    %add3A_345 = arith.addi %add3A, %add3A_344 : i32
    "tpu.region"() ({
      %run_scoped3A = tpu.sem_alloc : memref<!tpu.dma_semaphore, #tpu.memory_space<semaphore_mem>>
      %dma_start3A_1024 = arith.constant 0 : i32
      %dma_start3A_1025 = tpu.memref_slice %arg5[%add3A_330, %dma_start3A_1024] : memref<256x400xi32, #tpu.memory_space<hbm>> -> memref<1x400xi32, #tpu.memory_space<hbm>>
      %dma_start3A_1026 = tpu.memref_squeeze %dma_start3A_1025 : memref<1x400xi32, #tpu.memory_space<hbm>> -> memref<400xi32, #tpu.memory_space<hbm>>
      %dma_start3A_1027 = arith.constant 0 : i32
      %dma_start3A_1028 = tpu.memref_slice %arg5[%add3A_330, %dma_start3A_1027] : memref<256x400xi32, #tpu.memory_space<hbm>> -> memref<1x400xi32, #tpu.memory_space<hbm>>
      %dma_start3A_1029 = tpu.memref_squeeze %dma_start3A_1028 : memref<1x400xi32, #tpu.memory_space<hbm>> -> memref<400xi32, #tpu.memory_space<hbm>>
      tpu.enqueue_dma source(%dma_start3A_1029 : memref<400xi32, #tpu.memory_space<hbm>>) target(%arg8 : memref<400xi32, #tpu.memory_space<vmem>>) target_semaphore(%run_scoped3A : memref<!tpu.dma_semaphore, #tpu.memory_space<semaphore_mem>>)
      %dma_wait3A_1030 = arith.constant 0 : i32
      %dma_wait3A_1031 = tpu.memref_slice %arg5[%add3A_330, %dma_wait3A_1030] : memref<256x400xi32, #tpu.memory_space<hbm>> -> memref<1x400xi32, #tpu.memory_space<hbm>>
      %dma_wait3A_1032 = tpu.memref_squeeze %dma_wait3A_1031 : memref<1x400xi32, #tpu.memory_space<hbm>> -> memref<400xi32, #tpu.memory_space<hbm>>
      %dma_wait3A_1033 = arith.constant 0 : i32
      %dma_wait3A_1034 = tpu.memref_slice %arg5[%add3A_330, %dma_wait3A_1033] : memref<256x400xi32, #tpu.memory_space<hbm>> -> memref<1x400xi32, #tpu.memory_space<hbm>>
      %dma_wait3A_1035 = tpu.memref_squeeze %dma_wait3A_1034 : memref<1x400xi32, #tpu.memory_space<hbm>> -> memref<400xi32, #tpu.memory_space<hbm>>
      tpu.wait_dma2 semaphore(%run_scoped3A : memref<!tpu.dma_semaphore, #tpu.memory_space<semaphore_mem>>) src(%dma_wait3A_1035 : memref<400xi32, #tpu.memory_space<hbm>>) dst(%arg8 : memref<400xi32, #tpu.memory_space<vmem>>)
      tpu.yield
    }) : () -> ()
    %dma_start3A_346 = arith.constant 0 : i32
    %dma_start3A_347 = arith.constant 0 : i32
    %dma_start3A_348 = tpu.memref_slice %arg2[%dma_start3A_346, %dma_start3A_347] : memref<10000x128xf32, #tpu.memory_space<hbm>> -> memref<10000x128xf32, #tpu.memory_space<hbm>>
    tpu.enqueue_indirect_dma source(%dma_start3A_348 : memref<10000x128xf32, #tpu.memory_space<hbm>>) target(%arg10 : memref<400x128xf32, #tpu.memory_space<vmem>>) offsets(%arg8 : memref<400xi32, #tpu.memory_space<vmem>>) semaphore(%arg11 : memref<!tpu.dma_semaphore, #tpu.memory_space<semaphore_mem>>)
    %dma_wait3A_349 = arith.constant 0 : i32
    %dma_wait3A_350 = arith.constant 0 : i32
    %dma_wait3A_351 = tpu.memref_slice %arg2[%dma_wait3A_349, %dma_wait3A_350] : memref<10000x128xf32, #tpu.memory_space<hbm>> -> memref<10000x128xf32, #tpu.memory_space<hbm>>
    tpu.wait_indirect_dma semaphore(%arg11 : memref<!tpu.dma_semaphore, #tpu.memory_space<semaphore_mem>>) src(%dma_wait3A_351 : memref<10000x128xf32, #tpu.memory_space<hbm>>) dst(%arg10 : memref<400x128xf32, #tpu.memory_space<vmem>>)
    %add3A_352 = arith.constant 96 : i32
    %add3A_353 = arith.addi %add3A, %add3A_352 : i32
    %dma_start3A_354 = arith.constant 1 : i32
    %dma_start3A_355 = arith.constant 0 : i32
    %dma_start3A_356 = arith.constant 0 : i32
    %dma_start3A_357 = tpu.memref_slice %arg6[%dma_start3A_354, %add3A_353, %dma_start3A_355, %dma_start3A_356] : memref<2x250x400x128xf32, #tpu.memory_space<hbm>> -> memref<1x1x400x128xf32, #tpu.memory_space<hbm>>
    %dma_start3A_358 = tpu.memref_squeeze %dma_start3A_357 : memref<1x1x400x128xf32, #tpu.memory_space<hbm>> -> memref<400x128xf32, #tpu.memory_space<hbm>>
    %dma_start3A_359 = arith.constant 0 : i32
    %dma_start3A_360 = arith.constant 0 : i32
    %dma_start3A_361 = tpu.memref_slice %arg6[%dma_start3A_354, %add3A_353, %dma_start3A_359, %dma_start3A_360] : memref<2x250x400x128xf32, #tpu.memory_space<hbm>> -> memref<1x1x400x128xf32, #tpu.memory_space<hbm>>
    %dma_start3A_362 = tpu.memref_squeeze %dma_start3A_361 : memref<1x1x400x128xf32, #tpu.memory_space<hbm>> -> memref<400x128xf32, #tpu.memory_space<hbm>>
    tpu.enqueue_dma source(%arg10 : memref<400x128xf32, #tpu.memory_space<vmem>>) target(%dma_start3A_362 : memref<400x128xf32, #tpu.memory_space<hbm>>) target_semaphore(%arg13 : memref<!tpu.dma_semaphore, #tpu.memory_space<semaphore_mem>>)
    %add3A_363 = arith.constant 128 : i32
    %add3A_364 = arith.addi %add3A, %add3A_363 : i32
    %add3A_365 = arith.constant 64 : i32
    %add3A_366 = arith.addi %add3A, %add3A_365 : i32
    %add3A_367 = arith.constant 64 : i32
    %add3A_368 = arith.addi %add3A, %add3A_367 : i32
    %dma_wait3A_369 = arith.constant 1 : i32
    %dma_wait3A_370 = arith.constant 0 : i32
    %dma_wait3A_371 = arith.constant 0 : i32
    %dma_wait3A_372 = tpu.memref_slice %arg6[%dma_wait3A_369, %add3A_366, %dma_wait3A_370, %dma_wait3A_371] : memref<2x250x400x128xf32, #tpu.memory_space<hbm>> -> memref<1x1x400x128xf32, #tpu.memory_space<hbm>>
    %dma_wait3A_373 = tpu.memref_squeeze %dma_wait3A_372 : memref<1x1x400x128xf32, #tpu.memory_space<hbm>> -> memref<400x128xf32, #tpu.memory_space<hbm>>
    %dma_wait3A_374 = arith.constant 0 : i32
    %dma_wait3A_375 = arith.constant 0 : i32
    %dma_wait3A_376 = tpu.memref_slice %arg6[%dma_wait3A_369, %add3A_366, %dma_wait3A_374, %dma_wait3A_375] : memref<2x250x400x128xf32, #tpu.memory_space<hbm>> -> memref<1x1x400x128xf32, #tpu.memory_space<hbm>>
    %dma_wait3A_377 = tpu.memref_squeeze %dma_wait3A_376 : memref<1x1x400x128xf32, #tpu.memory_space<hbm>> -> memref<400x128xf32, #tpu.memory_space<hbm>>
    tpu.wait_dma2 semaphore(%arg12 : memref<!tpu.dma_semaphore, #tpu.memory_space<semaphore_mem>>) src(%arg9 : memref<400x128xf32, #tpu.memory_space<vmem>>) dst(%dma_wait3A_377 : memref<400x128xf32, #tpu.memory_space<hbm>>)
    %add3A_378 = arith.constant 128 : i32
    %add3A_379 = arith.addi %add3A, %add3A_378 : i32
    "tpu.region"() ({
      %run_scoped3A = tpu.sem_alloc : memref<!tpu.dma_semaphore, #tpu.memory_space<semaphore_mem>>
      %dma_start3A_1024 = arith.constant 0 : i32
      %dma_start3A_1025 = tpu.memref_slice %arg5[%add3A_364, %dma_start3A_1024] : memref<256x400xi32, #tpu.memory_space<hbm>> -> memref<1x400xi32, #tpu.memory_space<hbm>>
      %dma_start3A_1026 = tpu.memref_squeeze %dma_start3A_1025 : memref<1x400xi32, #tpu.memory_space<hbm>> -> memref<400xi32, #tpu.memory_space<hbm>>
      %dma_start3A_1027 = arith.constant 0 : i32
      %dma_start3A_1028 = tpu.memref_slice %arg5[%add3A_364, %dma_start3A_1027] : memref<256x400xi32, #tpu.memory_space<hbm>> -> memref<1x400xi32, #tpu.memory_space<hbm>>
      %dma_start3A_1029 = tpu.memref_squeeze %dma_start3A_1028 : memref<1x400xi32, #tpu.memory_space<hbm>> -> memref<400xi32, #tpu.memory_space<hbm>>
      tpu.enqueue_dma source(%dma_start3A_1029 : memref<400xi32, #tpu.memory_space<hbm>>) target(%arg8 : memref<400xi32, #tpu.memory_space<vmem>>) target_semaphore(%run_scoped3A : memref<!tpu.dma_semaphore, #tpu.memory_space<semaphore_mem>>)
      %dma_wait3A_1030 = arith.constant 0 : i32
      %dma_wait3A_1031 = tpu.memref_slice %arg5[%add3A_364, %dma_wait3A_1030] : memref<256x400xi32, #tpu.memory_space<hbm>> -> memref<1x400xi32, #tpu.memory_space<hbm>>
      %dma_wait3A_1032 = tpu.memref_squeeze %dma_wait3A_1031 : memref<1x400xi32, #tpu.memory_space<hbm>> -> memref<400xi32, #tpu.memory_space<hbm>>
      %dma_wait3A_1033 = arith.constant 0 : i32
      %dma_wait3A_1034 = tpu.memref_slice %arg5[%add3A_364, %dma_wait3A_1033] : memref<256x400xi32, #tpu.memory_space<hbm>> -> memref<1x400xi32, #tpu.memory_space<hbm>>
      %dma_wait3A_1035 = tpu.memref_squeeze %dma_wait3A_1034 : memref<1x400xi32, #tpu.memory_space<hbm>> -> memref<400xi32, #tpu.memory_space<hbm>>
      tpu.wait_dma2 semaphore(%run_scoped3A : memref<!tpu.dma_semaphore, #tpu.memory_space<semaphore_mem>>) src(%dma_wait3A_1035 : memref<400xi32, #tpu.memory_space<hbm>>) dst(%arg8 : memref<400xi32, #tpu.memory_space<vmem>>)
      tpu.yield
    }) : () -> ()
    %dma_start3A_380 = arith.constant 0 : i32
    %dma_start3A_381 = arith.constant 0 : i32
    %dma_start3A_382 = tpu.memref_slice %arg2[%dma_start3A_380, %dma_start3A_381] : memref<10000x128xf32, #tpu.memory_space<hbm>> -> memref<10000x128xf32, #tpu.memory_space<hbm>>
    tpu.enqueue_indirect_dma source(%dma_start3A_382 : memref<10000x128xf32, #tpu.memory_space<hbm>>) target(%arg9 : memref<400x128xf32, #tpu.memory_space<vmem>>) offsets(%arg8 : memref<400xi32, #tpu.memory_space<vmem>>) semaphore(%arg11 : memref<!tpu.dma_semaphore, #tpu.memory_space<semaphore_mem>>)
    %dma_wait3A_383 = arith.constant 0 : i32
    %dma_wait3A_384 = arith.constant 0 : i32
    %dma_wait3A_385 = tpu.memref_slice %arg2[%dma_wait3A_383, %dma_wait3A_384] : memref<10000x128xf32, #tpu.memory_space<hbm>> -> memref<10000x128xf32, #tpu.memory_space<hbm>>
    tpu.wait_indirect_dma semaphore(%arg11 : memref<!tpu.dma_semaphore, #tpu.memory_space<semaphore_mem>>) src(%dma_wait3A_385 : memref<10000x128xf32, #tpu.memory_space<hbm>>) dst(%arg9 : memref<400x128xf32, #tpu.memory_space<vmem>>)
    %add3A_386 = arith.constant 128 : i32
    %add3A_387 = arith.addi %add3A, %add3A_386 : i32
    %dma_start3A_388 = arith.constant 1 : i32
    %dma_start3A_389 = arith.constant 0 : i32
    %dma_start3A_390 = arith.constant 0 : i32
    %dma_start3A_391 = tpu.memref_slice %arg6[%dma_start3A_388, %add3A_387, %dma_start3A_389, %dma_start3A_390] : memref<2x250x400x128xf32, #tpu.memory_space<hbm>> -> memref<1x1x400x128xf32, #tpu.memory_space<hbm>>
    %dma_start3A_392 = tpu.memref_squeeze %dma_start3A_391 : memref<1x1x400x128xf32, #tpu.memory_space<hbm>> -> memref<400x128xf32, #tpu.memory_space<hbm>>
    %dma_start3A_393 = arith.constant 0 : i32
    %dma_start3A_394 = arith.constant 0 : i32
    %dma_start3A_395 = tpu.memref_slice %arg6[%dma_start3A_388, %add3A_387, %dma_start3A_393, %dma_start3A_394] : memref<2x250x400x128xf32, #tpu.memory_space<hbm>> -> memref<1x1x400x128xf32, #tpu.memory_space<hbm>>
    %dma_start3A_396 = tpu.memref_squeeze %dma_start3A_395 : memref<1x1x400x128xf32, #tpu.memory_space<hbm>> -> memref<400x128xf32, #tpu.memory_space<hbm>>
    tpu.enqueue_dma source(%arg9 : memref<400x128xf32, #tpu.memory_space<vmem>>) target(%dma_start3A_396 : memref<400x128xf32, #tpu.memory_space<hbm>>) target_semaphore(%arg12 : memref<!tpu.dma_semaphore, #tpu.memory_space<semaphore_mem>>)
    %add3A_397 = arith.constant 160 : i32
    %add3A_398 = arith.addi %add3A, %add3A_397 : i32
    %add3A_399 = arith.constant 96 : i32
    %add3A_400 = arith.addi %add3A, %add3A_399 : i32
    %add3A_401 = arith.constant 96 : i32
    %add3A_402 = arith.addi %add3A, %add3A_401 : i32
    %dma_wait3A_403 = arith.constant 1 : i32
    %dma_wait3A_404 = arith.constant 0 : i32
    %dma_wait3A_405 = arith.constant 0 : i32
    %dma_wait3A_406 = tpu.memref_slice %arg6[%dma_wait3A_403, %add3A_400, %dma_wait3A_404, %dma_wait3A_405] : memref<2x250x400x128xf32, #tpu.memory_space<hbm>> -> memref<1x1x400x128xf32, #tpu.memory_space<hbm>>
    %dma_wait3A_407 = tpu.memref_squeeze %dma_wait3A_406 : memref<1x1x400x128xf32, #tpu.memory_space<hbm>> -> memref<400x128xf32, #tpu.memory_space<hbm>>
    %dma_wait3A_408 = arith.constant 0 : i32
    %dma_wait3A_409 = arith.constant 0 : i32
    %dma_wait3A_410 = tpu.memref_slice %arg6[%dma_wait3A_403, %add3A_400, %dma_wait3A_408, %dma_wait3A_409] : memref<2x250x400x128xf32, #tpu.memory_space<hbm>> -> memref<1x1x400x128xf32, #tpu.memory_space<hbm>>
    %dma_wait3A_411 = tpu.memref_squeeze %dma_wait3A_410 : memref<1x1x400x128xf32, #tpu.memory_space<hbm>> -> memref<400x128xf32, #tpu.memory_space<hbm>>
    tpu.wait_dma2 semaphore(%arg13 : memref<!tpu.dma_semaphore, #tpu.memory_space<semaphore_mem>>) src(%arg10 : memref<400x128xf32, #tpu.memory_space<vmem>>) dst(%dma_wait3A_411 : memref<400x128xf32, #tpu.memory_space<hbm>>)
    %add3A_412 = arith.constant 160 : i32
    %add3A_413 = arith.addi %add3A, %add3A_412 : i32
    "tpu.region"() ({
      %run_scoped3A = tpu.sem_alloc : memref<!tpu.dma_semaphore, #tpu.memory_space<semaphore_mem>>
      %dma_start3A_1024 = arith.constant 0 : i32
      %dma_start3A_1025 = tpu.memref_slice %arg5[%add3A_398, %dma_start3A_1024] : memref<256x400xi32, #tpu.memory_space<hbm>> -> memref<1x400xi32, #tpu.memory_space<hbm>>
      %dma_start3A_1026 = tpu.memref_squeeze %dma_start3A_1025 : memref<1x400xi32, #tpu.memory_space<hbm>> -> memref<400xi32, #tpu.memory_space<hbm>>
      %dma_start3A_1027 = arith.constant 0 : i32
      %dma_start3A_1028 = tpu.memref_slice %arg5[%add3A_398, %dma_start3A_1027] : memref<256x400xi32, #tpu.memory_space<hbm>> -> memref<1x400xi32, #tpu.memory_space<hbm>>
      %dma_start3A_1029 = tpu.memref_squeeze %dma_start3A_1028 : memref<1x400xi32, #tpu.memory_space<hbm>> -> memref<400xi32, #tpu.memory_space<hbm>>
      tpu.enqueue_dma source(%dma_start3A_1029 : memref<400xi32, #tpu.memory_space<hbm>>) target(%arg8 : memref<400xi32, #tpu.memory_space<vmem>>) target_semaphore(%run_scoped3A : memref<!tpu.dma_semaphore, #tpu.memory_space<semaphore_mem>>)
      %dma_wait3A_1030 = arith.constant 0 : i32
      %dma_wait3A_1031 = tpu.memref_slice %arg5[%add3A_398, %dma_wait3A_1030] : memref<256x400xi32, #tpu.memory_space<hbm>> -> memref<1x400xi32, #tpu.memory_space<hbm>>
      %dma_wait3A_1032 = tpu.memref_squeeze %dma_wait3A_1031 : memref<1x400xi32, #tpu.memory_space<hbm>> -> memref<400xi32, #tpu.memory_space<hbm>>
      %dma_wait3A_1033 = arith.constant 0 : i32
      %dma_wait3A_1034 = tpu.memref_slice %arg5[%add3A_398, %dma_wait3A_1033] : memref<256x400xi32, #tpu.memory_space<hbm>> -> memref<1x400xi32, #tpu.memory_space<hbm>>
      %dma_wait3A_1035 = tpu.memref_squeeze %dma_wait3A_1034 : memref<1x400xi32, #tpu.memory_space<hbm>> -> memref<400xi32, #tpu.memory_space<hbm>>
      tpu.wait_dma2 semaphore(%run_scoped3A : memref<!tpu.dma_semaphore, #tpu.memory_space<semaphore_mem>>) src(%dma_wait3A_1035 : memref<400xi32, #tpu.memory_space<hbm>>) dst(%arg8 : memref<400xi32, #tpu.memory_space<vmem>>)
      tpu.yield
    }) : () -> ()
    %dma_start3A_414 = arith.constant 0 : i32
    %dma_start3A_415 = arith.constant 0 : i32
    %dma_start3A_416 = tpu.memref_slice %arg2[%dma_start3A_414, %dma_start3A_415] : memref<10000x128xf32, #tpu.memory_space<hbm>> -> memref<10000x128xf32, #tpu.memory_space<hbm>>
    tpu.enqueue_indirect_dma source(%dma_start3A_416 : memref<10000x128xf32, #tpu.memory_space<hbm>>) target(%arg10 : memref<400x128xf32, #tpu.memory_space<vmem>>) offsets(%arg8 : memref<400xi32, #tpu.memory_space<vmem>>) semaphore(%arg11 : memref<!tpu.dma_semaphore, #tpu.memory_space<semaphore_mem>>)
    %dma_wait3A_417 = arith.constant 0 : i32
    %dma_wait3A_418 = arith.constant 0 : i32
    %dma_wait3A_419 = tpu.memref_slice %arg2[%dma_wait3A_417, %dma_wait3A_418] : memref<10000x128xf32, #tpu.memory_space<hbm>> -> memref<10000x128xf32, #tpu.memory_space<hbm>>
    tpu.wait_indirect_dma semaphore(%arg11 : memref<!tpu.dma_semaphore, #tpu.memory_space<semaphore_mem>>) src(%dma_wait3A_419 : memref<10000x128xf32, #tpu.memory_space<hbm>>) dst(%arg10 : memref<400x128xf32, #tpu.memory_space<vmem>>)
    %add3A_420 = arith.constant 160 : i32
    %add3A_421 = arith.addi %add3A, %add3A_420 : i32
    %dma_start3A_422 = arith.constant 1 : i32
    %dma_start3A_423 = arith.constant 0 : i32
    %dma_start3A_424 = arith.constant 0 : i32
    %dma_start3A_425 = tpu.memref_slice %arg6[%dma_start3A_422, %add3A_421, %dma_start3A_423, %dma_start3A_424] : memref<2x250x400x128xf32, #tpu.memory_space<hbm>> -> memref<1x1x400x128xf32, #tpu.memory_space<hbm>>
    %dma_start3A_426 = tpu.memref_squeeze %dma_start3A_425 : memref<1x1x400x128xf32, #tpu.memory_space<hbm>> -> memref<400x128xf32, #tpu.memory_space<hbm>>
    %dma_start3A_427 = arith.constant 0 : i32
    %dma_start3A_428 = arith.constant 0 : i32
    %dma_start3A_429 = tpu.memref_slice %arg6[%dma_start3A_422, %add3A_421, %dma_start3A_427, %dma_start3A_428] : memref<2x250x400x128xf32, #tpu.memory_space<hbm>> -> memref<1x1x400x128xf32, #tpu.memory_space<hbm>>
    %dma_start3A_430 = tpu.memref_squeeze %dma_start3A_429 : memref<1x1x400x128xf32, #tpu.memory_space<hbm>> -> memref<400x128xf32, #tpu.memory_space<hbm>>
    tpu.enqueue_dma source(%arg10 : memref<400x128xf32, #tpu.memory_space<vmem>>) target(%dma_start3A_430 : memref<400x128xf32, #tpu.memory_space<hbm>>) target_semaphore(%arg13 : memref<!tpu.dma_semaphore, #tpu.memory_space<semaphore_mem>>)
    %add3A_431 = arith.constant 192 : i32
    %add3A_432 = arith.addi %add3A, %add3A_431 : i32
    %add3A_433 = arith.constant 128 : i32
    %add3A_434 = arith.addi %add3A, %add3A_433 : i32
    %add3A_435 = arith.constant 128 : i32
    %add3A_436 = arith.addi %add3A, %add3A_435 : i32
    %dma_wait3A_437 = arith.constant 1 : i32
    %dma_wait3A_438 = arith.constant 0 : i32
    %dma_wait3A_439 = arith.constant 0 : i32
    %dma_wait3A_440 = tpu.memref_slice %arg6[%dma_wait3A_437, %add3A_434, %dma_wait3A_438, %dma_wait3A_439] : memref<2x250x400x128xf32, #tpu.memory_space<hbm>> -> memref<1x1x400x128xf32, #tpu.memory_space<hbm>>
    %dma_wait3A_441 = tpu.memref_squeeze %dma_wait3A_440 : memref<1x1x400x128xf32, #tpu.memory_space<hbm>> -> memref<400x128xf32, #tpu.memory_space<hbm>>
    %dma_wait3A_442 = arith.constant 0 : i32
    %dma_wait3A_443 = arith.constant 0 : i32
    %dma_wait3A_444 = tpu.memref_slice %arg6[%dma_wait3A_437, %add3A_434, %dma_wait3A_442, %dma_wait3A_443] : memref<2x250x400x128xf32, #tpu.memory_space<hbm>> -> memref<1x1x400x128xf32, #tpu.memory_space<hbm>>
    %dma_wait3A_445 = tpu.memref_squeeze %dma_wait3A_444 : memref<1x1x400x128xf32, #tpu.memory_space<hbm>> -> memref<400x128xf32, #tpu.memory_space<hbm>>
    tpu.wait_dma2 semaphore(%arg12 : memref<!tpu.dma_semaphore, #tpu.memory_space<semaphore_mem>>) src(%arg9 : memref<400x128xf32, #tpu.memory_space<vmem>>) dst(%dma_wait3A_445 : memref<400x128xf32, #tpu.memory_space<hbm>>)
    %add3A_446 = arith.constant 192 : i32
    %add3A_447 = arith.addi %add3A, %add3A_446 : i32
    "tpu.region"() ({
      %run_scoped3A = tpu.sem_alloc : memref<!tpu.dma_semaphore, #tpu.memory_space<semaphore_mem>>
      %dma_start3A_1024 = arith.constant 0 : i32
      %dma_start3A_1025 = tpu.memref_slice %arg5[%add3A_432, %dma_start3A_1024] : memref<256x400xi32, #tpu.memory_space<hbm>> -> memref<1x400xi32, #tpu.memory_space<hbm>>
      %dma_start3A_1026 = tpu.memref_squeeze %dma_start3A_1025 : memref<1x400xi32, #tpu.memory_space<hbm>> -> memref<400xi32, #tpu.memory_space<hbm>>
      %dma_start3A_1027 = arith.constant 0 : i32
      %dma_start3A_1028 = tpu.memref_slice %arg5[%add3A_432, %dma_start3A_1027] : memref<256x400xi32, #tpu.memory_space<hbm>> -> memref<1x400xi32, #tpu.memory_space<hbm>>
      %dma_start3A_1029 = tpu.memref_squeeze %dma_start3A_1028 : memref<1x400xi32, #tpu.memory_space<hbm>> -> memref<400xi32, #tpu.memory_space<hbm>>
      tpu.enqueue_dma source(%dma_start3A_1029 : memref<400xi32, #tpu.memory_space<hbm>>) target(%arg8 : memref<400xi32, #tpu.memory_space<vmem>>) target_semaphore(%run_scoped3A : memref<!tpu.dma_semaphore, #tpu.memory_space<semaphore_mem>>)
      %dma_wait3A_1030 = arith.constant 0 : i32
      %dma_wait3A_1031 = tpu.memref_slice %arg5[%add3A_432, %dma_wait3A_1030] : memref<256x400xi32, #tpu.memory_space<hbm>> -> memref<1x400xi32, #tpu.memory_space<hbm>>
      %dma_wait3A_1032 = tpu.memref_squeeze %dma_wait3A_1031 : memref<1x400xi32, #tpu.memory_space<hbm>> -> memref<400xi32, #tpu.memory_space<hbm>>
      %dma_wait3A_1033 = arith.constant 0 : i32
      %dma_wait3A_1034 = tpu.memref_slice %arg5[%add3A_432, %dma_wait3A_1033] : memref<256x400xi32, #tpu.memory_space<hbm>> -> memref<1x400xi32, #tpu.memory_space<hbm>>
      %dma_wait3A_1035 = tpu.memref_squeeze %dma_wait3A_1034 : memref<1x400xi32, #tpu.memory_space<hbm>> -> memref<400xi32, #tpu.memory_space<hbm>>
      tpu.wait_dma2 semaphore(%run_scoped3A : memref<!tpu.dma_semaphore, #tpu.memory_space<semaphore_mem>>) src(%dma_wait3A_1035 : memref<400xi32, #tpu.memory_space<hbm>>) dst(%arg8 : memref<400xi32, #tpu.memory_space<vmem>>)
      tpu.yield
    }) : () -> ()
    %dma_start3A_448 = arith.constant 0 : i32
    %dma_start3A_449 = arith.constant 0 : i32
    %dma_start3A_450 = tpu.memref_slice %arg2[%dma_start3A_448, %dma_start3A_449] : memref<10000x128xf32, #tpu.memory_space<hbm>> -> memref<10000x128xf32, #tpu.memory_space<hbm>>
    tpu.enqueue_indirect_dma source(%dma_start3A_450 : memref<10000x128xf32, #tpu.memory_space<hbm>>) target(%arg9 : memref<400x128xf32, #tpu.memory_space<vmem>>) offsets(%arg8 : memref<400xi32, #tpu.memory_space<vmem>>) semaphore(%arg11 : memref<!tpu.dma_semaphore, #tpu.memory_space<semaphore_mem>>)
    %dma_wait3A_451 = arith.constant 0 : i32
    %dma_wait3A_452 = arith.constant 0 : i32
    %dma_wait3A_453 = tpu.memref_slice %arg2[%dma_wait3A_451, %dma_wait3A_452] : memref<10000x128xf32, #tpu.memory_space<hbm>> -> memref<10000x128xf32, #tpu.memory_space<hbm>>
    tpu.wait_indirect_dma semaphore(%arg11 : memref<!tpu.dma_semaphore, #tpu.memory_space<semaphore_mem>>) src(%dma_wait3A_453 : memref<10000x128xf32, #tpu.memory_space<hbm>>) dst(%arg9 : memref<400x128xf32, #tpu.memory_space<vmem>>)
    %add3A_454 = arith.constant 192 : i32
    %add3A_455 = arith.addi %add3A, %add3A_454 : i32
    %dma_start3A_456 = arith.constant 1 : i32
    %dma_start3A_457 = arith.constant 0 : i32
    %dma_start3A_458 = arith.constant 0 : i32
    %dma_start3A_459 = tpu.memref_slice %arg6[%dma_start3A_456, %add3A_455, %dma_start3A_457, %dma_start3A_458] : memref<2x250x400x128xf32, #tpu.memory_space<hbm>> -> memref<1x1x400x128xf32, #tpu.memory_space<hbm>>
    %dma_start3A_460 = tpu.memref_squeeze %dma_start3A_459 : memref<1x1x400x128xf32, #tpu.memory_space<hbm>> -> memref<400x128xf32, #tpu.memory_space<hbm>>
    %dma_start3A_461 = arith.constant 0 : i32
    %dma_start3A_462 = arith.constant 0 : i32
    %dma_start3A_463 = tpu.memref_slice %arg6[%dma_start3A_456, %add3A_455, %dma_start3A_461, %dma_start3A_462] : memref<2x250x400x128xf32, #tpu.memory_space<hbm>> -> memref<1x1x400x128xf32, #tpu.memory_space<hbm>>
    %dma_start3A_464 = tpu.memref_squeeze %dma_start3A_463 : memref<1x1x400x128xf32, #tpu.memory_space<hbm>> -> memref<400x128xf32, #tpu.memory_space<hbm>>
    tpu.enqueue_dma source(%arg9 : memref<400x128xf32, #tpu.memory_space<vmem>>) target(%dma_start3A_464 : memref<400x128xf32, #tpu.memory_space<hbm>>) target_semaphore(%arg12 : memref<!tpu.dma_semaphore, #tpu.memory_space<semaphore_mem>>)
    %add3A_465 = arith.constant 224 : i32
    %add3A_466 = arith.addi %add3A, %add3A_465 : i32
    %add3A_467 = arith.constant 160 : i32
    %add3A_468 = arith.addi %add3A, %add3A_467 : i32
    %add3A_469 = arith.constant 160 : i32
    %add3A_470 = arith.addi %add3A, %add3A_469 : i32
    %dma_wait3A_471 = arith.constant 1 : i32
    %dma_wait3A_472 = arith.constant 0 : i32
    %dma_wait3A_473 = arith.constant 0 : i32
    %dma_wait3A_474 = tpu.memref_slice %arg6[%dma_wait3A_471, %add3A_468, %dma_wait3A_472, %dma_wait3A_473] : memref<2x250x400x128xf32, #tpu.memory_space<hbm>> -> memref<1x1x400x128xf32, #tpu.memory_space<hbm>>
    %dma_wait3A_475 = tpu.memref_squeeze %dma_wait3A_474 : memref<1x1x400x128xf32, #tpu.memory_space<hbm>> -> memref<400x128xf32, #tpu.memory_space<hbm>>
    %dma_wait3A_476 = arith.constant 0 : i32
    %dma_wait3A_477 = arith.constant 0 : i32
    %dma_wait3A_478 = tpu.memref_slice %arg6[%dma_wait3A_471, %add3A_468, %dma_wait3A_476, %dma_wait3A_477] : memref<2x250x400x128xf32, #tpu.memory_space<hbm>> -> memref<1x1x400x128xf32, #tpu.memory_space<hbm>>
    %dma_wait3A_479 = tpu.memref_squeeze %dma_wait3A_478 : memref<1x1x400x128xf32, #tpu.memory_space<hbm>> -> memref<400x128xf32, #tpu.memory_space<hbm>>
    tpu.wait_dma2 semaphore(%arg13 : memref<!tpu.dma_semaphore, #tpu.memory_space<semaphore_mem>>) src(%arg10 : memref<400x128xf32, #tpu.memory_space<vmem>>) dst(%dma_wait3A_479 : memref<400x128xf32, #tpu.memory_space<hbm>>)
    %add3A_480 = arith.constant 224 : i32
    %add3A_481 = arith.addi %add3A, %add3A_480 : i32
    %lt3A_482 = arith.constant 250 : i32
    %lt3A_483 = arith.cmpi slt, %add3A_481, %lt3A_482 : i32
    %convert_element_type3A_484 = arith.extui %lt3A_483 : i1 to i32
    %cond3A_485 = arith.constant 0 : i32
    %cond3A_486 = arith.cmpi ne, %convert_element_type3A_484, %cond3A_485 : i32
    scf.if %cond3A_486 {
      "tpu.region"() ({
        %run_scoped3A = tpu.sem_alloc : memref<!tpu.dma_semaphore, #tpu.memory_space<semaphore_mem>>
        %dma_start3A_1041 = arith.constant 0 : i32
        %dma_start3A_1042 = tpu.memref_slice %arg5[%add3A_466, %dma_start3A_1041] : memref<256x400xi32, #tpu.memory_space<hbm>> -> memref<1x400xi32, #tpu.memory_space<hbm>>
        %dma_start3A_1043 = tpu.memref_squeeze %dma_start3A_1042 : memref<1x400xi32, #tpu.memory_space<hbm>> -> memref<400xi32, #tpu.memory_space<hbm>>
        %dma_start3A_1044 = arith.constant 0 : i32
        %dma_start3A_1045 = tpu.memref_slice %arg5[%add3A_466, %dma_start3A_1044] : memref<256x400xi32, #tpu.memory_space<hbm>> -> memref<1x400xi32, #tpu.memory_space<hbm>>
        %dma_start3A_1046 = tpu.memref_squeeze %dma_start3A_1045 : memref<1x400xi32, #tpu.memory_space<hbm>> -> memref<400xi32, #tpu.memory_space<hbm>>
        tpu.enqueue_dma source(%dma_start3A_1046 : memref<400xi32, #tpu.memory_space<hbm>>) target(%arg8 : memref<400xi32, #tpu.memory_space<vmem>>) target_semaphore(%run_scoped3A : memref<!tpu.dma_semaphore, #tpu.memory_space<semaphore_mem>>)
        %dma_wait3A_1047 = arith.constant 0 : i32
        %dma_wait3A_1048 = tpu.memref_slice %arg5[%add3A_466, %dma_wait3A_1047] : memref<256x400xi32, #tpu.memory_space<hbm>> -> memref<1x400xi32, #tpu.memory_space<hbm>>
        %dma_wait3A_1049 = tpu.memref_squeeze %dma_wait3A_1048 : memref<1x400xi32, #tpu.memory_space<hbm>> -> memref<400xi32, #tpu.memory_space<hbm>>
        %dma_wait3A_1050 = arith.constant 0 : i32
        %dma_wait3A_1051 = tpu.memref_slice %arg5[%add3A_466, %dma_wait3A_1050] : memref<256x400xi32, #tpu.memory_space<hbm>> -> memref<1x400xi32, #tpu.memory_space<hbm>>
        %dma_wait3A_1052 = tpu.memref_squeeze %dma_wait3A_1051 : memref<1x400xi32, #tpu.memory_space<hbm>> -> memref<400xi32, #tpu.memory_space<hbm>>
        tpu.wait_dma2 semaphore(%run_scoped3A : memref<!tpu.dma_semaphore, #tpu.memory_space<semaphore_mem>>) src(%dma_wait3A_1052 : memref<400xi32, #tpu.memory_space<hbm>>) dst(%arg8 : memref<400xi32, #tpu.memory_space<vmem>>)
        tpu.yield
      }) : () -> ()
      %dma_start3A_1024 = arith.constant 0 : i32
      %dma_start3A_1025 = arith.constant 0 : i32
      %dma_start3A_1026 = tpu.memref_slice %arg2[%dma_start3A_1024, %dma_start3A_1025] : memref<10000x128xf32, #tpu.memory_space<hbm>> -> memref<10000x128xf32, #tpu.memory_space<hbm>>
      tpu.enqueue_indirect_dma source(%dma_start3A_1026 : memref<10000x128xf32, #tpu.memory_space<hbm>>) target(%arg10 : memref<400x128xf32, #tpu.memory_space<vmem>>) offsets(%arg8 : memref<400xi32, #tpu.memory_space<vmem>>) semaphore(%arg11 : memref<!tpu.dma_semaphore, #tpu.memory_space<semaphore_mem>>)
      %dma_wait3A_1027 = arith.constant 0 : i32
      %dma_wait3A_1028 = arith.constant 0 : i32
      %dma_wait3A_1029 = tpu.memref_slice %arg2[%dma_wait3A_1027, %dma_wait3A_1028] : memref<10000x128xf32, #tpu.memory_space<hbm>> -> memref<10000x128xf32, #tpu.memory_space<hbm>>
      tpu.wait_indirect_dma semaphore(%arg11 : memref<!tpu.dma_semaphore, #tpu.memory_space<semaphore_mem>>) src(%dma_wait3A_1029 : memref<10000x128xf32, #tpu.memory_space<hbm>>) dst(%arg10 : memref<400x128xf32, #tpu.memory_space<vmem>>)
      %add3A_1030 = arith.constant 224 : i32
      %add3A_1031 = arith.addi %add3A, %add3A_1030 : i32
      %dma_start3A_1032 = arith.constant 1 : i32
      %dma_start3A_1033 = arith.constant 0 : i32
      %dma_start3A_1034 = arith.constant 0 : i32
      %dma_start3A_1035 = tpu.memref_slice %arg6[%dma_start3A_1032, %add3A_1031, %dma_start3A_1033, %dma_start3A_1034] : memref<2x250x400x128xf32, #tpu.memory_space<hbm>> -> memref<1x1x400x128xf32, #tpu.memory_space<hbm>>
      %dma_start3A_1036 = tpu.memref_squeeze %dma_start3A_1035 : memref<1x1x400x128xf32, #tpu.memory_space<hbm>> -> memref<400x128xf32, #tpu.memory_space<hbm>>
      %dma_start3A_1037 = arith.constant 0 : i32
      %dma_start3A_1038 = arith.constant 0 : i32
      %dma_start3A_1039 = tpu.memref_slice %arg6[%dma_start3A_1032, %add3A_1031, %dma_start3A_1037, %dma_start3A_1038] : memref<2x250x400x128xf32, #tpu.memory_space<hbm>> -> memref<1x1x400x128xf32, #tpu.memory_space<hbm>>
      %dma_start3A_1040 = tpu.memref_squeeze %dma_start3A_1039 : memref<1x1x400x128xf32, #tpu.memory_space<hbm>> -> memref<400x128xf32, #tpu.memory_space<hbm>>
      tpu.enqueue_dma source(%arg10 : memref<400x128xf32, #tpu.memory_space<vmem>>) target(%dma_start3A_1040 : memref<400x128xf32, #tpu.memory_space<hbm>>) target_semaphore(%arg13 : memref<!tpu.dma_semaphore, #tpu.memory_space<semaphore_mem>>)
    } else {
    }
    %add3A_487 = arith.constant 0 : i32
    %add3A_488 = arith.addi %add3A, %add3A_487 : i32
    %add3A_489 = arith.constant 192 : i32
    %add3A_490 = arith.addi %add3A, %add3A_489 : i32
    %add3A_491 = arith.constant 192 : i32
    %add3A_492 = arith.addi %add3A, %add3A_491 : i32
    %dma_wait3A_493 = arith.constant 1 : i32
    %dma_wait3A_494 = arith.constant 0 : i32
    %dma_wait3A_495 = arith.constant 0 : i32
    %dma_wait3A_496 = tpu.memref_slice %arg6[%dma_wait3A_493, %add3A_490, %dma_wait3A_494, %dma_wait3A_495] : memref<2x250x400x128xf32, #tpu.memory_space<hbm>> -> memref<1x1x400x128xf32, #tpu.memory_space<hbm>>
    %dma_wait3A_497 = tpu.memref_squeeze %dma_wait3A_496 : memref<1x1x400x128xf32, #tpu.memory_space<hbm>> -> memref<400x128xf32, #tpu.memory_space<hbm>>
    %dma_wait3A_498 = arith.constant 0 : i32
    %dma_wait3A_499 = arith.constant 0 : i32
    %dma_wait3A_500 = tpu.memref_slice %arg6[%dma_wait3A_493, %add3A_490, %dma_wait3A_498, %dma_wait3A_499] : memref<2x250x400x128xf32, #tpu.memory_space<hbm>> -> memref<1x1x400x128xf32, #tpu.memory_space<hbm>>
    %dma_wait3A_501 = tpu.memref_squeeze %dma_wait3A_500 : memref<1x1x400x128xf32, #tpu.memory_space<hbm>> -> memref<400x128xf32, #tpu.memory_space<hbm>>
    tpu.wait_dma2 semaphore(%arg12 : memref<!tpu.dma_semaphore, #tpu.memory_space<semaphore_mem>>) src(%arg9 : memref<400x128xf32, #tpu.memory_space<vmem>>) dst(%dma_wait3A_501 : memref<400x128xf32, #tpu.memory_space<hbm>>)
    %add3A_502 = arith.constant 0 : i32
    %add3A_503 = arith.addi %add3A, %add3A_502 : i32
    "tpu.region"() ({
      %run_scoped3A = tpu.sem_alloc : memref<!tpu.dma_semaphore, #tpu.memory_space<semaphore_mem>>
      %dma_start3A_1024 = arith.constant 0 : i32
      %dma_start3A_1025 = tpu.memref_slice %arg4[%add3A_488, %dma_start3A_1024] : memref<256x400xi32, #tpu.memory_space<hbm>> -> memref<1x400xi32, #tpu.memory_space<hbm>>
      %dma_start3A_1026 = tpu.memref_squeeze %dma_start3A_1025 : memref<1x400xi32, #tpu.memory_space<hbm>> -> memref<400xi32, #tpu.memory_space<hbm>>
      %dma_start3A_1027 = arith.constant 0 : i32
      %dma_start3A_1028 = tpu.memref_slice %arg4[%add3A_488, %dma_start3A_1027] : memref<256x400xi32, #tpu.memory_space<hbm>> -> memref<1x400xi32, #tpu.memory_space<hbm>>
      %dma_start3A_1029 = tpu.memref_squeeze %dma_start3A_1028 : memref<1x400xi32, #tpu.memory_space<hbm>> -> memref<400xi32, #tpu.memory_space<hbm>>
      tpu.enqueue_dma source(%dma_start3A_1029 : memref<400xi32, #tpu.memory_space<hbm>>) target(%arg8 : memref<400xi32, #tpu.memory_space<vmem>>) target_semaphore(%run_scoped3A : memref<!tpu.dma_semaphore, #tpu.memory_space<semaphore_mem>>)
      %dma_wait3A_1030 = arith.constant 0 : i32
      %dma_wait3A_1031 = tpu.memref_slice %arg4[%add3A_488, %dma_wait3A_1030] : memref<256x400xi32, #tpu.memory_space<hbm>> -> memref<1x400xi32, #tpu.memory_space<hbm>>
      %dma_wait3A_1032 = tpu.memref_squeeze %dma_wait3A_1031 : memref<1x400xi32, #tpu.memory_space<hbm>> -> memref<400xi32, #tpu.memory_space<hbm>>
      %dma_wait3A_1033 = arith.constant 0 : i32
      %dma_wait3A_1034 = tpu.memref_slice %arg4[%add3A_488, %dma_wait3A_1033] : memref<256x400xi32, #tpu.memory_space<hbm>> -> memref<1x400xi32, #tpu.memory_space<hbm>>
      %dma_wait3A_1035 = tpu.memref_squeeze %dma_wait3A_1034 : memref<1x400xi32, #tpu.memory_space<hbm>> -> memref<400xi32, #tpu.memory_space<hbm>>
      tpu.wait_dma2 semaphore(%run_scoped3A : memref<!tpu.dma_semaphore, #tpu.memory_space<semaphore_mem>>) src(%dma_wait3A_1035 : memref<400xi32, #tpu.memory_space<hbm>>) dst(%arg8 : memref<400xi32, #tpu.memory_space<vmem>>)
      tpu.yield
    }) : () -> ()
    %dma_start3A_504 = arith.constant 0 : i32
    %dma_start3A_505 = arith.constant 0 : i32
    %dma_start3A_506 = tpu.memref_slice %arg3[%dma_start3A_504, %dma_start3A_505] : memref<10000x128xf32, #tpu.memory_space<hbm>> -> memref<10000x128xf32, #tpu.memory_space<hbm>>
    tpu.enqueue_indirect_dma source(%dma_start3A_506 : memref<10000x128xf32, #tpu.memory_space<hbm>>) target(%arg9 : memref<400x128xf32, #tpu.memory_space<vmem>>) offsets(%arg8 : memref<400xi32, #tpu.memory_space<vmem>>) semaphore(%arg11 : memref<!tpu.dma_semaphore, #tpu.memory_space<semaphore_mem>>)
    %dma_wait3A_507 = arith.constant 0 : i32
    %dma_wait3A_508 = arith.constant 0 : i32
    %dma_wait3A_509 = tpu.memref_slice %arg3[%dma_wait3A_507, %dma_wait3A_508] : memref<10000x128xf32, #tpu.memory_space<hbm>> -> memref<10000x128xf32, #tpu.memory_space<hbm>>
    tpu.wait_indirect_dma semaphore(%arg11 : memref<!tpu.dma_semaphore, #tpu.memory_space<semaphore_mem>>) src(%dma_wait3A_509 : memref<10000x128xf32, #tpu.memory_space<hbm>>) dst(%arg9 : memref<400x128xf32, #tpu.memory_space<vmem>>)
    %add3A_510 = arith.constant 0 : i32
    %add3A_511 = arith.addi %add3A, %add3A_510 : i32
    %dma_start3A_512 = arith.constant 0 : i32
    %dma_start3A_513 = arith.constant 0 : i32
    %dma_start3A_514 = arith.constant 0 : i32
    %dma_start3A_515 = tpu.memref_slice %arg7[%dma_start3A_512, %add3A_511, %dma_start3A_513, %dma_start3A_514] : memref<2x250x400x128xf32, #tpu.memory_space<hbm>> -> memref<1x1x400x128xf32, #tpu.memory_space<hbm>>
    %dma_start3A_516 = tpu.memref_squeeze %dma_start3A_515 : memref<1x1x400x128xf32, #tpu.memory_space<hbm>> -> memref<400x128xf32, #tpu.memory_space<hbm>>
    %dma_start3A_517 = arith.constant 0 : i32
    %dma_start3A_518 = arith.constant 0 : i32
    %dma_start3A_519 = tpu.memref_slice %arg7[%dma_start3A_512, %add3A_511, %dma_start3A_517, %dma_start3A_518] : memref<2x250x400x128xf32, #tpu.memory_space<hbm>> -> memref<1x1x400x128xf32, #tpu.memory_space<hbm>>
    %dma_start3A_520 = tpu.memref_squeeze %dma_start3A_519 : memref<1x1x400x128xf32, #tpu.memory_space<hbm>> -> memref<400x128xf32, #tpu.memory_space<hbm>>
    tpu.enqueue_dma source(%arg9 : memref<400x128xf32, #tpu.memory_space<vmem>>) target(%dma_start3A_520 : memref<400x128xf32, #tpu.memory_space<hbm>>) target_semaphore(%arg12 : memref<!tpu.dma_semaphore, #tpu.memory_space<semaphore_mem>>)
    %add3A_521 = arith.constant 32 : i32
    %add3A_522 = arith.addi %add3A, %add3A_521 : i32
    %add3A_523 = arith.constant 224 : i32
    %add3A_524 = arith.addi %add3A, %add3A_523 : i32
    %add3A_525 = arith.constant 224 : i32
    %add3A_526 = arith.addi %add3A, %add3A_525 : i32
    %lt3A_527 = arith.constant 250 : i32
    %lt3A_528 = arith.cmpi slt, %add3A_526, %lt3A_527 : i32
    %convert_element_type3A_529 = arith.extui %lt3A_528 : i1 to i32
    %cond3A_530 = arith.constant 1 : i32
    %cond3A_531 = arith.constant 0 : i32
    %cond3A_532 = arith.cmpi ne, %convert_element_type3A_529, %cond3A_531 : i32
    scf.if %cond3A_532 {
      %dma_wait3A_1024 = arith.constant 0 : i32
      %dma_wait3A_1025 = arith.constant 0 : i32
      %dma_wait3A_1026 = tpu.memref_slice %arg6[%cond3A_530, %add3A_524, %dma_wait3A_1024, %dma_wait3A_1025] : memref<2x250x400x128xf32, #tpu.memory_space<hbm>> -> memref<1x1x400x128xf32, #tpu.memory_space<hbm>>
      %dma_wait3A_1027 = tpu.memref_squeeze %dma_wait3A_1026 : memref<1x1x400x128xf32, #tpu.memory_space<hbm>> -> memref<400x128xf32, #tpu.memory_space<hbm>>
      %dma_wait3A_1028 = arith.constant 0 : i32
      %dma_wait3A_1029 = arith.constant 0 : i32
      %dma_wait3A_1030 = tpu.memref_slice %arg6[%cond3A_530, %add3A_524, %dma_wait3A_1028, %dma_wait3A_1029] : memref<2x250x400x128xf32, #tpu.memory_space<hbm>> -> memref<1x1x400x128xf32, #tpu.memory_space<hbm>>
      %dma_wait3A_1031 = tpu.memref_squeeze %dma_wait3A_1030 : memref<1x1x400x128xf32, #tpu.memory_space<hbm>> -> memref<400x128xf32, #tpu.memory_space<hbm>>
      tpu.wait_dma2 semaphore(%arg13 : memref<!tpu.dma_semaphore, #tpu.memory_space<semaphore_mem>>) src(%arg10 : memref<400x128xf32, #tpu.memory_space<vmem>>) dst(%dma_wait3A_1031 : memref<400x128xf32, #tpu.memory_space<hbm>>)
    } else {
    }
    %add3A_533 = arith.constant 32 : i32
    %add3A_534 = arith.addi %add3A, %add3A_533 : i32
    "tpu.region"() ({
      %run_scoped3A = tpu.sem_alloc : memref<!tpu.dma_semaphore, #tpu.memory_space<semaphore_mem>>
      %dma_start3A_1024 = arith.constant 0 : i32
      %dma_start3A_1025 = tpu.memref_slice %arg4[%add3A_522, %dma_start3A_1024] : memref<256x400xi32, #tpu.memory_space<hbm>> -> memref<1x400xi32, #tpu.memory_space<hbm>>
      %dma_start3A_1026 = tpu.memref_squeeze %dma_start3A_1025 : memref<1x400xi32, #tpu.memory_space<hbm>> -> memref<400xi32, #tpu.memory_space<hbm>>
      %dma_start3A_1027 = arith.constant 0 : i32
      %dma_start3A_1028 = tpu.memref_slice %arg4[%add3A_522, %dma_start3A_1027] : memref<256x400xi32, #tpu.memory_space<hbm>> -> memref<1x400xi32, #tpu.memory_space<hbm>>
      %dma_start3A_1029 = tpu.memref_squeeze %dma_start3A_1028 : memref<1x400xi32, #tpu.memory_space<hbm>> -> memref<400xi32, #tpu.memory_space<hbm>>
      tpu.enqueue_dma source(%dma_start3A_1029 : memref<400xi32, #tpu.memory_space<hbm>>) target(%arg8 : memref<400xi32, #tpu.memory_space<vmem>>) target_semaphore(%run_scoped3A : memref<!tpu.dma_semaphore, #tpu.memory_space<semaphore_mem>>)
      %dma_wait3A_1030 = arith.constant 0 : i32
      %dma_wait3A_1031 = tpu.memref_slice %arg4[%add3A_522, %dma_wait3A_1030] : memref<256x400xi32, #tpu.memory_space<hbm>> -> memref<1x400xi32, #tpu.memory_space<hbm>>
      %dma_wait3A_1032 = tpu.memref_squeeze %dma_wait3A_1031 : memref<1x400xi32, #tpu.memory_space<hbm>> -> memref<400xi32, #tpu.memory_space<hbm>>
      %dma_wait3A_1033 = arith.constant 0 : i32
      %dma_wait3A_1034 = tpu.memref_slice %arg4[%add3A_522, %dma_wait3A_1033] : memref<256x400xi32, #tpu.memory_space<hbm>> -> memref<1x400xi32, #tpu.memory_space<hbm>>
      %dma_wait3A_1035 = tpu.memref_squeeze %dma_wait3A_1034 : memref<1x400xi32, #tpu.memory_space<hbm>> -> memref<400xi32, #tpu.memory_space<hbm>>
      tpu.wait_dma2 semaphore(%run_scoped3A : memref<!tpu.dma_semaphore, #tpu.memory_space<semaphore_mem>>) src(%dma_wait3A_1035 : memref<400xi32, #tpu.memory_space<hbm>>) dst(%arg8 : memref<400xi32, #tpu.memory_space<vmem>>)
      tpu.yield
    }) : () -> ()
    %dma_start3A_535 = arith.constant 0 : i32
    %dma_start3A_536 = arith.constant 0 : i32
    %dma_start3A_537 = tpu.memref_slice %arg3[%dma_start3A_535, %dma_start3A_536] : memref<10000x128xf32, #tpu.memory_space<hbm>> -> memref<10000x128xf32, #tpu.memory_space<hbm>>
    tpu.enqueue_indirect_dma source(%dma_start3A_537 : memref<10000x128xf32, #tpu.memory_space<hbm>>) target(%arg10 : memref<400x128xf32, #tpu.memory_space<vmem>>) offsets(%arg8 : memref<400xi32, #tpu.memory_space<vmem>>) semaphore(%arg11 : memref<!tpu.dma_semaphore, #tpu.memory_space<semaphore_mem>>)
    %dma_wait3A_538 = arith.constant 0 : i32
    %dma_wait3A_539 = arith.constant 0 : i32
    %dma_wait3A_540 = tpu.memref_slice %arg3[%dma_wait3A_538, %dma_wait3A_539] : memref<10000x128xf32, #tpu.memory_space<hbm>> -> memref<10000x128xf32, #tpu.memory_space<hbm>>
    tpu.wait_indirect_dma semaphore(%arg11 : memref<!tpu.dma_semaphore, #tpu.memory_space<semaphore_mem>>) src(%dma_wait3A_540 : memref<10000x128xf32, #tpu.memory_space<hbm>>) dst(%arg10 : memref<400x128xf32, #tpu.memory_space<vmem>>)
    %add3A_541 = arith.constant 32 : i32
    %add3A_542 = arith.addi %add3A, %add3A_541 : i32
    %dma_start3A_543 = arith.constant 0 : i32
    %dma_start3A_544 = arith.constant 0 : i32
    %dma_start3A_545 = arith.constant 0 : i32
    %dma_start3A_546 = tpu.memref_slice %arg7[%dma_start3A_543, %add3A_542, %dma_start3A_544, %dma_start3A_545] : memref<2x250x400x128xf32, #tpu.memory_space<hbm>> -> memref<1x1x400x128xf32, #tpu.memory_space<hbm>>
    %dma_start3A_547 = tpu.memref_squeeze %dma_start3A_546 : memref<1x1x400x128xf32, #tpu.memory_space<hbm>> -> memref<400x128xf32, #tpu.memory_space<hbm>>
    %dma_start3A_548 = arith.constant 0 : i32
    %dma_start3A_549 = arith.constant 0 : i32
    %dma_start3A_550 = tpu.memref_slice %arg7[%dma_start3A_543, %add3A_542, %dma_start3A_548, %dma_start3A_549] : memref<2x250x400x128xf32, #tpu.memory_space<hbm>> -> memref<1x1x400x128xf32, #tpu.memory_space<hbm>>
    %dma_start3A_551 = tpu.memref_squeeze %dma_start3A_550 : memref<1x1x400x128xf32, #tpu.memory_space<hbm>> -> memref<400x128xf32, #tpu.memory_space<hbm>>
    tpu.enqueue_dma source(%arg10 : memref<400x128xf32, #tpu.memory_space<vmem>>) target(%dma_start3A_551 : memref<400x128xf32, #tpu.memory_space<hbm>>) target_semaphore(%arg13 : memref<!tpu.dma_semaphore, #tpu.memory_space<semaphore_mem>>)
    %add3A_552 = arith.constant 64 : i32
    %add3A_553 = arith.addi %add3A, %add3A_552 : i32
    %add3A_554 = arith.constant 0 : i32
    %add3A_555 = arith.addi %add3A, %add3A_554 : i32
    %add3A_556 = arith.constant 0 : i32
    %add3A_557 = arith.addi %add3A, %add3A_556 : i32
    %dma_wait3A_558 = arith.constant 0 : i32
    %dma_wait3A_559 = arith.constant 0 : i32
    %dma_wait3A_560 = arith.constant 0 : i32
    %dma_wait3A_561 = tpu.memref_slice %arg7[%dma_wait3A_558, %add3A_555, %dma_wait3A_559, %dma_wait3A_560] : memref<2x250x400x128xf32, #tpu.memory_space<hbm>> -> memref<1x1x400x128xf32, #tpu.memory_space<hbm>>
    %dma_wait3A_562 = tpu.memref_squeeze %dma_wait3A_561 : memref<1x1x400x128xf32, #tpu.memory_space<hbm>> -> memref<400x128xf32, #tpu.memory_space<hbm>>
    %dma_wait3A_563 = arith.constant 0 : i32
    %dma_wait3A_564 = arith.constant 0 : i32
    %dma_wait3A_565 = tpu.memref_slice %arg7[%dma_wait3A_558, %add3A_555, %dma_wait3A_563, %dma_wait3A_564] : memref<2x250x400x128xf32, #tpu.memory_space<hbm>> -> memref<1x1x400x128xf32, #tpu.memory_space<hbm>>
    %dma_wait3A_566 = tpu.memref_squeeze %dma_wait3A_565 : memref<1x1x400x128xf32, #tpu.memory_space<hbm>> -> memref<400x128xf32, #tpu.memory_space<hbm>>
    tpu.wait_dma2 semaphore(%arg12 : memref<!tpu.dma_semaphore, #tpu.memory_space<semaphore_mem>>) src(%arg9 : memref<400x128xf32, #tpu.memory_space<vmem>>) dst(%dma_wait3A_566 : memref<400x128xf32, #tpu.memory_space<hbm>>)
    %add3A_567 = arith.constant 64 : i32
    %add3A_568 = arith.addi %add3A, %add3A_567 : i32
    "tpu.region"() ({
      %run_scoped3A = tpu.sem_alloc : memref<!tpu.dma_semaphore, #tpu.memory_space<semaphore_mem>>
      %dma_start3A_1024 = arith.constant 0 : i32
      %dma_start3A_1025 = tpu.memref_slice %arg4[%add3A_553, %dma_start3A_1024] : memref<256x400xi32, #tpu.memory_space<hbm>> -> memref<1x400xi32, #tpu.memory_space<hbm>>
      %dma_start3A_1026 = tpu.memref_squeeze %dma_start3A_1025 : memref<1x400xi32, #tpu.memory_space<hbm>> -> memref<400xi32, #tpu.memory_space<hbm>>
      %dma_start3A_1027 = arith.constant 0 : i32
      %dma_start3A_1028 = tpu.memref_slice %arg4[%add3A_553, %dma_start3A_1027] : memref<256x400xi32, #tpu.memory_space<hbm>> -> memref<1x400xi32, #tpu.memory_space<hbm>>
      %dma_start3A_1029 = tpu.memref_squeeze %dma_start3A_1028 : memref<1x400xi32, #tpu.memory_space<hbm>> -> memref<400xi32, #tpu.memory_space<hbm>>
      tpu.enqueue_dma source(%dma_start3A_1029 : memref<400xi32, #tpu.memory_space<hbm>>) target(%arg8 : memref<400xi32, #tpu.memory_space<vmem>>) target_semaphore(%run_scoped3A : memref<!tpu.dma_semaphore, #tpu.memory_space<semaphore_mem>>)
      %dma_wait3A_1030 = arith.constant 0 : i32
      %dma_wait3A_1031 = tpu.memref_slice %arg4[%add3A_553, %dma_wait3A_1030] : memref<256x400xi32, #tpu.memory_space<hbm>> -> memref<1x400xi32, #tpu.memory_space<hbm>>
      %dma_wait3A_1032 = tpu.memref_squeeze %dma_wait3A_1031 : memref<1x400xi32, #tpu.memory_space<hbm>> -> memref<400xi32, #tpu.memory_space<hbm>>
      %dma_wait3A_1033 = arith.constant 0 : i32
      %dma_wait3A_1034 = tpu.memref_slice %arg4[%add3A_553, %dma_wait3A_1033] : memref<256x400xi32, #tpu.memory_space<hbm>> -> memref<1x400xi32, #tpu.memory_space<hbm>>
      %dma_wait3A_1035 = tpu.memref_squeeze %dma_wait3A_1034 : memref<1x400xi32, #tpu.memory_space<hbm>> -> memref<400xi32, #tpu.memory_space<hbm>>
      tpu.wait_dma2 semaphore(%run_scoped3A : memref<!tpu.dma_semaphore, #tpu.memory_space<semaphore_mem>>) src(%dma_wait3A_1035 : memref<400xi32, #tpu.memory_space<hbm>>) dst(%arg8 : memref<400xi32, #tpu.memory_space<vmem>>)
      tpu.yield
    }) : () -> ()
    %dma_start3A_569 = arith.constant 0 : i32
    %dma_start3A_570 = arith.constant 0 : i32
    %dma_start3A_571 = tpu.memref_slice %arg3[%dma_start3A_569, %dma_start3A_570] : memref<10000x128xf32, #tpu.memory_space<hbm>> -> memref<10000x128xf32, #tpu.memory_space<hbm>>
    tpu.enqueue_indirect_dma source(%dma_start3A_571 : memref<10000x128xf32, #tpu.memory_space<hbm>>) target(%arg9 : memref<400x128xf32, #tpu.memory_space<vmem>>) offsets(%arg8 : memref<400xi32, #tpu.memory_space<vmem>>) semaphore(%arg11 : memref<!tpu.dma_semaphore, #tpu.memory_space<semaphore_mem>>)
    %dma_wait3A_572 = arith.constant 0 : i32
    %dma_wait3A_573 = arith.constant 0 : i32
    %dma_wait3A_574 = tpu.memref_slice %arg3[%dma_wait3A_572, %dma_wait3A_573] : memref<10000x128xf32, #tpu.memory_space<hbm>> -> memref<10000x128xf32, #tpu.memory_space<hbm>>
    tpu.wait_indirect_dma semaphore(%arg11 : memref<!tpu.dma_semaphore, #tpu.memory_space<semaphore_mem>>) src(%dma_wait3A_574 : memref<10000x128xf32, #tpu.memory_space<hbm>>) dst(%arg9 : memref<400x128xf32, #tpu.memory_space<vmem>>)
    %add3A_575 = arith.constant 64 : i32
    %add3A_576 = arith.addi %add3A, %add3A_575 : i32
    %dma_start3A_577 = arith.constant 0 : i32
    %dma_start3A_578 = arith.constant 0 : i32
    %dma_start3A_579 = arith.constant 0 : i32
    %dma_start3A_580 = tpu.memref_slice %arg7[%dma_start3A_577, %add3A_576, %dma_start3A_578, %dma_start3A_579] : memref<2x250x400x128xf32, #tpu.memory_space<hbm>> -> memref<1x1x400x128xf32, #tpu.memory_space<hbm>>
    %dma_start3A_581 = tpu.memref_squeeze %dma_start3A_580 : memref<1x1x400x128xf32, #tpu.memory_space<hbm>> -> memref<400x128xf32, #tpu.memory_space<hbm>>
    %dma_start3A_582 = arith.constant 0 : i32
    %dma_start3A_583 = arith.constant 0 : i32
    %dma_start3A_584 = tpu.memref_slice %arg7[%dma_start3A_577, %add3A_576, %dma_start3A_582, %dma_start3A_583] : memref<2x250x400x128xf32, #tpu.memory_space<hbm>> -> memref<1x1x400x128xf32, #tpu.memory_space<hbm>>
    %dma_start3A_585 = tpu.memref_squeeze %dma_start3A_584 : memref<1x1x400x128xf32, #tpu.memory_space<hbm>> -> memref<400x128xf32, #tpu.memory_space<hbm>>
    tpu.enqueue_dma source(%arg9 : memref<400x128xf32, #tpu.memory_space<vmem>>) target(%dma_start3A_585 : memref<400x128xf32, #tpu.memory_space<hbm>>) target_semaphore(%arg12 : memref<!tpu.dma_semaphore, #tpu.memory_space<semaphore_mem>>)
    %add3A_586 = arith.constant 96 : i32
    %add3A_587 = arith.addi %add3A, %add3A_586 : i32
    %add3A_588 = arith.constant 32 : i32
    %add3A_589 = arith.addi %add3A, %add3A_588 : i32
    %add3A_590 = arith.constant 32 : i32
    %add3A_591 = arith.addi %add3A, %add3A_590 : i32
    %dma_wait3A_592 = arith.constant 0 : i32
    %dma_wait3A_593 = arith.constant 0 : i32
    %dma_wait3A_594 = arith.constant 0 : i32
    %dma_wait3A_595 = tpu.memref_slice %arg7[%dma_wait3A_592, %add3A_589, %dma_wait3A_593, %dma_wait3A_594] : memref<2x250x400x128xf32, #tpu.memory_space<hbm>> -> memref<1x1x400x128xf32, #tpu.memory_space<hbm>>
    %dma_wait3A_596 = tpu.memref_squeeze %dma_wait3A_595 : memref<1x1x400x128xf32, #tpu.memory_space<hbm>> -> memref<400x128xf32, #tpu.memory_space<hbm>>
    %dma_wait3A_597 = arith.constant 0 : i32
    %dma_wait3A_598 = arith.constant 0 : i32
    %dma_wait3A_599 = tpu.memref_slice %arg7[%dma_wait3A_592, %add3A_589, %dma_wait3A_597, %dma_wait3A_598] : memref<2x250x400x128xf32, #tpu.memory_space<hbm>> -> memref<1x1x400x128xf32, #tpu.memory_space<hbm>>
    %dma_wait3A_600 = tpu.memref_squeeze %dma_wait3A_599 : memref<1x1x400x128xf32, #tpu.memory_space<hbm>> -> memref<400x128xf32, #tpu.memory_space<hbm>>
    tpu.wait_dma2 semaphore(%arg13 : memref<!tpu.dma_semaphore, #tpu.memory_space<semaphore_mem>>) src(%arg10 : memref<400x128xf32, #tpu.memory_space<vmem>>) dst(%dma_wait3A_600 : memref<400x128xf32, #tpu.memory_space<hbm>>)
    %add3A_601 = arith.constant 96 : i32
    %add3A_602 = arith.addi %add3A, %add3A_601 : i32
    "tpu.region"() ({
      %run_scoped3A = tpu.sem_alloc : memref<!tpu.dma_semaphore, #tpu.memory_space<semaphore_mem>>
      %dma_start3A_1024 = arith.constant 0 : i32
      %dma_start3A_1025 = tpu.memref_slice %arg4[%add3A_587, %dma_start3A_1024] : memref<256x400xi32, #tpu.memory_space<hbm>> -> memref<1x400xi32, #tpu.memory_space<hbm>>
      %dma_start3A_1026 = tpu.memref_squeeze %dma_start3A_1025 : memref<1x400xi32, #tpu.memory_space<hbm>> -> memref<400xi32, #tpu.memory_space<hbm>>
      %dma_start3A_1027 = arith.constant 0 : i32
      %dma_start3A_1028 = tpu.memref_slice %arg4[%add3A_587, %dma_start3A_1027] : memref<256x400xi32, #tpu.memory_space<hbm>> -> memref<1x400xi32, #tpu.memory_space<hbm>>
      %dma_start3A_1029 = tpu.memref_squeeze %dma_start3A_1028 : memref<1x400xi32, #tpu.memory_space<hbm>> -> memref<400xi32, #tpu.memory_space<hbm>>
      tpu.enqueue_dma source(%dma_start3A_1029 : memref<400xi32, #tpu.memory_space<hbm>>) target(%arg8 : memref<400xi32, #tpu.memory_space<vmem>>) target_semaphore(%run_scoped3A : memref<!tpu.dma_semaphore, #tpu.memory_space<semaphore_mem>>)
      %dma_wait3A_1030 = arith.constant 0 : i32
      %dma_wait3A_1031 = tpu.memref_slice %arg4[%add3A_587, %dma_wait3A_1030] : memref<256x400xi32, #tpu.memory_space<hbm>> -> memref<1x400xi32, #tpu.memory_space<hbm>>
      %dma_wait3A_1032 = tpu.memref_squeeze %dma_wait3A_1031 : memref<1x400xi32, #tpu.memory_space<hbm>> -> memref<400xi32, #tpu.memory_space<hbm>>
      %dma_wait3A_1033 = arith.constant 0 : i32
      %dma_wait3A_1034 = tpu.memref_slice %arg4[%add3A_587, %dma_wait3A_1033] : memref<256x400xi32, #tpu.memory_space<hbm>> -> memref<1x400xi32, #tpu.memory_space<hbm>>
      %dma_wait3A_1035 = tpu.memref_squeeze %dma_wait3A_1034 : memref<1x400xi32, #tpu.memory_space<hbm>> -> memref<400xi32, #tpu.memory_space<hbm>>
      tpu.wait_dma2 semaphore(%run_scoped3A : memref<!tpu.dma_semaphore, #tpu.memory_space<semaphore_mem>>) src(%dma_wait3A_1035 : memref<400xi32, #tpu.memory_space<hbm>>) dst(%arg8 : memref<400xi32, #tpu.memory_space<vmem>>)
      tpu.yield
    }) : () -> ()
    %dma_start3A_603 = arith.constant 0 : i32
    %dma_start3A_604 = arith.constant 0 : i32
    %dma_start3A_605 = tpu.memref_slice %arg3[%dma_start3A_603, %dma_start3A_604] : memref<10000x128xf32, #tpu.memory_space<hbm>> -> memref<10000x128xf32, #tpu.memory_space<hbm>>
    tpu.enqueue_indirect_dma source(%dma_start3A_605 : memref<10000x128xf32, #tpu.memory_space<hbm>>) target(%arg10 : memref<400x128xf32, #tpu.memory_space<vmem>>) offsets(%arg8 : memref<400xi32, #tpu.memory_space<vmem>>) semaphore(%arg11 : memref<!tpu.dma_semaphore, #tpu.memory_space<semaphore_mem>>)
    %dma_wait3A_606 = arith.constant 0 : i32
    %dma_wait3A_607 = arith.constant 0 : i32
    %dma_wait3A_608 = tpu.memref_slice %arg3[%dma_wait3A_606, %dma_wait3A_607] : memref<10000x128xf32, #tpu.memory_space<hbm>> -> memref<10000x128xf32, #tpu.memory_space<hbm>>
    tpu.wait_indirect_dma semaphore(%arg11 : memref<!tpu.dma_semaphore, #tpu.memory_space<semaphore_mem>>) src(%dma_wait3A_608 : memref<10000x128xf32, #tpu.memory_space<hbm>>) dst(%arg10 : memref<400x128xf32, #tpu.memory_space<vmem>>)
    %add3A_609 = arith.constant 96 : i32
    %add3A_610 = arith.addi %add3A, %add3A_609 : i32
    %dma_start3A_611 = arith.constant 0 : i32
    %dma_start3A_612 = arith.constant 0 : i32
    %dma_start3A_613 = arith.constant 0 : i32
    %dma_start3A_614 = tpu.memref_slice %arg7[%dma_start3A_611, %add3A_610, %dma_start3A_612, %dma_start3A_613] : memref<2x250x400x128xf32, #tpu.memory_space<hbm>> -> memref<1x1x400x128xf32, #tpu.memory_space<hbm>>
    %dma_start3A_615 = tpu.memref_squeeze %dma_start3A_614 : memref<1x1x400x128xf32, #tpu.memory_space<hbm>> -> memref<400x128xf32, #tpu.memory_space<hbm>>
    %dma_start3A_616 = arith.constant 0 : i32
    %dma_start3A_617 = arith.constant 0 : i32
    %dma_start3A_618 = tpu.memref_slice %arg7[%dma_start3A_611, %add3A_610, %dma_start3A_616, %dma_start3A_617] : memref<2x250x400x128xf32, #tpu.memory_space<hbm>> -> memref<1x1x400x128xf32, #tpu.memory_space<hbm>>
    %dma_start3A_619 = tpu.memref_squeeze %dma_start3A_618 : memref<1x1x400x128xf32, #tpu.memory_space<hbm>> -> memref<400x128xf32, #tpu.memory_space<hbm>>
    tpu.enqueue_dma source(%arg10 : memref<400x128xf32, #tpu.memory_space<vmem>>) target(%dma_start3A_619 : memref<400x128xf32, #tpu.memory_space<hbm>>) target_semaphore(%arg13 : memref<!tpu.dma_semaphore, #tpu.memory_space<semaphore_mem>>)
    %add3A_620 = arith.constant 128 : i32
    %add3A_621 = arith.addi %add3A, %add3A_620 : i32
    %add3A_622 = arith.constant 64 : i32
    %add3A_623 = arith.addi %add3A, %add3A_622 : i32
    %add3A_624 = arith.constant 64 : i32
    %add3A_625 = arith.addi %add3A, %add3A_624 : i32
    %dma_wait3A_626 = arith.constant 0 : i32
    %dma_wait3A_627 = arith.constant 0 : i32
    %dma_wait3A_628 = arith.constant 0 : i32
    %dma_wait3A_629 = tpu.memref_slice %arg7[%dma_wait3A_626, %add3A_623, %dma_wait3A_627, %dma_wait3A_628] : memref<2x250x400x128xf32, #tpu.memory_space<hbm>> -> memref<1x1x400x128xf32, #tpu.memory_space<hbm>>
    %dma_wait3A_630 = tpu.memref_squeeze %dma_wait3A_629 : memref<1x1x400x128xf32, #tpu.memory_space<hbm>> -> memref<400x128xf32, #tpu.memory_space<hbm>>
    %dma_wait3A_631 = arith.constant 0 : i32
    %dma_wait3A_632 = arith.constant 0 : i32
    %dma_wait3A_633 = tpu.memref_slice %arg7[%dma_wait3A_626, %add3A_623, %dma_wait3A_631, %dma_wait3A_632] : memref<2x250x400x128xf32, #tpu.memory_space<hbm>> -> memref<1x1x400x128xf32, #tpu.memory_space<hbm>>
    %dma_wait3A_634 = tpu.memref_squeeze %dma_wait3A_633 : memref<1x1x400x128xf32, #tpu.memory_space<hbm>> -> memref<400x128xf32, #tpu.memory_space<hbm>>
    tpu.wait_dma2 semaphore(%arg12 : memref<!tpu.dma_semaphore, #tpu.memory_space<semaphore_mem>>) src(%arg9 : memref<400x128xf32, #tpu.memory_space<vmem>>) dst(%dma_wait3A_634 : memref<400x128xf32, #tpu.memory_space<hbm>>)
    %add3A_635 = arith.constant 128 : i32
    %add3A_636 = arith.addi %add3A, %add3A_635 : i32
    "tpu.region"() ({
      %run_scoped3A = tpu.sem_alloc : memref<!tpu.dma_semaphore, #tpu.memory_space<semaphore_mem>>
      %dma_start3A_1024 = arith.constant 0 : i32
      %dma_start3A_1025 = tpu.memref_slice %arg4[%add3A_621, %dma_start3A_1024] : memref<256x400xi32, #tpu.memory_space<hbm>> -> memref<1x400xi32, #tpu.memory_space<hbm>>
      %dma_start3A_1026 = tpu.memref_squeeze %dma_start3A_1025 : memref<1x400xi32, #tpu.memory_space<hbm>> -> memref<400xi32, #tpu.memory_space<hbm>>
      %dma_start3A_1027 = arith.constant 0 : i32
      %dma_start3A_1028 = tpu.memref_slice %arg4[%add3A_621, %dma_start3A_1027] : memref<256x400xi32, #tpu.memory_space<hbm>> -> memref<1x400xi32, #tpu.memory_space<hbm>>
      %dma_start3A_1029 = tpu.memref_squeeze %dma_start3A_1028 : memref<1x400xi32, #tpu.memory_space<hbm>> -> memref<400xi32, #tpu.memory_space<hbm>>
      tpu.enqueue_dma source(%dma_start3A_1029 : memref<400xi32, #tpu.memory_space<hbm>>) target(%arg8 : memref<400xi32, #tpu.memory_space<vmem>>) target_semaphore(%run_scoped3A : memref<!tpu.dma_semaphore, #tpu.memory_space<semaphore_mem>>)
      %dma_wait3A_1030 = arith.constant 0 : i32
      %dma_wait3A_1031 = tpu.memref_slice %arg4[%add3A_621, %dma_wait3A_1030] : memref<256x400xi32, #tpu.memory_space<hbm>> -> memref<1x400xi32, #tpu.memory_space<hbm>>
      %dma_wait3A_1032 = tpu.memref_squeeze %dma_wait3A_1031 : memref<1x400xi32, #tpu.memory_space<hbm>> -> memref<400xi32, #tpu.memory_space<hbm>>
      %dma_wait3A_1033 = arith.constant 0 : i32
      %dma_wait3A_1034 = tpu.memref_slice %arg4[%add3A_621, %dma_wait3A_1033] : memref<256x400xi32, #tpu.memory_space<hbm>> -> memref<1x400xi32, #tpu.memory_space<hbm>>
      %dma_wait3A_1035 = tpu.memref_squeeze %dma_wait3A_1034 : memref<1x400xi32, #tpu.memory_space<hbm>> -> memref<400xi32, #tpu.memory_space<hbm>>
      tpu.wait_dma2 semaphore(%run_scoped3A : memref<!tpu.dma_semaphore, #tpu.memory_space<semaphore_mem>>) src(%dma_wait3A_1035 : memref<400xi32, #tpu.memory_space<hbm>>) dst(%arg8 : memref<400xi32, #tpu.memory_space<vmem>>)
      tpu.yield
    }) : () -> ()
    %dma_start3A_637 = arith.constant 0 : i32
    %dma_start3A_638 = arith.constant 0 : i32
    %dma_start3A_639 = tpu.memref_slice %arg3[%dma_start3A_637, %dma_start3A_638] : memref<10000x128xf32, #tpu.memory_space<hbm>> -> memref<10000x128xf32, #tpu.memory_space<hbm>>
    tpu.enqueue_indirect_dma source(%dma_start3A_639 : memref<10000x128xf32, #tpu.memory_space<hbm>>) target(%arg9 : memref<400x128xf32, #tpu.memory_space<vmem>>) offsets(%arg8 : memref<400xi32, #tpu.memory_space<vmem>>) semaphore(%arg11 : memref<!tpu.dma_semaphore, #tpu.memory_space<semaphore_mem>>)
    %dma_wait3A_640 = arith.constant 0 : i32
    %dma_wait3A_641 = arith.constant 0 : i32
    %dma_wait3A_642 = tpu.memref_slice %arg3[%dma_wait3A_640, %dma_wait3A_641] : memref<10000x128xf32, #tpu.memory_space<hbm>> -> memref<10000x128xf32, #tpu.memory_space<hbm>>
    tpu.wait_indirect_dma semaphore(%arg11 : memref<!tpu.dma_semaphore, #tpu.memory_space<semaphore_mem>>) src(%dma_wait3A_642 : memref<10000x128xf32, #tpu.memory_space<hbm>>) dst(%arg9 : memref<400x128xf32, #tpu.memory_space<vmem>>)
    %add3A_643 = arith.constant 128 : i32
    %add3A_644 = arith.addi %add3A, %add3A_643 : i32
    %dma_start3A_645 = arith.constant 0 : i32
    %dma_start3A_646 = arith.constant 0 : i32
    %dma_start3A_647 = arith.constant 0 : i32
    %dma_start3A_648 = tpu.memref_slice %arg7[%dma_start3A_645, %add3A_644, %dma_start3A_646, %dma_start3A_647] : memref<2x250x400x128xf32, #tpu.memory_space<hbm>> -> memref<1x1x400x128xf32, #tpu.memory_space<hbm>>
    %dma_start3A_649 = tpu.memref_squeeze %dma_start3A_648 : memref<1x1x400x128xf32, #tpu.memory_space<hbm>> -> memref<400x128xf32, #tpu.memory_space<hbm>>
    %dma_start3A_650 = arith.constant 0 : i32
    %dma_start3A_651 = arith.constant 0 : i32
    %dma_start3A_652 = tpu.memref_slice %arg7[%dma_start3A_645, %add3A_644, %dma_start3A_650, %dma_start3A_651] : memref<2x250x400x128xf32, #tpu.memory_space<hbm>> -> memref<1x1x400x128xf32, #tpu.memory_space<hbm>>
    %dma_start3A_653 = tpu.memref_squeeze %dma_start3A_652 : memref<1x1x400x128xf32, #tpu.memory_space<hbm>> -> memref<400x128xf32, #tpu.memory_space<hbm>>
    tpu.enqueue_dma source(%arg9 : memref<400x128xf32, #tpu.memory_space<vmem>>) target(%dma_start3A_653 : memref<400x128xf32, #tpu.memory_space<hbm>>) target_semaphore(%arg12 : memref<!tpu.dma_semaphore, #tpu.memory_space<semaphore_mem>>)
    %add3A_654 = arith.constant 160 : i32
    %add3A_655 = arith.addi %add3A, %add3A_654 : i32
    %add3A_656 = arith.constant 96 : i32
    %add3A_657 = arith.addi %add3A, %add3A_656 : i32
    %add3A_658 = arith.constant 96 : i32
    %add3A_659 = arith.addi %add3A, %add3A_658 : i32
    %dma_wait3A_660 = arith.constant 0 : i32
    %dma_wait3A_661 = arith.constant 0 : i32
    %dma_wait3A_662 = arith.constant 0 : i32
    %dma_wait3A_663 = tpu.memref_slice %arg7[%dma_wait3A_660, %add3A_657, %dma_wait3A_661, %dma_wait3A_662] : memref<2x250x400x128xf32, #tpu.memory_space<hbm>> -> memref<1x1x400x128xf32, #tpu.memory_space<hbm>>
    %dma_wait3A_664 = tpu.memref_squeeze %dma_wait3A_663 : memref<1x1x400x128xf32, #tpu.memory_space<hbm>> -> memref<400x128xf32, #tpu.memory_space<hbm>>
    %dma_wait3A_665 = arith.constant 0 : i32
    %dma_wait3A_666 = arith.constant 0 : i32
    %dma_wait3A_667 = tpu.memref_slice %arg7[%dma_wait3A_660, %add3A_657, %dma_wait3A_665, %dma_wait3A_666] : memref<2x250x400x128xf32, #tpu.memory_space<hbm>> -> memref<1x1x400x128xf32, #tpu.memory_space<hbm>>
    %dma_wait3A_668 = tpu.memref_squeeze %dma_wait3A_667 : memref<1x1x400x128xf32, #tpu.memory_space<hbm>> -> memref<400x128xf32, #tpu.memory_space<hbm>>
    tpu.wait_dma2 semaphore(%arg13 : memref<!tpu.dma_semaphore, #tpu.memory_space<semaphore_mem>>) src(%arg10 : memref<400x128xf32, #tpu.memory_space<vmem>>) dst(%dma_wait3A_668 : memref<400x128xf32, #tpu.memory_space<hbm>>)
    %add3A_669 = arith.constant 160 : i32
    %add3A_670 = arith.addi %add3A, %add3A_669 : i32
    "tpu.region"() ({
      %run_scoped3A = tpu.sem_alloc : memref<!tpu.dma_semaphore, #tpu.memory_space<semaphore_mem>>
      %dma_start3A_1024 = arith.constant 0 : i32
      %dma_start3A_1025 = tpu.memref_slice %arg4[%add3A_655, %dma_start3A_1024] : memref<256x400xi32, #tpu.memory_space<hbm>> -> memref<1x400xi32, #tpu.memory_space<hbm>>
      %dma_start3A_1026 = tpu.memref_squeeze %dma_start3A_1025 : memref<1x400xi32, #tpu.memory_space<hbm>> -> memref<400xi32, #tpu.memory_space<hbm>>
      %dma_start3A_1027 = arith.constant 0 : i32
      %dma_start3A_1028 = tpu.memref_slice %arg4[%add3A_655, %dma_start3A_1027] : memref<256x400xi32, #tpu.memory_space<hbm>> -> memref<1x400xi32, #tpu.memory_space<hbm>>
      %dma_start3A_1029 = tpu.memref_squeeze %dma_start3A_1028 : memref<1x400xi32, #tpu.memory_space<hbm>> -> memref<400xi32, #tpu.memory_space<hbm>>
      tpu.enqueue_dma source(%dma_start3A_1029 : memref<400xi32, #tpu.memory_space<hbm>>) target(%arg8 : memref<400xi32, #tpu.memory_space<vmem>>) target_semaphore(%run_scoped3A : memref<!tpu.dma_semaphore, #tpu.memory_space<semaphore_mem>>)
      %dma_wait3A_1030 = arith.constant 0 : i32
      %dma_wait3A_1031 = tpu.memref_slice %arg4[%add3A_655, %dma_wait3A_1030] : memref<256x400xi32, #tpu.memory_space<hbm>> -> memref<1x400xi32, #tpu.memory_space<hbm>>
      %dma_wait3A_1032 = tpu.memref_squeeze %dma_wait3A_1031 : memref<1x400xi32, #tpu.memory_space<hbm>> -> memref<400xi32, #tpu.memory_space<hbm>>
      %dma_wait3A_1033 = arith.constant 0 : i32
      %dma_wait3A_1034 = tpu.memref_slice %arg4[%add3A_655, %dma_wait3A_1033] : memref<256x400xi32, #tpu.memory_space<hbm>> -> memref<1x400xi32, #tpu.memory_space<hbm>>
      %dma_wait3A_1035 = tpu.memref_squeeze %dma_wait3A_1034 : memref<1x400xi32, #tpu.memory_space<hbm>> -> memref<400xi32, #tpu.memory_space<hbm>>
      tpu.wait_dma2 semaphore(%run_scoped3A : memref<!tpu.dma_semaphore, #tpu.memory_space<semaphore_mem>>) src(%dma_wait3A_1035 : memref<400xi32, #tpu.memory_space<hbm>>) dst(%arg8 : memref<400xi32, #tpu.memory_space<vmem>>)
      tpu.yield
    }) : () -> ()
    %dma_start3A_671 = arith.constant 0 : i32
    %dma_start3A_672 = arith.constant 0 : i32
    %dma_start3A_673 = tpu.memref_slice %arg3[%dma_start3A_671, %dma_start3A_672] : memref<10000x128xf32, #tpu.memory_space<hbm>> -> memref<10000x128xf32, #tpu.memory_space<hbm>>
    tpu.enqueue_indirect_dma source(%dma_start3A_673 : memref<10000x128xf32, #tpu.memory_space<hbm>>) target(%arg10 : memref<400x128xf32, #tpu.memory_space<vmem>>) offsets(%arg8 : memref<400xi32, #tpu.memory_space<vmem>>) semaphore(%arg11 : memref<!tpu.dma_semaphore, #tpu.memory_space<semaphore_mem>>)
    %dma_wait3A_674 = arith.constant 0 : i32
    %dma_wait3A_675 = arith.constant 0 : i32
    %dma_wait3A_676 = tpu.memref_slice %arg3[%dma_wait3A_674, %dma_wait3A_675] : memref<10000x128xf32, #tpu.memory_space<hbm>> -> memref<10000x128xf32, #tpu.memory_space<hbm>>
    tpu.wait_indirect_dma semaphore(%arg11 : memref<!tpu.dma_semaphore, #tpu.memory_space<semaphore_mem>>) src(%dma_wait3A_676 : memref<10000x128xf32, #tpu.memory_space<hbm>>) dst(%arg10 : memref<400x128xf32, #tpu.memory_space<vmem>>)
    %add3A_677 = arith.constant 160 : i32
    %add3A_678 = arith.addi %add3A, %add3A_677 : i32
    %dma_start3A_679 = arith.constant 0 : i32
    %dma_start3A_680 = arith.constant 0 : i32
    %dma_start3A_681 = arith.constant 0 : i32
    %dma_start3A_682 = tpu.memref_slice %arg7[%dma_start3A_679, %add3A_678, %dma_start3A_680, %dma_start3A_681] : memref<2x250x400x128xf32, #tpu.memory_space<hbm>> -> memref<1x1x400x128xf32, #tpu.memory_space<hbm>>
    %dma_start3A_683 = tpu.memref_squeeze %dma_start3A_682 : memref<1x1x400x128xf32, #tpu.memory_space<hbm>> -> memref<400x128xf32, #tpu.memory_space<hbm>>
    %dma_start3A_684 = arith.constant 0 : i32
    %dma_start3A_685 = arith.constant 0 : i32
    %dma_start3A_686 = tpu.memref_slice %arg7[%dma_start3A_679, %add3A_678, %dma_start3A_684, %dma_start3A_685] : memref<2x250x400x128xf32, #tpu.memory_space<hbm>> -> memref<1x1x400x128xf32, #tpu.memory_space<hbm>>
    %dma_start3A_687 = tpu.memref_squeeze %dma_start3A_686 : memref<1x1x400x128xf32, #tpu.memory_space<hbm>> -> memref<400x128xf32, #tpu.memory_space<hbm>>
    tpu.enqueue_dma source(%arg10 : memref<400x128xf32, #tpu.memory_space<vmem>>) target(%dma_start3A_687 : memref<400x128xf32, #tpu.memory_space<hbm>>) target_semaphore(%arg13 : memref<!tpu.dma_semaphore, #tpu.memory_space<semaphore_mem>>)
    %add3A_688 = arith.constant 192 : i32
    %add3A_689 = arith.addi %add3A, %add3A_688 : i32
    %add3A_690 = arith.constant 128 : i32
    %add3A_691 = arith.addi %add3A, %add3A_690 : i32
    %add3A_692 = arith.constant 128 : i32
    %add3A_693 = arith.addi %add3A, %add3A_692 : i32
    %dma_wait3A_694 = arith.constant 0 : i32
    %dma_wait3A_695 = arith.constant 0 : i32
    %dma_wait3A_696 = arith.constant 0 : i32
    %dma_wait3A_697 = tpu.memref_slice %arg7[%dma_wait3A_694, %add3A_691, %dma_wait3A_695, %dma_wait3A_696] : memref<2x250x400x128xf32, #tpu.memory_space<hbm>> -> memref<1x1x400x128xf32, #tpu.memory_space<hbm>>
    %dma_wait3A_698 = tpu.memref_squeeze %dma_wait3A_697 : memref<1x1x400x128xf32, #tpu.memory_space<hbm>> -> memref<400x128xf32, #tpu.memory_space<hbm>>
    %dma_wait3A_699 = arith.constant 0 : i32
    %dma_wait3A_700 = arith.constant 0 : i32
    %dma_wait3A_701 = tpu.memref_slice %arg7[%dma_wait3A_694, %add3A_691, %dma_wait3A_699, %dma_wait3A_700] : memref<2x250x400x128xf32, #tpu.memory_space<hbm>> -> memref<1x1x400x128xf32, #tpu.memory_space<hbm>>
    %dma_wait3A_702 = tpu.memref_squeeze %dma_wait3A_701 : memref<1x1x400x128xf32, #tpu.memory_space<hbm>> -> memref<400x128xf32, #tpu.memory_space<hbm>>
    tpu.wait_dma2 semaphore(%arg12 : memref<!tpu.dma_semaphore, #tpu.memory_space<semaphore_mem>>) src(%arg9 : memref<400x128xf32, #tpu.memory_space<vmem>>) dst(%dma_wait3A_702 : memref<400x128xf32, #tpu.memory_space<hbm>>)
    %add3A_703 = arith.constant 192 : i32
    %add3A_704 = arith.addi %add3A, %add3A_703 : i32
    "tpu.region"() ({
      %run_scoped3A = tpu.sem_alloc : memref<!tpu.dma_semaphore, #tpu.memory_space<semaphore_mem>>
      %dma_start3A_1024 = arith.constant 0 : i32
      %dma_start3A_1025 = tpu.memref_slice %arg4[%add3A_689, %dma_start3A_1024] : memref<256x400xi32, #tpu.memory_space<hbm>> -> memref<1x400xi32, #tpu.memory_space<hbm>>
      %dma_start3A_1026 = tpu.memref_squeeze %dma_start3A_1025 : memref<1x400xi32, #tpu.memory_space<hbm>> -> memref<400xi32, #tpu.memory_space<hbm>>
      %dma_start3A_1027 = arith.constant 0 : i32
      %dma_start3A_1028 = tpu.memref_slice %arg4[%add3A_689, %dma_start3A_1027] : memref<256x400xi32, #tpu.memory_space<hbm>> -> memref<1x400xi32, #tpu.memory_space<hbm>>
      %dma_start3A_1029 = tpu.memref_squeeze %dma_start3A_1028 : memref<1x400xi32, #tpu.memory_space<hbm>> -> memref<400xi32, #tpu.memory_space<hbm>>
      tpu.enqueue_dma source(%dma_start3A_1029 : memref<400xi32, #tpu.memory_space<hbm>>) target(%arg8 : memref<400xi32, #tpu.memory_space<vmem>>) target_semaphore(%run_scoped3A : memref<!tpu.dma_semaphore, #tpu.memory_space<semaphore_mem>>)
      %dma_wait3A_1030 = arith.constant 0 : i32
      %dma_wait3A_1031 = tpu.memref_slice %arg4[%add3A_689, %dma_wait3A_1030] : memref<256x400xi32, #tpu.memory_space<hbm>> -> memref<1x400xi32, #tpu.memory_space<hbm>>
      %dma_wait3A_1032 = tpu.memref_squeeze %dma_wait3A_1031 : memref<1x400xi32, #tpu.memory_space<hbm>> -> memref<400xi32, #tpu.memory_space<hbm>>
      %dma_wait3A_1033 = arith.constant 0 : i32
      %dma_wait3A_1034 = tpu.memref_slice %arg4[%add3A_689, %dma_wait3A_1033] : memref<256x400xi32, #tpu.memory_space<hbm>> -> memref<1x400xi32, #tpu.memory_space<hbm>>
      %dma_wait3A_1035 = tpu.memref_squeeze %dma_wait3A_1034 : memref<1x400xi32, #tpu.memory_space<hbm>> -> memref<400xi32, #tpu.memory_space<hbm>>
      tpu.wait_dma2 semaphore(%run_scoped3A : memref<!tpu.dma_semaphore, #tpu.memory_space<semaphore_mem>>) src(%dma_wait3A_1035 : memref<400xi32, #tpu.memory_space<hbm>>) dst(%arg8 : memref<400xi32, #tpu.memory_space<vmem>>)
      tpu.yield
    }) : () -> ()
    %dma_start3A_705 = arith.constant 0 : i32
    %dma_start3A_706 = arith.constant 0 : i32
    %dma_start3A_707 = tpu.memref_slice %arg3[%dma_start3A_705, %dma_start3A_706] : memref<10000x128xf32, #tpu.memory_space<hbm>> -> memref<10000x128xf32, #tpu.memory_space<hbm>>
    tpu.enqueue_indirect_dma source(%dma_start3A_707 : memref<10000x128xf32, #tpu.memory_space<hbm>>) target(%arg9 : memref<400x128xf32, #tpu.memory_space<vmem>>) offsets(%arg8 : memref<400xi32, #tpu.memory_space<vmem>>) semaphore(%arg11 : memref<!tpu.dma_semaphore, #tpu.memory_space<semaphore_mem>>)
    %dma_wait3A_708 = arith.constant 0 : i32
    %dma_wait3A_709 = arith.constant 0 : i32
    %dma_wait3A_710 = tpu.memref_slice %arg3[%dma_wait3A_708, %dma_wait3A_709] : memref<10000x128xf32, #tpu.memory_space<hbm>> -> memref<10000x128xf32, #tpu.memory_space<hbm>>
    tpu.wait_indirect_dma semaphore(%arg11 : memref<!tpu.dma_semaphore, #tpu.memory_space<semaphore_mem>>) src(%dma_wait3A_710 : memref<10000x128xf32, #tpu.memory_space<hbm>>) dst(%arg9 : memref<400x128xf32, #tpu.memory_space<vmem>>)
    %add3A_711 = arith.constant 192 : i32
    %add3A_712 = arith.addi %add3A, %add3A_711 : i32
    %dma_start3A_713 = arith.constant 0 : i32
    %dma_start3A_714 = arith.constant 0 : i32
    %dma_start3A_715 = arith.constant 0 : i32
    %dma_start3A_716 = tpu.memref_slice %arg7[%dma_start3A_713, %add3A_712, %dma_start3A_714, %dma_start3A_715] : memref<2x250x400x128xf32, #tpu.memory_space<hbm>> -> memref<1x1x400x128xf32, #tpu.memory_space<hbm>>
    %dma_start3A_717 = tpu.memref_squeeze %dma_start3A_716 : memref<1x1x400x128xf32, #tpu.memory_space<hbm>> -> memref<400x128xf32, #tpu.memory_space<hbm>>
    %dma_start3A_718 = arith.constant 0 : i32
    %dma_start3A_719 = arith.constant 0 : i32
    %dma_start3A_720 = tpu.memref_slice %arg7[%dma_start3A_713, %add3A_712, %dma_start3A_718, %dma_start3A_719] : memref<2x250x400x128xf32, #tpu.memory_space<hbm>> -> memref<1x1x400x128xf32, #tpu.memory_space<hbm>>
    %dma_start3A_721 = tpu.memref_squeeze %dma_start3A_720 : memref<1x1x400x128xf32, #tpu.memory_space<hbm>> -> memref<400x128xf32, #tpu.memory_space<hbm>>
    tpu.enqueue_dma source(%arg9 : memref<400x128xf32, #tpu.memory_space<vmem>>) target(%dma_start3A_721 : memref<400x128xf32, #tpu.memory_space<hbm>>) target_semaphore(%arg12 : memref<!tpu.dma_semaphore, #tpu.memory_space<semaphore_mem>>)
    %add3A_722 = arith.constant 224 : i32
    %add3A_723 = arith.addi %add3A, %add3A_722 : i32
    %add3A_724 = arith.constant 160 : i32
    %add3A_725 = arith.addi %add3A, %add3A_724 : i32
    %add3A_726 = arith.constant 160 : i32
    %add3A_727 = arith.addi %add3A, %add3A_726 : i32
    %dma_wait3A_728 = arith.constant 0 : i32
    %dma_wait3A_729 = arith.constant 0 : i32
    %dma_wait3A_730 = arith.constant 0 : i32
    %dma_wait3A_731 = tpu.memref_slice %arg7[%dma_wait3A_728, %add3A_725, %dma_wait3A_729, %dma_wait3A_730] : memref<2x250x400x128xf32, #tpu.memory_space<hbm>> -> memref<1x1x400x128xf32, #tpu.memory_space<hbm>>
    %dma_wait3A_732 = tpu.memref_squeeze %dma_wait3A_731 : memref<1x1x400x128xf32, #tpu.memory_space<hbm>> -> memref<400x128xf32, #tpu.memory_space<hbm>>
    %dma_wait3A_733 = arith.constant 0 : i32
    %dma_wait3A_734 = arith.constant 0 : i32
    %dma_wait3A_735 = tpu.memref_slice %arg7[%dma_wait3A_728, %add3A_725, %dma_wait3A_733, %dma_wait3A_734] : memref<2x250x400x128xf32, #tpu.memory_space<hbm>> -> memref<1x1x400x128xf32, #tpu.memory_space<hbm>>
    %dma_wait3A_736 = tpu.memref_squeeze %dma_wait3A_735 : memref<1x1x400x128xf32, #tpu.memory_space<hbm>> -> memref<400x128xf32, #tpu.memory_space<hbm>>
    tpu.wait_dma2 semaphore(%arg13 : memref<!tpu.dma_semaphore, #tpu.memory_space<semaphore_mem>>) src(%arg10 : memref<400x128xf32, #tpu.memory_space<vmem>>) dst(%dma_wait3A_736 : memref<400x128xf32, #tpu.memory_space<hbm>>)
    %add3A_737 = arith.constant 224 : i32
    %add3A_738 = arith.addi %add3A, %add3A_737 : i32
    %lt3A_739 = arith.constant 250 : i32
    %lt3A_740 = arith.cmpi slt, %add3A_738, %lt3A_739 : i32
    %convert_element_type3A_741 = arith.extui %lt3A_740 : i1 to i32
    %cond3A_742 = arith.constant 0 : i32
    %cond3A_743 = arith.cmpi ne, %convert_element_type3A_741, %cond3A_742 : i32
    scf.if %cond3A_743 {
      "tpu.region"() ({
        %run_scoped3A = tpu.sem_alloc : memref<!tpu.dma_semaphore, #tpu.memory_space<semaphore_mem>>
        %dma_start3A_1041 = arith.constant 0 : i32
        %dma_start3A_1042 = tpu.memref_slice %arg4[%add3A_723, %dma_start3A_1041] : memref<256x400xi32, #tpu.memory_space<hbm>> -> memref<1x400xi32, #tpu.memory_space<hbm>>
        %dma_start3A_1043 = tpu.memref_squeeze %dma_start3A_1042 : memref<1x400xi32, #tpu.memory_space<hbm>> -> memref<400xi32, #tpu.memory_space<hbm>>
        %dma_start3A_1044 = arith.constant 0 : i32
        %dma_start3A_1045 = tpu.memref_slice %arg4[%add3A_723, %dma_start3A_1044] : memref<256x400xi32, #tpu.memory_space<hbm>> -> memref<1x400xi32, #tpu.memory_space<hbm>>
        %dma_start3A_1046 = tpu.memref_squeeze %dma_start3A_1045 : memref<1x400xi32, #tpu.memory_space<hbm>> -> memref<400xi32, #tpu.memory_space<hbm>>
        tpu.enqueue_dma source(%dma_start3A_1046 : memref<400xi32, #tpu.memory_space<hbm>>) target(%arg8 : memref<400xi32, #tpu.memory_space<vmem>>) target_semaphore(%run_scoped3A : memref<!tpu.dma_semaphore, #tpu.memory_space<semaphore_mem>>)
        %dma_wait3A_1047 = arith.constant 0 : i32
        %dma_wait3A_1048 = tpu.memref_slice %arg4[%add3A_723, %dma_wait3A_1047] : memref<256x400xi32, #tpu.memory_space<hbm>> -> memref<1x400xi32, #tpu.memory_space<hbm>>
        %dma_wait3A_1049 = tpu.memref_squeeze %dma_wait3A_1048 : memref<1x400xi32, #tpu.memory_space<hbm>> -> memref<400xi32, #tpu.memory_space<hbm>>
        %dma_wait3A_1050 = arith.constant 0 : i32
        %dma_wait3A_1051 = tpu.memref_slice %arg4[%add3A_723, %dma_wait3A_1050] : memref<256x400xi32, #tpu.memory_space<hbm>> -> memref<1x400xi32, #tpu.memory_space<hbm>>
        %dma_wait3A_1052 = tpu.memref_squeeze %dma_wait3A_1051 : memref<1x400xi32, #tpu.memory_space<hbm>> -> memref<400xi32, #tpu.memory_space<hbm>>
        tpu.wait_dma2 semaphore(%run_scoped3A : memref<!tpu.dma_semaphore, #tpu.memory_space<semaphore_mem>>) src(%dma_wait3A_1052 : memref<400xi32, #tpu.memory_space<hbm>>) dst(%arg8 : memref<400xi32, #tpu.memory_space<vmem>>)
        tpu.yield
      }) : () -> ()
      %dma_start3A_1024 = arith.constant 0 : i32
      %dma_start3A_1025 = arith.constant 0 : i32
      %dma_start3A_1026 = tpu.memref_slice %arg3[%dma_start3A_1024, %dma_start3A_1025] : memref<10000x128xf32, #tpu.memory_space<hbm>> -> memref<10000x128xf32, #tpu.memory_space<hbm>>
      tpu.enqueue_indirect_dma source(%dma_start3A_1026 : memref<10000x128xf32, #tpu.memory_space<hbm>>) target(%arg10 : memref<400x128xf32, #tpu.memory_space<vmem>>) offsets(%arg8 : memref<400xi32, #tpu.memory_space<vmem>>) semaphore(%arg11 : memref<!tpu.dma_semaphore, #tpu.memory_space<semaphore_mem>>)
      %dma_wait3A_1027 = arith.constant 0 : i32
      %dma_wait3A_1028 = arith.constant 0 : i32
      %dma_wait3A_1029 = tpu.memref_slice %arg3[%dma_wait3A_1027, %dma_wait3A_1028] : memref<10000x128xf32, #tpu.memory_space<hbm>> -> memref<10000x128xf32, #tpu.memory_space<hbm>>
      tpu.wait_indirect_dma semaphore(%arg11 : memref<!tpu.dma_semaphore, #tpu.memory_space<semaphore_mem>>) src(%dma_wait3A_1029 : memref<10000x128xf32, #tpu.memory_space<hbm>>) dst(%arg10 : memref<400x128xf32, #tpu.memory_space<vmem>>)
      %add3A_1030 = arith.constant 224 : i32
      %add3A_1031 = arith.addi %add3A, %add3A_1030 : i32
      %dma_start3A_1032 = arith.constant 0 : i32
      %dma_start3A_1033 = arith.constant 0 : i32
      %dma_start3A_1034 = arith.constant 0 : i32
      %dma_start3A_1035 = tpu.memref_slice %arg7[%dma_start3A_1032, %add3A_1031, %dma_start3A_1033, %dma_start3A_1034] : memref<2x250x400x128xf32, #tpu.memory_space<hbm>> -> memref<1x1x400x128xf32, #tpu.memory_space<hbm>>
      %dma_start3A_1036 = tpu.memref_squeeze %dma_start3A_1035 : memref<1x1x400x128xf32, #tpu.memory_space<hbm>> -> memref<400x128xf32, #tpu.memory_space<hbm>>
      %dma_start3A_1037 = arith.constant 0 : i32
      %dma_start3A_1038 = arith.constant 0 : i32
      %dma_start3A_1039 = tpu.memref_slice %arg7[%dma_start3A_1032, %add3A_1031, %dma_start3A_1037, %dma_start3A_1038] : memref<2x250x400x128xf32, #tpu.memory_space<hbm>> -> memref<1x1x400x128xf32, #tpu.memory_space<hbm>>
      %dma_start3A_1040 = tpu.memref_squeeze %dma_start3A_1039 : memref<1x1x400x128xf32, #tpu.memory_space<hbm>> -> memref<400x128xf32, #tpu.memory_space<hbm>>
      tpu.enqueue_dma source(%arg10 : memref<400x128xf32, #tpu.memory_space<vmem>>) target(%dma_start3A_1040 : memref<400x128xf32, #tpu.memory_space<hbm>>) target_semaphore(%arg13 : memref<!tpu.dma_semaphore, #tpu.memory_space<semaphore_mem>>)
    } else {
    }
    %add3A_744 = arith.constant 0 : i32
    %add3A_745 = arith.addi %add3A, %add3A_744 : i32
    %add3A_746 = arith.constant 192 : i32
    %add3A_747 = arith.addi %add3A, %add3A_746 : i32
    %add3A_748 = arith.constant 192 : i32
    %add3A_749 = arith.addi %add3A, %add3A_748 : i32
    %dma_wait3A_750 = arith.constant 0 : i32
    %dma_wait3A_751 = arith.constant 0 : i32
    %dma_wait3A_752 = arith.constant 0 : i32
    %dma_wait3A_753 = tpu.memref_slice %arg7[%dma_wait3A_750, %add3A_747, %dma_wait3A_751, %dma_wait3A_752] : memref<2x250x400x128xf32, #tpu.memory_space<hbm>> -> memref<1x1x400x128xf32, #tpu.memory_space<hbm>>
    %dma_wait3A_754 = tpu.memref_squeeze %dma_wait3A_753 : memref<1x1x400x128xf32, #tpu.memory_space<hbm>> -> memref<400x128xf32, #tpu.memory_space<hbm>>
    %dma_wait3A_755 = arith.constant 0 : i32
    %dma_wait3A_756 = arith.constant 0 : i32
    %dma_wait3A_757 = tpu.memref_slice %arg7[%dma_wait3A_750, %add3A_747, %dma_wait3A_755, %dma_wait3A_756] : memref<2x250x400x128xf32, #tpu.memory_space<hbm>> -> memref<1x1x400x128xf32, #tpu.memory_space<hbm>>
    %dma_wait3A_758 = tpu.memref_squeeze %dma_wait3A_757 : memref<1x1x400x128xf32, #tpu.memory_space<hbm>> -> memref<400x128xf32, #tpu.memory_space<hbm>>
    tpu.wait_dma2 semaphore(%arg12 : memref<!tpu.dma_semaphore, #tpu.memory_space<semaphore_mem>>) src(%arg9 : memref<400x128xf32, #tpu.memory_space<vmem>>) dst(%dma_wait3A_758 : memref<400x128xf32, #tpu.memory_space<hbm>>)
    %add3A_759 = arith.constant 0 : i32
    %add3A_760 = arith.addi %add3A, %add3A_759 : i32
    "tpu.region"() ({
      %run_scoped3A = tpu.sem_alloc : memref<!tpu.dma_semaphore, #tpu.memory_space<semaphore_mem>>
      %dma_start3A_1024 = arith.constant 0 : i32
      %dma_start3A_1025 = tpu.memref_slice %arg5[%add3A_745, %dma_start3A_1024] : memref<256x400xi32, #tpu.memory_space<hbm>> -> memref<1x400xi32, #tpu.memory_space<hbm>>
      %dma_start3A_1026 = tpu.memref_squeeze %dma_start3A_1025 : memref<1x400xi32, #tpu.memory_space<hbm>> -> memref<400xi32, #tpu.memory_space<hbm>>
      %dma_start3A_1027 = arith.constant 0 : i32
      %dma_start3A_1028 = tpu.memref_slice %arg5[%add3A_745, %dma_start3A_1027] : memref<256x400xi32, #tpu.memory_space<hbm>> -> memref<1x400xi32, #tpu.memory_space<hbm>>
      %dma_start3A_1029 = tpu.memref_squeeze %dma_start3A_1028 : memref<1x400xi32, #tpu.memory_space<hbm>> -> memref<400xi32, #tpu.memory_space<hbm>>
      tpu.enqueue_dma source(%dma_start3A_1029 : memref<400xi32, #tpu.memory_space<hbm>>) target(%arg8 : memref<400xi32, #tpu.memory_space<vmem>>) target_semaphore(%run_scoped3A : memref<!tpu.dma_semaphore, #tpu.memory_space<semaphore_mem>>)
      %dma_wait3A_1030 = arith.constant 0 : i32
      %dma_wait3A_1031 = tpu.memref_slice %arg5[%add3A_745, %dma_wait3A_1030] : memref<256x400xi32, #tpu.memory_space<hbm>> -> memref<1x400xi32, #tpu.memory_space<hbm>>
      %dma_wait3A_1032 = tpu.memref_squeeze %dma_wait3A_1031 : memref<1x400xi32, #tpu.memory_space<hbm>> -> memref<400xi32, #tpu.memory_space<hbm>>
      %dma_wait3A_1033 = arith.constant 0 : i32
      %dma_wait3A_1034 = tpu.memref_slice %arg5[%add3A_745, %dma_wait3A_1033] : memref<256x400xi32, #tpu.memory_space<hbm>> -> memref<1x400xi32, #tpu.memory_space<hbm>>
      %dma_wait3A_1035 = tpu.memref_squeeze %dma_wait3A_1034 : memref<1x400xi32, #tpu.memory_space<hbm>> -> memref<400xi32, #tpu.memory_space<hbm>>
      tpu.wait_dma2 semaphore(%run_scoped3A : memref<!tpu.dma_semaphore, #tpu.memory_space<semaphore_mem>>) src(%dma_wait3A_1035 : memref<400xi32, #tpu.memory_space<hbm>>) dst(%arg8 : memref<400xi32, #tpu.memory_space<vmem>>)
      tpu.yield
    }) : () -> ()
    %dma_start3A_761 = arith.constant 0 : i32
    %dma_start3A_762 = arith.constant 0 : i32
    %dma_start3A_763 = tpu.memref_slice %arg3[%dma_start3A_761, %dma_start3A_762] : memref<10000x128xf32, #tpu.memory_space<hbm>> -> memref<10000x128xf32, #tpu.memory_space<hbm>>
    tpu.enqueue_indirect_dma source(%dma_start3A_763 : memref<10000x128xf32, #tpu.memory_space<hbm>>) target(%arg9 : memref<400x128xf32, #tpu.memory_space<vmem>>) offsets(%arg8 : memref<400xi32, #tpu.memory_space<vmem>>) semaphore(%arg11 : memref<!tpu.dma_semaphore, #tpu.memory_space<semaphore_mem>>)
    %dma_wait3A_764 = arith.constant 0 : i32
    %dma_wait3A_765 = arith.constant 0 : i32
    %dma_wait3A_766 = tpu.memref_slice %arg3[%dma_wait3A_764, %dma_wait3A_765] : memref<10000x128xf32, #tpu.memory_space<hbm>> -> memref<10000x128xf32, #tpu.memory_space<hbm>>
    tpu.wait_indirect_dma semaphore(%arg11 : memref<!tpu.dma_semaphore, #tpu.memory_space<semaphore_mem>>) src(%dma_wait3A_766 : memref<10000x128xf32, #tpu.memory_space<hbm>>) dst(%arg9 : memref<400x128xf32, #tpu.memory_space<vmem>>)
    %add3A_767 = arith.constant 0 : i32
    %add3A_768 = arith.addi %add3A, %add3A_767 : i32
    %dma_start3A_769 = arith.constant 1 : i32
    %dma_start3A_770 = arith.constant 0 : i32
    %dma_start3A_771 = arith.constant 0 : i32
    %dma_start3A_772 = tpu.memref_slice %arg7[%dma_start3A_769, %add3A_768, %dma_start3A_770, %dma_start3A_771] : memref<2x250x400x128xf32, #tpu.memory_space<hbm>> -> memref<1x1x400x128xf32, #tpu.memory_space<hbm>>
    %dma_start3A_773 = tpu.memref_squeeze %dma_start3A_772 : memref<1x1x400x128xf32, #tpu.memory_space<hbm>> -> memref<400x128xf32, #tpu.memory_space<hbm>>
    %dma_start3A_774 = arith.constant 0 : i32
    %dma_start3A_775 = arith.constant 0 : i32
    %dma_start3A_776 = tpu.memref_slice %arg7[%dma_start3A_769, %add3A_768, %dma_start3A_774, %dma_start3A_775] : memref<2x250x400x128xf32, #tpu.memory_space<hbm>> -> memref<1x1x400x128xf32, #tpu.memory_space<hbm>>
    %dma_start3A_777 = tpu.memref_squeeze %dma_start3A_776 : memref<1x1x400x128xf32, #tpu.memory_space<hbm>> -> memref<400x128xf32, #tpu.memory_space<hbm>>
    tpu.enqueue_dma source(%arg9 : memref<400x128xf32, #tpu.memory_space<vmem>>) target(%dma_start3A_777 : memref<400x128xf32, #tpu.memory_space<hbm>>) target_semaphore(%arg12 : memref<!tpu.dma_semaphore, #tpu.memory_space<semaphore_mem>>)
    %add3A_778 = arith.constant 32 : i32
    %add3A_779 = arith.addi %add3A, %add3A_778 : i32
    %add3A_780 = arith.constant 224 : i32
    %add3A_781 = arith.addi %add3A, %add3A_780 : i32
    %add3A_782 = arith.constant 224 : i32
    %add3A_783 = arith.addi %add3A, %add3A_782 : i32
    %lt3A_784 = arith.constant 250 : i32
    %lt3A_785 = arith.cmpi slt, %add3A_783, %lt3A_784 : i32
    %convert_element_type3A_786 = arith.extui %lt3A_785 : i1 to i32
    %cond3A_787 = arith.constant 0 : i32
    %cond3A_788 = arith.constant 0 : i32
    %cond3A_789 = arith.cmpi ne, %convert_element_type3A_786, %cond3A_788 : i32
    scf.if %cond3A_789 {
      %dma_wait3A_1024 = arith.constant 0 : i32
      %dma_wait3A_1025 = arith.constant 0 : i32
      %dma_wait3A_1026 = tpu.memref_slice %arg7[%cond3A_787, %add3A_781, %dma_wait3A_1024, %dma_wait3A_1025] : memref<2x250x400x128xf32, #tpu.memory_space<hbm>> -> memref<1x1x400x128xf32, #tpu.memory_space<hbm>>
      %dma_wait3A_1027 = tpu.memref_squeeze %dma_wait3A_1026 : memref<1x1x400x128xf32, #tpu.memory_space<hbm>> -> memref<400x128xf32, #tpu.memory_space<hbm>>
      %dma_wait3A_1028 = arith.constant 0 : i32
      %dma_wait3A_1029 = arith.constant 0 : i32
      %dma_wait3A_1030 = tpu.memref_slice %arg7[%cond3A_787, %add3A_781, %dma_wait3A_1028, %dma_wait3A_1029] : memref<2x250x400x128xf32, #tpu.memory_space<hbm>> -> memref<1x1x400x128xf32, #tpu.memory_space<hbm>>
      %dma_wait3A_1031 = tpu.memref_squeeze %dma_wait3A_1030 : memref<1x1x400x128xf32, #tpu.memory_space<hbm>> -> memref<400x128xf32, #tpu.memory_space<hbm>>
      tpu.wait_dma2 semaphore(%arg13 : memref<!tpu.dma_semaphore, #tpu.memory_space<semaphore_mem>>) src(%arg10 : memref<400x128xf32, #tpu.memory_space<vmem>>) dst(%dma_wait3A_1031 : memref<400x128xf32, #tpu.memory_space<hbm>>)
    } else {
    }
    %add3A_790 = arith.constant 32 : i32
    %add3A_791 = arith.addi %add3A, %add3A_790 : i32
    "tpu.region"() ({
      %run_scoped3A = tpu.sem_alloc : memref<!tpu.dma_semaphore, #tpu.memory_space<semaphore_mem>>
      %dma_start3A_1024 = arith.constant 0 : i32
      %dma_start3A_1025 = tpu.memref_slice %arg5[%add3A_779, %dma_start3A_1024] : memref<256x400xi32, #tpu.memory_space<hbm>> -> memref<1x400xi32, #tpu.memory_space<hbm>>
      %dma_start3A_1026 = tpu.memref_squeeze %dma_start3A_1025 : memref<1x400xi32, #tpu.memory_space<hbm>> -> memref<400xi32, #tpu.memory_space<hbm>>
      %dma_start3A_1027 = arith.constant 0 : i32
      %dma_start3A_1028 = tpu.memref_slice %arg5[%add3A_779, %dma_start3A_1027] : memref<256x400xi32, #tpu.memory_space<hbm>> -> memref<1x400xi32, #tpu.memory_space<hbm>>
      %dma_start3A_1029 = tpu.memref_squeeze %dma_start3A_1028 : memref<1x400xi32, #tpu.memory_space<hbm>> -> memref<400xi32, #tpu.memory_space<hbm>>
      tpu.enqueue_dma source(%dma_start3A_1029 : memref<400xi32, #tpu.memory_space<hbm>>) target(%arg8 : memref<400xi32, #tpu.memory_space<vmem>>) target_semaphore(%run_scoped3A : memref<!tpu.dma_semaphore, #tpu.memory_space<semaphore_mem>>)
      %dma_wait3A_1030 = arith.constant 0 : i32
      %dma_wait3A_1031 = tpu.memref_slice %arg5[%add3A_779, %dma_wait3A_1030] : memref<256x400xi32, #tpu.memory_space<hbm>> -> memref<1x400xi32, #tpu.memory_space<hbm>>
      %dma_wait3A_1032 = tpu.memref_squeeze %dma_wait3A_1031 : memref<1x400xi32, #tpu.memory_space<hbm>> -> memref<400xi32, #tpu.memory_space<hbm>>
      %dma_wait3A_1033 = arith.constant 0 : i32
      %dma_wait3A_1034 = tpu.memref_slice %arg5[%add3A_779, %dma_wait3A_1033] : memref<256x400xi32, #tpu.memory_space<hbm>> -> memref<1x400xi32, #tpu.memory_space<hbm>>
      %dma_wait3A_1035 = tpu.memref_squeeze %dma_wait3A_1034 : memref<1x400xi32, #tpu.memory_space<hbm>> -> memref<400xi32, #tpu.memory_space<hbm>>
      tpu.wait_dma2 semaphore(%run_scoped3A : memref<!tpu.dma_semaphore, #tpu.memory_space<semaphore_mem>>) src(%dma_wait3A_1035 : memref<400xi32, #tpu.memory_space<hbm>>) dst(%arg8 : memref<400xi32, #tpu.memory_space<vmem>>)
      tpu.yield
    }) : () -> ()
    %dma_start3A_792 = arith.constant 0 : i32
    %dma_start3A_793 = arith.constant 0 : i32
    %dma_start3A_794 = tpu.memref_slice %arg3[%dma_start3A_792, %dma_start3A_793] : memref<10000x128xf32, #tpu.memory_space<hbm>> -> memref<10000x128xf32, #tpu.memory_space<hbm>>
    tpu.enqueue_indirect_dma source(%dma_start3A_794 : memref<10000x128xf32, #tpu.memory_space<hbm>>) target(%arg10 : memref<400x128xf32, #tpu.memory_space<vmem>>) offsets(%arg8 : memref<400xi32, #tpu.memory_space<vmem>>) semaphore(%arg11 : memref<!tpu.dma_semaphore, #tpu.memory_space<semaphore_mem>>)
    %dma_wait3A_795 = arith.constant 0 : i32
    %dma_wait3A_796 = arith.constant 0 : i32
    %dma_wait3A_797 = tpu.memref_slice %arg3[%dma_wait3A_795, %dma_wait3A_796] : memref<10000x128xf32, #tpu.memory_space<hbm>> -> memref<10000x128xf32, #tpu.memory_space<hbm>>
    tpu.wait_indirect_dma semaphore(%arg11 : memref<!tpu.dma_semaphore, #tpu.memory_space<semaphore_mem>>) src(%dma_wait3A_797 : memref<10000x128xf32, #tpu.memory_space<hbm>>) dst(%arg10 : memref<400x128xf32, #tpu.memory_space<vmem>>)
    %add3A_798 = arith.constant 32 : i32
    %add3A_799 = arith.addi %add3A, %add3A_798 : i32
    %dma_start3A_800 = arith.constant 1 : i32
    %dma_start3A_801 = arith.constant 0 : i32
    %dma_start3A_802 = arith.constant 0 : i32
    %dma_start3A_803 = tpu.memref_slice %arg7[%dma_start3A_800, %add3A_799, %dma_start3A_801, %dma_start3A_802] : memref<2x250x400x128xf32, #tpu.memory_space<hbm>> -> memref<1x1x400x128xf32, #tpu.memory_space<hbm>>
    %dma_start3A_804 = tpu.memref_squeeze %dma_start3A_803 : memref<1x1x400x128xf32, #tpu.memory_space<hbm>> -> memref<400x128xf32, #tpu.memory_space<hbm>>
    %dma_start3A_805 = arith.constant 0 : i32
    %dma_start3A_806 = arith.constant 0 : i32
    %dma_start3A_807 = tpu.memref_slice %arg7[%dma_start3A_800, %add3A_799, %dma_start3A_805, %dma_start3A_806] : memref<2x250x400x128xf32, #tpu.memory_space<hbm>> -> memref<1x1x400x128xf32, #tpu.memory_space<hbm>>
    %dma_start3A_808 = tpu.memref_squeeze %dma_start3A_807 : memref<1x1x400x128xf32, #tpu.memory_space<hbm>> -> memref<400x128xf32, #tpu.memory_space<hbm>>
    tpu.enqueue_dma source(%arg10 : memref<400x128xf32, #tpu.memory_space<vmem>>) target(%dma_start3A_808 : memref<400x128xf32, #tpu.memory_space<hbm>>) target_semaphore(%arg13 : memref<!tpu.dma_semaphore, #tpu.memory_space<semaphore_mem>>)
    %add3A_809 = arith.constant 64 : i32
    %add3A_810 = arith.addi %add3A, %add3A_809 : i32
    %add3A_811 = arith.constant 0 : i32
    %add3A_812 = arith.addi %add3A, %add3A_811 : i32
    %add3A_813 = arith.constant 0 : i32
    %add3A_814 = arith.addi %add3A, %add3A_813 : i32
    %dma_wait3A_815 = arith.constant 1 : i32
    %dma_wait3A_816 = arith.constant 0 : i32
    %dma_wait3A_817 = arith.constant 0 : i32
    %dma_wait3A_818 = tpu.memref_slice %arg7[%dma_wait3A_815, %add3A_812, %dma_wait3A_816, %dma_wait3A_817] : memref<2x250x400x128xf32, #tpu.memory_space<hbm>> -> memref<1x1x400x128xf32, #tpu.memory_space<hbm>>
    %dma_wait3A_819 = tpu.memref_squeeze %dma_wait3A_818 : memref<1x1x400x128xf32, #tpu.memory_space<hbm>> -> memref<400x128xf32, #tpu.memory_space<hbm>>
    %dma_wait3A_820 = arith.constant 0 : i32
    %dma_wait3A_821 = arith.constant 0 : i32
    %dma_wait3A_822 = tpu.memref_slice %arg7[%dma_wait3A_815, %add3A_812, %dma_wait3A_820, %dma_wait3A_821] : memref<2x250x400x128xf32, #tpu.memory_space<hbm>> -> memref<1x1x400x128xf32, #tpu.memory_space<hbm>>
    %dma_wait3A_823 = tpu.memref_squeeze %dma_wait3A_822 : memref<1x1x400x128xf32, #tpu.memory_space<hbm>> -> memref<400x128xf32, #tpu.memory_space<hbm>>
    tpu.wait_dma2 semaphore(%arg12 : memref<!tpu.dma_semaphore, #tpu.memory_space<semaphore_mem>>) src(%arg9 : memref<400x128xf32, #tpu.memory_space<vmem>>) dst(%dma_wait3A_823 : memref<400x128xf32, #tpu.memory_space<hbm>>)
    %add3A_824 = arith.constant 64 : i32
    %add3A_825 = arith.addi %add3A, %add3A_824 : i32
    "tpu.region"() ({
      %run_scoped3A = tpu.sem_alloc : memref<!tpu.dma_semaphore, #tpu.memory_space<semaphore_mem>>
      %dma_start3A_1024 = arith.constant 0 : i32
      %dma_start3A_1025 = tpu.memref_slice %arg5[%add3A_810, %dma_start3A_1024] : memref<256x400xi32, #tpu.memory_space<hbm>> -> memref<1x400xi32, #tpu.memory_space<hbm>>
      %dma_start3A_1026 = tpu.memref_squeeze %dma_start3A_1025 : memref<1x400xi32, #tpu.memory_space<hbm>> -> memref<400xi32, #tpu.memory_space<hbm>>
      %dma_start3A_1027 = arith.constant 0 : i32
      %dma_start3A_1028 = tpu.memref_slice %arg5[%add3A_810, %dma_start3A_1027] : memref<256x400xi32, #tpu.memory_space<hbm>> -> memref<1x400xi32, #tpu.memory_space<hbm>>
      %dma_start3A_1029 = tpu.memref_squeeze %dma_start3A_1028 : memref<1x400xi32, #tpu.memory_space<hbm>> -> memref<400xi32, #tpu.memory_space<hbm>>
      tpu.enqueue_dma source(%dma_start3A_1029 : memref<400xi32, #tpu.memory_space<hbm>>) target(%arg8 : memref<400xi32, #tpu.memory_space<vmem>>) target_semaphore(%run_scoped3A : memref<!tpu.dma_semaphore, #tpu.memory_space<semaphore_mem>>)
      %dma_wait3A_1030 = arith.constant 0 : i32
      %dma_wait3A_1031 = tpu.memref_slice %arg5[%add3A_810, %dma_wait3A_1030] : memref<256x400xi32, #tpu.memory_space<hbm>> -> memref<1x400xi32, #tpu.memory_space<hbm>>
      %dma_wait3A_1032 = tpu.memref_squeeze %dma_wait3A_1031 : memref<1x400xi32, #tpu.memory_space<hbm>> -> memref<400xi32, #tpu.memory_space<hbm>>
      %dma_wait3A_1033 = arith.constant 0 : i32
      %dma_wait3A_1034 = tpu.memref_slice %arg5[%add3A_810, %dma_wait3A_1033] : memref<256x400xi32, #tpu.memory_space<hbm>> -> memref<1x400xi32, #tpu.memory_space<hbm>>
      %dma_wait3A_1035 = tpu.memref_squeeze %dma_wait3A_1034 : memref<1x400xi32, #tpu.memory_space<hbm>> -> memref<400xi32, #tpu.memory_space<hbm>>
      tpu.wait_dma2 semaphore(%run_scoped3A : memref<!tpu.dma_semaphore, #tpu.memory_space<semaphore_mem>>) src(%dma_wait3A_1035 : memref<400xi32, #tpu.memory_space<hbm>>) dst(%arg8 : memref<400xi32, #tpu.memory_space<vmem>>)
      tpu.yield
    }) : () -> ()
    %dma_start3A_826 = arith.constant 0 : i32
    %dma_start3A_827 = arith.constant 0 : i32
    %dma_start3A_828 = tpu.memref_slice %arg3[%dma_start3A_826, %dma_start3A_827] : memref<10000x128xf32, #tpu.memory_space<hbm>> -> memref<10000x128xf32, #tpu.memory_space<hbm>>
    tpu.enqueue_indirect_dma source(%dma_start3A_828 : memref<10000x128xf32, #tpu.memory_space<hbm>>) target(%arg9 : memref<400x128xf32, #tpu.memory_space<vmem>>) offsets(%arg8 : memref<400xi32, #tpu.memory_space<vmem>>) semaphore(%arg11 : memref<!tpu.dma_semaphore, #tpu.memory_space<semaphore_mem>>)
    %dma_wait3A_829 = arith.constant 0 : i32
    %dma_wait3A_830 = arith.constant 0 : i32
    %dma_wait3A_831 = tpu.memref_slice %arg3[%dma_wait3A_829, %dma_wait3A_830] : memref<10000x128xf32, #tpu.memory_space<hbm>> -> memref<10000x128xf32, #tpu.memory_space<hbm>>
    tpu.wait_indirect_dma semaphore(%arg11 : memref<!tpu.dma_semaphore, #tpu.memory_space<semaphore_mem>>) src(%dma_wait3A_831 : memref<10000x128xf32, #tpu.memory_space<hbm>>) dst(%arg9 : memref<400x128xf32, #tpu.memory_space<vmem>>)
    %add3A_832 = arith.constant 64 : i32
    %add3A_833 = arith.addi %add3A, %add3A_832 : i32
    %dma_start3A_834 = arith.constant 1 : i32
    %dma_start3A_835 = arith.constant 0 : i32
    %dma_start3A_836 = arith.constant 0 : i32
    %dma_start3A_837 = tpu.memref_slice %arg7[%dma_start3A_834, %add3A_833, %dma_start3A_835, %dma_start3A_836] : memref<2x250x400x128xf32, #tpu.memory_space<hbm>> -> memref<1x1x400x128xf32, #tpu.memory_space<hbm>>
    %dma_start3A_838 = tpu.memref_squeeze %dma_start3A_837 : memref<1x1x400x128xf32, #tpu.memory_space<hbm>> -> memref<400x128xf32, #tpu.memory_space<hbm>>
    %dma_start3A_839 = arith.constant 0 : i32
    %dma_start3A_840 = arith.constant 0 : i32
    %dma_start3A_841 = tpu.memref_slice %arg7[%dma_start3A_834, %add3A_833, %dma_start3A_839, %dma_start3A_840] : memref<2x250x400x128xf32, #tpu.memory_space<hbm>> -> memref<1x1x400x128xf32, #tpu.memory_space<hbm>>
    %dma_start3A_842 = tpu.memref_squeeze %dma_start3A_841 : memref<1x1x400x128xf32, #tpu.memory_space<hbm>> -> memref<400x128xf32, #tpu.memory_space<hbm>>
    tpu.enqueue_dma source(%arg9 : memref<400x128xf32, #tpu.memory_space<vmem>>) target(%dma_start3A_842 : memref<400x128xf32, #tpu.memory_space<hbm>>) target_semaphore(%arg12 : memref<!tpu.dma_semaphore, #tpu.memory_space<semaphore_mem>>)
    %add3A_843 = arith.constant 96 : i32
    %add3A_844 = arith.addi %add3A, %add3A_843 : i32
    %add3A_845 = arith.constant 32 : i32
    %add3A_846 = arith.addi %add3A, %add3A_845 : i32
    %add3A_847 = arith.constant 32 : i32
    %add3A_848 = arith.addi %add3A, %add3A_847 : i32
    %dma_wait3A_849 = arith.constant 1 : i32
    %dma_wait3A_850 = arith.constant 0 : i32
    %dma_wait3A_851 = arith.constant 0 : i32
    %dma_wait3A_852 = tpu.memref_slice %arg7[%dma_wait3A_849, %add3A_846, %dma_wait3A_850, %dma_wait3A_851] : memref<2x250x400x128xf32, #tpu.memory_space<hbm>> -> memref<1x1x400x128xf32, #tpu.memory_space<hbm>>
    %dma_wait3A_853 = tpu.memref_squeeze %dma_wait3A_852 : memref<1x1x400x128xf32, #tpu.memory_space<hbm>> -> memref<400x128xf32, #tpu.memory_space<hbm>>
    %dma_wait3A_854 = arith.constant 0 : i32
    %dma_wait3A_855 = arith.constant 0 : i32
    %dma_wait3A_856 = tpu.memref_slice %arg7[%dma_wait3A_849, %add3A_846, %dma_wait3A_854, %dma_wait3A_855] : memref<2x250x400x128xf32, #tpu.memory_space<hbm>> -> memref<1x1x400x128xf32, #tpu.memory_space<hbm>>
    %dma_wait3A_857 = tpu.memref_squeeze %dma_wait3A_856 : memref<1x1x400x128xf32, #tpu.memory_space<hbm>> -> memref<400x128xf32, #tpu.memory_space<hbm>>
    tpu.wait_dma2 semaphore(%arg13 : memref<!tpu.dma_semaphore, #tpu.memory_space<semaphore_mem>>) src(%arg10 : memref<400x128xf32, #tpu.memory_space<vmem>>) dst(%dma_wait3A_857 : memref<400x128xf32, #tpu.memory_space<hbm>>)
    %add3A_858 = arith.constant 96 : i32
    %add3A_859 = arith.addi %add3A, %add3A_858 : i32
    "tpu.region"() ({
      %run_scoped3A = tpu.sem_alloc : memref<!tpu.dma_semaphore, #tpu.memory_space<semaphore_mem>>
      %dma_start3A_1024 = arith.constant 0 : i32
      %dma_start3A_1025 = tpu.memref_slice %arg5[%add3A_844, %dma_start3A_1024] : memref<256x400xi32, #tpu.memory_space<hbm>> -> memref<1x400xi32, #tpu.memory_space<hbm>>
      %dma_start3A_1026 = tpu.memref_squeeze %dma_start3A_1025 : memref<1x400xi32, #tpu.memory_space<hbm>> -> memref<400xi32, #tpu.memory_space<hbm>>
      %dma_start3A_1027 = arith.constant 0 : i32
      %dma_start3A_1028 = tpu.memref_slice %arg5[%add3A_844, %dma_start3A_1027] : memref<256x400xi32, #tpu.memory_space<hbm>> -> memref<1x400xi32, #tpu.memory_space<hbm>>
      %dma_start3A_1029 = tpu.memref_squeeze %dma_start3A_1028 : memref<1x400xi32, #tpu.memory_space<hbm>> -> memref<400xi32, #tpu.memory_space<hbm>>
      tpu.enqueue_dma source(%dma_start3A_1029 : memref<400xi32, #tpu.memory_space<hbm>>) target(%arg8 : memref<400xi32, #tpu.memory_space<vmem>>) target_semaphore(%run_scoped3A : memref<!tpu.dma_semaphore, #tpu.memory_space<semaphore_mem>>)
      %dma_wait3A_1030 = arith.constant 0 : i32
      %dma_wait3A_1031 = tpu.memref_slice %arg5[%add3A_844, %dma_wait3A_1030] : memref<256x400xi32, #tpu.memory_space<hbm>> -> memref<1x400xi32, #tpu.memory_space<hbm>>
      %dma_wait3A_1032 = tpu.memref_squeeze %dma_wait3A_1031 : memref<1x400xi32, #tpu.memory_space<hbm>> -> memref<400xi32, #tpu.memory_space<hbm>>
      %dma_wait3A_1033 = arith.constant 0 : i32
      %dma_wait3A_1034 = tpu.memref_slice %arg5[%add3A_844, %dma_wait3A_1033] : memref<256x400xi32, #tpu.memory_space<hbm>> -> memref<1x400xi32, #tpu.memory_space<hbm>>
      %dma_wait3A_1035 = tpu.memref_squeeze %dma_wait3A_1034 : memref<1x400xi32, #tpu.memory_space<hbm>> -> memref<400xi32, #tpu.memory_space<hbm>>
      tpu.wait_dma2 semaphore(%run_scoped3A : memref<!tpu.dma_semaphore, #tpu.memory_space<semaphore_mem>>) src(%dma_wait3A_1035 : memref<400xi32, #tpu.memory_space<hbm>>) dst(%arg8 : memref<400xi32, #tpu.memory_space<vmem>>)
      tpu.yield
    }) : () -> ()
    %dma_start3A_860 = arith.constant 0 : i32
    %dma_start3A_861 = arith.constant 0 : i32
    %dma_start3A_862 = tpu.memref_slice %arg3[%dma_start3A_860, %dma_start3A_861] : memref<10000x128xf32, #tpu.memory_space<hbm>> -> memref<10000x128xf32, #tpu.memory_space<hbm>>
    tpu.enqueue_indirect_dma source(%dma_start3A_862 : memref<10000x128xf32, #tpu.memory_space<hbm>>) target(%arg10 : memref<400x128xf32, #tpu.memory_space<vmem>>) offsets(%arg8 : memref<400xi32, #tpu.memory_space<vmem>>) semaphore(%arg11 : memref<!tpu.dma_semaphore, #tpu.memory_space<semaphore_mem>>)
    %dma_wait3A_863 = arith.constant 0 : i32
    %dma_wait3A_864 = arith.constant 0 : i32
    %dma_wait3A_865 = tpu.memref_slice %arg3[%dma_wait3A_863, %dma_wait3A_864] : memref<10000x128xf32, #tpu.memory_space<hbm>> -> memref<10000x128xf32, #tpu.memory_space<hbm>>
    tpu.wait_indirect_dma semaphore(%arg11 : memref<!tpu.dma_semaphore, #tpu.memory_space<semaphore_mem>>) src(%dma_wait3A_865 : memref<10000x128xf32, #tpu.memory_space<hbm>>) dst(%arg10 : memref<400x128xf32, #tpu.memory_space<vmem>>)
    %add3A_866 = arith.constant 96 : i32
    %add3A_867 = arith.addi %add3A, %add3A_866 : i32
    %dma_start3A_868 = arith.constant 1 : i32
    %dma_start3A_869 = arith.constant 0 : i32
    %dma_start3A_870 = arith.constant 0 : i32
    %dma_start3A_871 = tpu.memref_slice %arg7[%dma_start3A_868, %add3A_867, %dma_start3A_869, %dma_start3A_870] : memref<2x250x400x128xf32, #tpu.memory_space<hbm>> -> memref<1x1x400x128xf32, #tpu.memory_space<hbm>>
    %dma_start3A_872 = tpu.memref_squeeze %dma_start3A_871 : memref<1x1x400x128xf32, #tpu.memory_space<hbm>> -> memref<400x128xf32, #tpu.memory_space<hbm>>
    %dma_start3A_873 = arith.constant 0 : i32
    %dma_start3A_874 = arith.constant 0 : i32
    %dma_start3A_875 = tpu.memref_slice %arg7[%dma_start3A_868, %add3A_867, %dma_start3A_873, %dma_start3A_874] : memref<2x250x400x128xf32, #tpu.memory_space<hbm>> -> memref<1x1x400x128xf32, #tpu.memory_space<hbm>>
    %dma_start3A_876 = tpu.memref_squeeze %dma_start3A_875 : memref<1x1x400x128xf32, #tpu.memory_space<hbm>> -> memref<400x128xf32, #tpu.memory_space<hbm>>
    tpu.enqueue_dma source(%arg10 : memref<400x128xf32, #tpu.memory_space<vmem>>) target(%dma_start3A_876 : memref<400x128xf32, #tpu.memory_space<hbm>>) target_semaphore(%arg13 : memref<!tpu.dma_semaphore, #tpu.memory_space<semaphore_mem>>)
    %add3A_877 = arith.constant 128 : i32
    %add3A_878 = arith.addi %add3A, %add3A_877 : i32
    %add3A_879 = arith.constant 64 : i32
    %add3A_880 = arith.addi %add3A, %add3A_879 : i32
    %add3A_881 = arith.constant 64 : i32
    %add3A_882 = arith.addi %add3A, %add3A_881 : i32
    %dma_wait3A_883 = arith.constant 1 : i32
    %dma_wait3A_884 = arith.constant 0 : i32
    %dma_wait3A_885 = arith.constant 0 : i32
    %dma_wait3A_886 = tpu.memref_slice %arg7[%dma_wait3A_883, %add3A_880, %dma_wait3A_884, %dma_wait3A_885] : memref<2x250x400x128xf32, #tpu.memory_space<hbm>> -> memref<1x1x400x128xf32, #tpu.memory_space<hbm>>
    %dma_wait3A_887 = tpu.memref_squeeze %dma_wait3A_886 : memref<1x1x400x128xf32, #tpu.memory_space<hbm>> -> memref<400x128xf32, #tpu.memory_space<hbm>>
    %dma_wait3A_888 = arith.constant 0 : i32
    %dma_wait3A_889 = arith.constant 0 : i32
    %dma_wait3A_890 = tpu.memref_slice %arg7[%dma_wait3A_883, %add3A_880, %dma_wait3A_888, %dma_wait3A_889] : memref<2x250x400x128xf32, #tpu.memory_space<hbm>> -> memref<1x1x400x128xf32, #tpu.memory_space<hbm>>
    %dma_wait3A_891 = tpu.memref_squeeze %dma_wait3A_890 : memref<1x1x400x128xf32, #tpu.memory_space<hbm>> -> memref<400x128xf32, #tpu.memory_space<hbm>>
    tpu.wait_dma2 semaphore(%arg12 : memref<!tpu.dma_semaphore, #tpu.memory_space<semaphore_mem>>) src(%arg9 : memref<400x128xf32, #tpu.memory_space<vmem>>) dst(%dma_wait3A_891 : memref<400x128xf32, #tpu.memory_space<hbm>>)
    %add3A_892 = arith.constant 128 : i32
    %add3A_893 = arith.addi %add3A, %add3A_892 : i32
    "tpu.region"() ({
      %run_scoped3A = tpu.sem_alloc : memref<!tpu.dma_semaphore, #tpu.memory_space<semaphore_mem>>
      %dma_start3A_1024 = arith.constant 0 : i32
      %dma_start3A_1025 = tpu.memref_slice %arg5[%add3A_878, %dma_start3A_1024] : memref<256x400xi32, #tpu.memory_space<hbm>> -> memref<1x400xi32, #tpu.memory_space<hbm>>
      %dma_start3A_1026 = tpu.memref_squeeze %dma_start3A_1025 : memref<1x400xi32, #tpu.memory_space<hbm>> -> memref<400xi32, #tpu.memory_space<hbm>>
      %dma_start3A_1027 = arith.constant 0 : i32
      %dma_start3A_1028 = tpu.memref_slice %arg5[%add3A_878, %dma_start3A_1027] : memref<256x400xi32, #tpu.memory_space<hbm>> -> memref<1x400xi32, #tpu.memory_space<hbm>>
      %dma_start3A_1029 = tpu.memref_squeeze %dma_start3A_1028 : memref<1x400xi32, #tpu.memory_space<hbm>> -> memref<400xi32, #tpu.memory_space<hbm>>
      tpu.enqueue_dma source(%dma_start3A_1029 : memref<400xi32, #tpu.memory_space<hbm>>) target(%arg8 : memref<400xi32, #tpu.memory_space<vmem>>) target_semaphore(%run_scoped3A : memref<!tpu.dma_semaphore, #tpu.memory_space<semaphore_mem>>)
      %dma_wait3A_1030 = arith.constant 0 : i32
      %dma_wait3A_1031 = tpu.memref_slice %arg5[%add3A_878, %dma_wait3A_1030] : memref<256x400xi32, #tpu.memory_space<hbm>> -> memref<1x400xi32, #tpu.memory_space<hbm>>
      %dma_wait3A_1032 = tpu.memref_squeeze %dma_wait3A_1031 : memref<1x400xi32, #tpu.memory_space<hbm>> -> memref<400xi32, #tpu.memory_space<hbm>>
      %dma_wait3A_1033 = arith.constant 0 : i32
      %dma_wait3A_1034 = tpu.memref_slice %arg5[%add3A_878, %dma_wait3A_1033] : memref<256x400xi32, #tpu.memory_space<hbm>> -> memref<1x400xi32, #tpu.memory_space<hbm>>
      %dma_wait3A_1035 = tpu.memref_squeeze %dma_wait3A_1034 : memref<1x400xi32, #tpu.memory_space<hbm>> -> memref<400xi32, #tpu.memory_space<hbm>>
      tpu.wait_dma2 semaphore(%run_scoped3A : memref<!tpu.dma_semaphore, #tpu.memory_space<semaphore_mem>>) src(%dma_wait3A_1035 : memref<400xi32, #tpu.memory_space<hbm>>) dst(%arg8 : memref<400xi32, #tpu.memory_space<vmem>>)
      tpu.yield
    }) : () -> ()
    %dma_start3A_894 = arith.constant 0 : i32
    %dma_start3A_895 = arith.constant 0 : i32
    %dma_start3A_896 = tpu.memref_slice %arg3[%dma_start3A_894, %dma_start3A_895] : memref<10000x128xf32, #tpu.memory_space<hbm>> -> memref<10000x128xf32, #tpu.memory_space<hbm>>
    tpu.enqueue_indirect_dma source(%dma_start3A_896 : memref<10000x128xf32, #tpu.memory_space<hbm>>) target(%arg9 : memref<400x128xf32, #tpu.memory_space<vmem>>) offsets(%arg8 : memref<400xi32, #tpu.memory_space<vmem>>) semaphore(%arg11 : memref<!tpu.dma_semaphore, #tpu.memory_space<semaphore_mem>>)
    %dma_wait3A_897 = arith.constant 0 : i32
    %dma_wait3A_898 = arith.constant 0 : i32
    %dma_wait3A_899 = tpu.memref_slice %arg3[%dma_wait3A_897, %dma_wait3A_898] : memref<10000x128xf32, #tpu.memory_space<hbm>> -> memref<10000x128xf32, #tpu.memory_space<hbm>>
    tpu.wait_indirect_dma semaphore(%arg11 : memref<!tpu.dma_semaphore, #tpu.memory_space<semaphore_mem>>) src(%dma_wait3A_899 : memref<10000x128xf32, #tpu.memory_space<hbm>>) dst(%arg9 : memref<400x128xf32, #tpu.memory_space<vmem>>)
    %add3A_900 = arith.constant 128 : i32
    %add3A_901 = arith.addi %add3A, %add3A_900 : i32
    %dma_start3A_902 = arith.constant 1 : i32
    %dma_start3A_903 = arith.constant 0 : i32
    %dma_start3A_904 = arith.constant 0 : i32
    %dma_start3A_905 = tpu.memref_slice %arg7[%dma_start3A_902, %add3A_901, %dma_start3A_903, %dma_start3A_904] : memref<2x250x400x128xf32, #tpu.memory_space<hbm>> -> memref<1x1x400x128xf32, #tpu.memory_space<hbm>>
    %dma_start3A_906 = tpu.memref_squeeze %dma_start3A_905 : memref<1x1x400x128xf32, #tpu.memory_space<hbm>> -> memref<400x128xf32, #tpu.memory_space<hbm>>
    %dma_start3A_907 = arith.constant 0 : i32
    %dma_start3A_908 = arith.constant 0 : i32
    %dma_start3A_909 = tpu.memref_slice %arg7[%dma_start3A_902, %add3A_901, %dma_start3A_907, %dma_start3A_908] : memref<2x250x400x128xf32, #tpu.memory_space<hbm>> -> memref<1x1x400x128xf32, #tpu.memory_space<hbm>>
    %dma_start3A_910 = tpu.memref_squeeze %dma_start3A_909 : memref<1x1x400x128xf32, #tpu.memory_space<hbm>> -> memref<400x128xf32, #tpu.memory_space<hbm>>
    tpu.enqueue_dma source(%arg9 : memref<400x128xf32, #tpu.memory_space<vmem>>) target(%dma_start3A_910 : memref<400x128xf32, #tpu.memory_space<hbm>>) target_semaphore(%arg12 : memref<!tpu.dma_semaphore, #tpu.memory_space<semaphore_mem>>)
    %add3A_911 = arith.constant 160 : i32
    %add3A_912 = arith.addi %add3A, %add3A_911 : i32
    %add3A_913 = arith.constant 96 : i32
    %add3A_914 = arith.addi %add3A, %add3A_913 : i32
    %add3A_915 = arith.constant 96 : i32
    %add3A_916 = arith.addi %add3A, %add3A_915 : i32
    %dma_wait3A_917 = arith.constant 1 : i32
    %dma_wait3A_918 = arith.constant 0 : i32
    %dma_wait3A_919 = arith.constant 0 : i32
    %dma_wait3A_920 = tpu.memref_slice %arg7[%dma_wait3A_917, %add3A_914, %dma_wait3A_918, %dma_wait3A_919] : memref<2x250x400x128xf32, #tpu.memory_space<hbm>> -> memref<1x1x400x128xf32, #tpu.memory_space<hbm>>
    %dma_wait3A_921 = tpu.memref_squeeze %dma_wait3A_920 : memref<1x1x400x128xf32, #tpu.memory_space<hbm>> -> memref<400x128xf32, #tpu.memory_space<hbm>>
    %dma_wait3A_922 = arith.constant 0 : i32
    %dma_wait3A_923 = arith.constant 0 : i32
    %dma_wait3A_924 = tpu.memref_slice %arg7[%dma_wait3A_917, %add3A_914, %dma_wait3A_922, %dma_wait3A_923] : memref<2x250x400x128xf32, #tpu.memory_space<hbm>> -> memref<1x1x400x128xf32, #tpu.memory_space<hbm>>
    %dma_wait3A_925 = tpu.memref_squeeze %dma_wait3A_924 : memref<1x1x400x128xf32, #tpu.memory_space<hbm>> -> memref<400x128xf32, #tpu.memory_space<hbm>>
    tpu.wait_dma2 semaphore(%arg13 : memref<!tpu.dma_semaphore, #tpu.memory_space<semaphore_mem>>) src(%arg10 : memref<400x128xf32, #tpu.memory_space<vmem>>) dst(%dma_wait3A_925 : memref<400x128xf32, #tpu.memory_space<hbm>>)
    %add3A_926 = arith.constant 160 : i32
    %add3A_927 = arith.addi %add3A, %add3A_926 : i32
    "tpu.region"() ({
      %run_scoped3A = tpu.sem_alloc : memref<!tpu.dma_semaphore, #tpu.memory_space<semaphore_mem>>
      %dma_start3A_1024 = arith.constant 0 : i32
      %dma_start3A_1025 = tpu.memref_slice %arg5[%add3A_912, %dma_start3A_1024] : memref<256x400xi32, #tpu.memory_space<hbm>> -> memref<1x400xi32, #tpu.memory_space<hbm>>
      %dma_start3A_1026 = tpu.memref_squeeze %dma_start3A_1025 : memref<1x400xi32, #tpu.memory_space<hbm>> -> memref<400xi32, #tpu.memory_space<hbm>>
      %dma_start3A_1027 = arith.constant 0 : i32
      %dma_start3A_1028 = tpu.memref_slice %arg5[%add3A_912, %dma_start3A_1027] : memref<256x400xi32, #tpu.memory_space<hbm>> -> memref<1x400xi32, #tpu.memory_space<hbm>>
      %dma_start3A_1029 = tpu.memref_squeeze %dma_start3A_1028 : memref<1x400xi32, #tpu.memory_space<hbm>> -> memref<400xi32, #tpu.memory_space<hbm>>
      tpu.enqueue_dma source(%dma_start3A_1029 : memref<400xi32, #tpu.memory_space<hbm>>) target(%arg8 : memref<400xi32, #tpu.memory_space<vmem>>) target_semaphore(%run_scoped3A : memref<!tpu.dma_semaphore, #tpu.memory_space<semaphore_mem>>)
      %dma_wait3A_1030 = arith.constant 0 : i32
      %dma_wait3A_1031 = tpu.memref_slice %arg5[%add3A_912, %dma_wait3A_1030] : memref<256x400xi32, #tpu.memory_space<hbm>> -> memref<1x400xi32, #tpu.memory_space<hbm>>
      %dma_wait3A_1032 = tpu.memref_squeeze %dma_wait3A_1031 : memref<1x400xi32, #tpu.memory_space<hbm>> -> memref<400xi32, #tpu.memory_space<hbm>>
      %dma_wait3A_1033 = arith.constant 0 : i32
      %dma_wait3A_1034 = tpu.memref_slice %arg5[%add3A_912, %dma_wait3A_1033] : memref<256x400xi32, #tpu.memory_space<hbm>> -> memref<1x400xi32, #tpu.memory_space<hbm>>
      %dma_wait3A_1035 = tpu.memref_squeeze %dma_wait3A_1034 : memref<1x400xi32, #tpu.memory_space<hbm>> -> memref<400xi32, #tpu.memory_space<hbm>>
      tpu.wait_dma2 semaphore(%run_scoped3A : memref<!tpu.dma_semaphore, #tpu.memory_space<semaphore_mem>>) src(%dma_wait3A_1035 : memref<400xi32, #tpu.memory_space<hbm>>) dst(%arg8 : memref<400xi32, #tpu.memory_space<vmem>>)
      tpu.yield
    }) : () -> ()
    %dma_start3A_928 = arith.constant 0 : i32
    %dma_start3A_929 = arith.constant 0 : i32
    %dma_start3A_930 = tpu.memref_slice %arg3[%dma_start3A_928, %dma_start3A_929] : memref<10000x128xf32, #tpu.memory_space<hbm>> -> memref<10000x128xf32, #tpu.memory_space<hbm>>
    tpu.enqueue_indirect_dma source(%dma_start3A_930 : memref<10000x128xf32, #tpu.memory_space<hbm>>) target(%arg10 : memref<400x128xf32, #tpu.memory_space<vmem>>) offsets(%arg8 : memref<400xi32, #tpu.memory_space<vmem>>) semaphore(%arg11 : memref<!tpu.dma_semaphore, #tpu.memory_space<semaphore_mem>>)
    %dma_wait3A_931 = arith.constant 0 : i32
    %dma_wait3A_932 = arith.constant 0 : i32
    %dma_wait3A_933 = tpu.memref_slice %arg3[%dma_wait3A_931, %dma_wait3A_932] : memref<10000x128xf32, #tpu.memory_space<hbm>> -> memref<10000x128xf32, #tpu.memory_space<hbm>>
    tpu.wait_indirect_dma semaphore(%arg11 : memref<!tpu.dma_semaphore, #tpu.memory_space<semaphore_mem>>) src(%dma_wait3A_933 : memref<10000x128xf32, #tpu.memory_space<hbm>>) dst(%arg10 : memref<400x128xf32, #tpu.memory_space<vmem>>)
    %add3A_934 = arith.constant 160 : i32
    %add3A_935 = arith.addi %add3A, %add3A_934 : i32
    %dma_start3A_936 = arith.constant 1 : i32
    %dma_start3A_937 = arith.constant 0 : i32
    %dma_start3A_938 = arith.constant 0 : i32
    %dma_start3A_939 = tpu.memref_slice %arg7[%dma_start3A_936, %add3A_935, %dma_start3A_937, %dma_start3A_938] : memref<2x250x400x128xf32, #tpu.memory_space<hbm>> -> memref<1x1x400x128xf32, #tpu.memory_space<hbm>>
    %dma_start3A_940 = tpu.memref_squeeze %dma_start3A_939 : memref<1x1x400x128xf32, #tpu.memory_space<hbm>> -> memref<400x128xf32, #tpu.memory_space<hbm>>
    %dma_start3A_941 = arith.constant 0 : i32
    %dma_start3A_942 = arith.constant 0 : i32
    %dma_start3A_943 = tpu.memref_slice %arg7[%dma_start3A_936, %add3A_935, %dma_start3A_941, %dma_start3A_942] : memref<2x250x400x128xf32, #tpu.memory_space<hbm>> -> memref<1x1x400x128xf32, #tpu.memory_space<hbm>>
    %dma_start3A_944 = tpu.memref_squeeze %dma_start3A_943 : memref<1x1x400x128xf32, #tpu.memory_space<hbm>> -> memref<400x128xf32, #tpu.memory_space<hbm>>
    tpu.enqueue_dma source(%arg10 : memref<400x128xf32, #tpu.memory_space<vmem>>) target(%dma_start3A_944 : memref<400x128xf32, #tpu.memory_space<hbm>>) target_semaphore(%arg13 : memref<!tpu.dma_semaphore, #tpu.memory_space<semaphore_mem>>)
    %add3A_945 = arith.constant 192 : i32
    %add3A_946 = arith.addi %add3A, %add3A_945 : i32
    %add3A_947 = arith.constant 128 : i32
    %add3A_948 = arith.addi %add3A, %add3A_947 : i32
    %add3A_949 = arith.constant 128 : i32
    %add3A_950 = arith.addi %add3A, %add3A_949 : i32
    %dma_wait3A_951 = arith.constant 1 : i32
    %dma_wait3A_952 = arith.constant 0 : i32
    %dma_wait3A_953 = arith.constant 0 : i32
    %dma_wait3A_954 = tpu.memref_slice %arg7[%dma_wait3A_951, %add3A_948, %dma_wait3A_952, %dma_wait3A_953] : memref<2x250x400x128xf32, #tpu.memory_space<hbm>> -> memref<1x1x400x128xf32, #tpu.memory_space<hbm>>
    %dma_wait3A_955 = tpu.memref_squeeze %dma_wait3A_954 : memref<1x1x400x128xf32, #tpu.memory_space<hbm>> -> memref<400x128xf32, #tpu.memory_space<hbm>>
    %dma_wait3A_956 = arith.constant 0 : i32
    %dma_wait3A_957 = arith.constant 0 : i32
    %dma_wait3A_958 = tpu.memref_slice %arg7[%dma_wait3A_951, %add3A_948, %dma_wait3A_956, %dma_wait3A_957] : memref<2x250x400x128xf32, #tpu.memory_space<hbm>> -> memref<1x1x400x128xf32, #tpu.memory_space<hbm>>
    %dma_wait3A_959 = tpu.memref_squeeze %dma_wait3A_958 : memref<1x1x400x128xf32, #tpu.memory_space<hbm>> -> memref<400x128xf32, #tpu.memory_space<hbm>>
    tpu.wait_dma2 semaphore(%arg12 : memref<!tpu.dma_semaphore, #tpu.memory_space<semaphore_mem>>) src(%arg9 : memref<400x128xf32, #tpu.memory_space<vmem>>) dst(%dma_wait3A_959 : memref<400x128xf32, #tpu.memory_space<hbm>>)
    %add3A_960 = arith.constant 192 : i32
    %add3A_961 = arith.addi %add3A, %add3A_960 : i32
    "tpu.region"() ({
      %run_scoped3A = tpu.sem_alloc : memref<!tpu.dma_semaphore, #tpu.memory_space<semaphore_mem>>
      %dma_start3A_1024 = arith.constant 0 : i32
      %dma_start3A_1025 = tpu.memref_slice %arg5[%add3A_946, %dma_start3A_1024] : memref<256x400xi32, #tpu.memory_space<hbm>> -> memref<1x400xi32, #tpu.memory_space<hbm>>
      %dma_start3A_1026 = tpu.memref_squeeze %dma_start3A_1025 : memref<1x400xi32, #tpu.memory_space<hbm>> -> memref<400xi32, #tpu.memory_space<hbm>>
      %dma_start3A_1027 = arith.constant 0 : i32
      %dma_start3A_1028 = tpu.memref_slice %arg5[%add3A_946, %dma_start3A_1027] : memref<256x400xi32, #tpu.memory_space<hbm>> -> memref<1x400xi32, #tpu.memory_space<hbm>>
      %dma_start3A_1029 = tpu.memref_squeeze %dma_start3A_1028 : memref<1x400xi32, #tpu.memory_space<hbm>> -> memref<400xi32, #tpu.memory_space<hbm>>
      tpu.enqueue_dma source(%dma_start3A_1029 : memref<400xi32, #tpu.memory_space<hbm>>) target(%arg8 : memref<400xi32, #tpu.memory_space<vmem>>) target_semaphore(%run_scoped3A : memref<!tpu.dma_semaphore, #tpu.memory_space<semaphore_mem>>)
      %dma_wait3A_1030 = arith.constant 0 : i32
      %dma_wait3A_1031 = tpu.memref_slice %arg5[%add3A_946, %dma_wait3A_1030] : memref<256x400xi32, #tpu.memory_space<hbm>> -> memref<1x400xi32, #tpu.memory_space<hbm>>
      %dma_wait3A_1032 = tpu.memref_squeeze %dma_wait3A_1031 : memref<1x400xi32, #tpu.memory_space<hbm>> -> memref<400xi32, #tpu.memory_space<hbm>>
      %dma_wait3A_1033 = arith.constant 0 : i32
      %dma_wait3A_1034 = tpu.memref_slice %arg5[%add3A_946, %dma_wait3A_1033] : memref<256x400xi32, #tpu.memory_space<hbm>> -> memref<1x400xi32, #tpu.memory_space<hbm>>
      %dma_wait3A_1035 = tpu.memref_squeeze %dma_wait3A_1034 : memref<1x400xi32, #tpu.memory_space<hbm>> -> memref<400xi32, #tpu.memory_space<hbm>>
      tpu.wait_dma2 semaphore(%run_scoped3A : memref<!tpu.dma_semaphore, #tpu.memory_space<semaphore_mem>>) src(%dma_wait3A_1035 : memref<400xi32, #tpu.memory_space<hbm>>) dst(%arg8 : memref<400xi32, #tpu.memory_space<vmem>>)
      tpu.yield
    }) : () -> ()
    %dma_start3A_962 = arith.constant 0 : i32
    %dma_start3A_963 = arith.constant 0 : i32
    %dma_start3A_964 = tpu.memref_slice %arg3[%dma_start3A_962, %dma_start3A_963] : memref<10000x128xf32, #tpu.memory_space<hbm>> -> memref<10000x128xf32, #tpu.memory_space<hbm>>
    tpu.enqueue_indirect_dma source(%dma_start3A_964 : memref<10000x128xf32, #tpu.memory_space<hbm>>) target(%arg9 : memref<400x128xf32, #tpu.memory_space<vmem>>) offsets(%arg8 : memref<400xi32, #tpu.memory_space<vmem>>) semaphore(%arg11 : memref<!tpu.dma_semaphore, #tpu.memory_space<semaphore_mem>>)
    %dma_wait3A_965 = arith.constant 0 : i32
    %dma_wait3A_966 = arith.constant 0 : i32
    %dma_wait3A_967 = tpu.memref_slice %arg3[%dma_wait3A_965, %dma_wait3A_966] : memref<10000x128xf32, #tpu.memory_space<hbm>> -> memref<10000x128xf32, #tpu.memory_space<hbm>>
    tpu.wait_indirect_dma semaphore(%arg11 : memref<!tpu.dma_semaphore, #tpu.memory_space<semaphore_mem>>) src(%dma_wait3A_967 : memref<10000x128xf32, #tpu.memory_space<hbm>>) dst(%arg9 : memref<400x128xf32, #tpu.memory_space<vmem>>)
    %add3A_968 = arith.constant 192 : i32
    %add3A_969 = arith.addi %add3A, %add3A_968 : i32
    %dma_start3A_970 = arith.constant 1 : i32
    %dma_start3A_971 = arith.constant 0 : i32
    %dma_start3A_972 = arith.constant 0 : i32
    %dma_start3A_973 = tpu.memref_slice %arg7[%dma_start3A_970, %add3A_969, %dma_start3A_971, %dma_start3A_972] : memref<2x250x400x128xf32, #tpu.memory_space<hbm>> -> memref<1x1x400x128xf32, #tpu.memory_space<hbm>>
    %dma_start3A_974 = tpu.memref_squeeze %dma_start3A_973 : memref<1x1x400x128xf32, #tpu.memory_space<hbm>> -> memref<400x128xf32, #tpu.memory_space<hbm>>
    %dma_start3A_975 = arith.constant 0 : i32
    %dma_start3A_976 = arith.constant 0 : i32
    %dma_start3A_977 = tpu.memref_slice %arg7[%dma_start3A_970, %add3A_969, %dma_start3A_975, %dma_start3A_976] : memref<2x250x400x128xf32, #tpu.memory_space<hbm>> -> memref<1x1x400x128xf32, #tpu.memory_space<hbm>>
    %dma_start3A_978 = tpu.memref_squeeze %dma_start3A_977 : memref<1x1x400x128xf32, #tpu.memory_space<hbm>> -> memref<400x128xf32, #tpu.memory_space<hbm>>
    tpu.enqueue_dma source(%arg9 : memref<400x128xf32, #tpu.memory_space<vmem>>) target(%dma_start3A_978 : memref<400x128xf32, #tpu.memory_space<hbm>>) target_semaphore(%arg12 : memref<!tpu.dma_semaphore, #tpu.memory_space<semaphore_mem>>)
    %add3A_979 = arith.constant 224 : i32
    %add3A_980 = arith.addi %add3A, %add3A_979 : i32
    %add3A_981 = arith.constant 160 : i32
    %add3A_982 = arith.addi %add3A, %add3A_981 : i32
    %add3A_983 = arith.constant 160 : i32
    %add3A_984 = arith.addi %add3A, %add3A_983 : i32
    %dma_wait3A_985 = arith.constant 1 : i32
    %dma_wait3A_986 = arith.constant 0 : i32
    %dma_wait3A_987 = arith.constant 0 : i32
    %dma_wait3A_988 = tpu.memref_slice %arg7[%dma_wait3A_985, %add3A_982, %dma_wait3A_986, %dma_wait3A_987] : memref<2x250x400x128xf32, #tpu.memory_space<hbm>> -> memref<1x1x400x128xf32, #tpu.memory_space<hbm>>
    %dma_wait3A_989 = tpu.memref_squeeze %dma_wait3A_988 : memref<1x1x400x128xf32, #tpu.memory_space<hbm>> -> memref<400x128xf32, #tpu.memory_space<hbm>>
    %dma_wait3A_990 = arith.constant 0 : i32
    %dma_wait3A_991 = arith.constant 0 : i32
    %dma_wait3A_992 = tpu.memref_slice %arg7[%dma_wait3A_985, %add3A_982, %dma_wait3A_990, %dma_wait3A_991] : memref<2x250x400x128xf32, #tpu.memory_space<hbm>> -> memref<1x1x400x128xf32, #tpu.memory_space<hbm>>
    %dma_wait3A_993 = tpu.memref_squeeze %dma_wait3A_992 : memref<1x1x400x128xf32, #tpu.memory_space<hbm>> -> memref<400x128xf32, #tpu.memory_space<hbm>>
    tpu.wait_dma2 semaphore(%arg13 : memref<!tpu.dma_semaphore, #tpu.memory_space<semaphore_mem>>) src(%arg10 : memref<400x128xf32, #tpu.memory_space<vmem>>) dst(%dma_wait3A_993 : memref<400x128xf32, #tpu.memory_space<hbm>>)
    %add3A_994 = arith.constant 224 : i32
    %add3A_995 = arith.addi %add3A, %add3A_994 : i32
    %lt3A_996 = arith.constant 250 : i32
    %lt3A_997 = arith.cmpi slt, %add3A_995, %lt3A_996 : i32
    %convert_element_type3A_998 = arith.extui %lt3A_997 : i1 to i32
    %cond3A_999 = arith.constant 0 : i32
    %cond3A_1000 = arith.cmpi ne, %convert_element_type3A_998, %cond3A_999 : i32
    scf.if %cond3A_1000 {
      "tpu.region"() ({
        %run_scoped3A = tpu.sem_alloc : memref<!tpu.dma_semaphore, #tpu.memory_space<semaphore_mem>>
        %dma_start3A_1041 = arith.constant 0 : i32
        %dma_start3A_1042 = tpu.memref_slice %arg5[%add3A_980, %dma_start3A_1041] : memref<256x400xi32, #tpu.memory_space<hbm>> -> memref<1x400xi32, #tpu.memory_space<hbm>>
        %dma_start3A_1043 = tpu.memref_squeeze %dma_start3A_1042 : memref<1x400xi32, #tpu.memory_space<hbm>> -> memref<400xi32, #tpu.memory_space<hbm>>
        %dma_start3A_1044 = arith.constant 0 : i32
        %dma_start3A_1045 = tpu.memref_slice %arg5[%add3A_980, %dma_start3A_1044] : memref<256x400xi32, #tpu.memory_space<hbm>> -> memref<1x400xi32, #tpu.memory_space<hbm>>
        %dma_start3A_1046 = tpu.memref_squeeze %dma_start3A_1045 : memref<1x400xi32, #tpu.memory_space<hbm>> -> memref<400xi32, #tpu.memory_space<hbm>>
        tpu.enqueue_dma source(%dma_start3A_1046 : memref<400xi32, #tpu.memory_space<hbm>>) target(%arg8 : memref<400xi32, #tpu.memory_space<vmem>>) target_semaphore(%run_scoped3A : memref<!tpu.dma_semaphore, #tpu.memory_space<semaphore_mem>>)
        %dma_wait3A_1047 = arith.constant 0 : i32
        %dma_wait3A_1048 = tpu.memref_slice %arg5[%add3A_980, %dma_wait3A_1047] : memref<256x400xi32, #tpu.memory_space<hbm>> -> memref<1x400xi32, #tpu.memory_space<hbm>>
        %dma_wait3A_1049 = tpu.memref_squeeze %dma_wait3A_1048 : memref<1x400xi32, #tpu.memory_space<hbm>> -> memref<400xi32, #tpu.memory_space<hbm>>
        %dma_wait3A_1050 = arith.constant 0 : i32
        %dma_wait3A_1051 = tpu.memref_slice %arg5[%add3A_980, %dma_wait3A_1050] : memref<256x400xi32, #tpu.memory_space<hbm>> -> memref<1x400xi32, #tpu.memory_space<hbm>>
        %dma_wait3A_1052 = tpu.memref_squeeze %dma_wait3A_1051 : memref<1x400xi32, #tpu.memory_space<hbm>> -> memref<400xi32, #tpu.memory_space<hbm>>
        tpu.wait_dma2 semaphore(%run_scoped3A : memref<!tpu.dma_semaphore, #tpu.memory_space<semaphore_mem>>) src(%dma_wait3A_1052 : memref<400xi32, #tpu.memory_space<hbm>>) dst(%arg8 : memref<400xi32, #tpu.memory_space<vmem>>)
        tpu.yield
      }) : () -> ()
      %dma_start3A_1024 = arith.constant 0 : i32
      %dma_start3A_1025 = arith.constant 0 : i32
      %dma_start3A_1026 = tpu.memref_slice %arg3[%dma_start3A_1024, %dma_start3A_1025] : memref<10000x128xf32, #tpu.memory_space<hbm>> -> memref<10000x128xf32, #tpu.memory_space<hbm>>
      tpu.enqueue_indirect_dma source(%dma_start3A_1026 : memref<10000x128xf32, #tpu.memory_space<hbm>>) target(%arg10 : memref<400x128xf32, #tpu.memory_space<vmem>>) offsets(%arg8 : memref<400xi32, #tpu.memory_space<vmem>>) semaphore(%arg11 : memref<!tpu.dma_semaphore, #tpu.memory_space<semaphore_mem>>)
      %dma_wait3A_1027 = arith.constant 0 : i32
      %dma_wait3A_1028 = arith.constant 0 : i32
      %dma_wait3A_1029 = tpu.memref_slice %arg3[%dma_wait3A_1027, %dma_wait3A_1028] : memref<10000x128xf32, #tpu.memory_space<hbm>> -> memref<10000x128xf32, #tpu.memory_space<hbm>>
      tpu.wait_indirect_dma semaphore(%arg11 : memref<!tpu.dma_semaphore, #tpu.memory_space<semaphore_mem>>) src(%dma_wait3A_1029 : memref<10000x128xf32, #tpu.memory_space<hbm>>) dst(%arg10 : memref<400x128xf32, #tpu.memory_space<vmem>>)
      %add3A_1030 = arith.constant 224 : i32
      %add3A_1031 = arith.addi %add3A, %add3A_1030 : i32
      %dma_start3A_1032 = arith.constant 1 : i32
      %dma_start3A_1033 = arith.constant 0 : i32
      %dma_start3A_1034 = arith.constant 0 : i32
      %dma_start3A_1035 = tpu.memref_slice %arg7[%dma_start3A_1032, %add3A_1031, %dma_start3A_1033, %dma_start3A_1034] : memref<2x250x400x128xf32, #tpu.memory_space<hbm>> -> memref<1x1x400x128xf32, #tpu.memory_space<hbm>>
      %dma_start3A_1036 = tpu.memref_squeeze %dma_start3A_1035 : memref<1x1x400x128xf32, #tpu.memory_space<hbm>> -> memref<400x128xf32, #tpu.memory_space<hbm>>
      %dma_start3A_1037 = arith.constant 0 : i32
      %dma_start3A_1038 = arith.constant 0 : i32
      %dma_start3A_1039 = tpu.memref_slice %arg7[%dma_start3A_1032, %add3A_1031, %dma_start3A_1037, %dma_start3A_1038] : memref<2x250x400x128xf32, #tpu.memory_space<hbm>> -> memref<1x1x400x128xf32, #tpu.memory_space<hbm>>
      %dma_start3A_1040 = tpu.memref_squeeze %dma_start3A_1039 : memref<1x1x400x128xf32, #tpu.memory_space<hbm>> -> memref<400x128xf32, #tpu.memory_space<hbm>>
      tpu.enqueue_dma source(%arg10 : memref<400x128xf32, #tpu.memory_space<vmem>>) target(%dma_start3A_1040 : memref<400x128xf32, #tpu.memory_space<hbm>>) target_semaphore(%arg13 : memref<!tpu.dma_semaphore, #tpu.memory_space<semaphore_mem>>)
    } else {
    }
    %add3A_1001 = arith.constant 192 : i32
    %add3A_1002 = arith.addi %add3A, %add3A_1001 : i32
    %add3A_1003 = arith.constant 192 : i32
    %add3A_1004 = arith.addi %add3A, %add3A_1003 : i32
    %dma_wait3A_1005 = arith.constant 1 : i32
    %dma_wait3A_1006 = arith.constant 0 : i32
    %dma_wait3A_1007 = arith.constant 0 : i32
    %dma_wait3A_1008 = tpu.memref_slice %arg7[%dma_wait3A_1005, %add3A_1002, %dma_wait3A_1006, %dma_wait3A_1007] : memref<2x250x400x128xf32, #tpu.memory_space<hbm>> -> memref<1x1x400x128xf32, #tpu.memory_space<hbm>>
    %dma_wait3A_1009 = tpu.memref_squeeze %dma_wait3A_1008 : memref<1x1x400x128xf32, #tpu.memory_space<hbm>> -> memref<400x128xf32, #tpu.memory_space<hbm>>
    %dma_wait3A_1010 = arith.constant 0 : i32
    %dma_wait3A_1011 = arith.constant 0 : i32
    %dma_wait3A_1012 = tpu.memref_slice %arg7[%dma_wait3A_1005, %add3A_1002, %dma_wait3A_1010, %dma_wait3A_1011] : memref<2x250x400x128xf32, #tpu.memory_space<hbm>> -> memref<1x1x400x128xf32, #tpu.memory_space<hbm>>
    %dma_wait3A_1013 = tpu.memref_squeeze %dma_wait3A_1012 : memref<1x1x400x128xf32, #tpu.memory_space<hbm>> -> memref<400x128xf32, #tpu.memory_space<hbm>>
    tpu.wait_dma2 semaphore(%arg12 : memref<!tpu.dma_semaphore, #tpu.memory_space<semaphore_mem>>) src(%arg9 : memref<400x128xf32, #tpu.memory_space<vmem>>) dst(%dma_wait3A_1013 : memref<400x128xf32, #tpu.memory_space<hbm>>)
    %add3A_1014 = arith.constant 224 : i32
    %add3A_1015 = arith.addi %add3A, %add3A_1014 : i32
    %add3A_1016 = arith.constant 224 : i32
    %add3A_1017 = arith.addi %add3A, %add3A_1016 : i32
    %lt3A_1018 = arith.constant 250 : i32
    %lt3A_1019 = arith.cmpi slt, %add3A_1017, %lt3A_1018 : i32
    %convert_element_type3A_1020 = arith.extui %lt3A_1019 : i1 to i32
    %cond3A_1021 = arith.constant 1 : i32
    %cond3A_1022 = arith.constant 0 : i32
    %cond3A_1023 = arith.cmpi ne, %convert_element_type3A_1020, %cond3A_1022 : i32
    scf.if %cond3A_1023 {
      %dma_wait3A_1024 = arith.constant 0 : i32
      %dma_wait3A_1025 = arith.constant 0 : i32
      %dma_wait3A_1026 = tpu.memref_slice %arg7[%cond3A_1021, %add3A_1015, %dma_wait3A_1024, %dma_wait3A_1025] : memref<2x250x400x128xf32, #tpu.memory_space<hbm>> -> memref<1x1x400x128xf32, #tpu.memory_space<hbm>>
      %dma_wait3A_1027 = tpu.memref_squeeze %dma_wait3A_1026 : memref<1x1x400x128xf32, #tpu.memory_space<hbm>> -> memref<400x128xf32, #tpu.memory_space<hbm>>
      %dma_wait3A_1028 = arith.constant 0 : i32
      %dma_wait3A_1029 = arith.constant 0 : i32
      %dma_wait3A_1030 = tpu.memref_slice %arg7[%cond3A_1021, %add3A_1015, %dma_wait3A_1028, %dma_wait3A_1029] : memref<2x250x400x128xf32, #tpu.memory_space<hbm>> -> memref<1x1x400x128xf32, #tpu.memory_space<hbm>>
      %dma_wait3A_1031 = tpu.memref_squeeze %dma_wait3A_1030 : memref<1x1x400x128xf32, #tpu.memory_space<hbm>> -> memref<400x128xf32, #tpu.memory_space<hbm>>
      tpu.wait_dma2 semaphore(%arg13 : memref<!tpu.dma_semaphore, #tpu.memory_space<semaphore_mem>>) src(%arg10 : memref<400x128xf32, #tpu.memory_space<vmem>>) dst(%dma_wait3A_1031 : memref<400x128xf32, #tpu.memory_space<hbm>>)
    } else {
    }
    return
  }
}

module attributes {stable_mosaic.version = 14 : i64} {
  func.func @_mlp_body(%arg0: i32, %arg1: memref<1000x128xf32, #tpu.memory_space<vmem>>, %arg2: memref<128x128xf32, #tpu.memory_space<vmem>>, %arg3: memref<1x128xf32, #tpu.memory_space<vmem>>, %arg4: memref<128x256xf32, #tpu.memory_space<vmem>>, %arg5: memref<1x256xf32, #tpu.memory_space<vmem>>, %arg6: memref<256x128xf32, #tpu.memory_space<vmem>>, %arg7: memref<1x128xf32, #tpu.memory_space<vmem>>, %arg8: memref<1000x128xf32, #tpu.memory_space<vmem>>) attributes {dimension_semantics = [#tpu.dimension_semantics<arbitrary>], iteration_bounds = array<i64: 10>, scalar_prefetch = 0 : i64, scratch_operands = 0 : i64, tpu.core_type = #tpu.core_type<tc>, window_params = [{transform_indices = @transform_0, window_bounds = array<i64: 1000, 128>}, {pipeline_mode = #tpu.pipeline_mode<synchronous>, transform_indices = @transform_1, window_bounds = array<i64: 128, 128>}, {pipeline_mode = #tpu.pipeline_mode<synchronous>, transform_indices = @transform_2, window_bounds = array<i64: 1, 128>}, {pipeline_mode = #tpu.pipeline_mode<synchronous>, transform_indices = @transform_3, window_bounds = array<i64: 128, 256>}, {pipeline_mode = #tpu.pipeline_mode<synchronous>, transform_indices = @transform_4, window_bounds = array<i64: 1, 256>}, {pipeline_mode = #tpu.pipeline_mode<synchronous>, transform_indices = @transform_5, window_bounds = array<i64: 256, 128>}, {pipeline_mode = #tpu.pipeline_mode<synchronous>, transform_indices = @transform_6, window_bounds = array<i64: 1, 128>}, {transform_indices = @transform_7, window_bounds = array<i64: 1000, 128>}]} {
    %get3A = arith.constant 0 : index
    %get3A_0 = arith.constant 0 : index
    %get3A_1 = vector.load %arg1[%get3A, %get3A_0] : memref<1000x128xf32, #tpu.memory_space<vmem>>, vector<1000x128xf32>
    %get3A_2 = arith.constant 0 : index
    %get3A_3 = arith.constant 0 : index
    %get3A_4 = vector.load %arg2[%get3A_2, %get3A_3] : memref<128x128xf32, #tpu.memory_space<vmem>>, vector<128x128xf32>
    %dot_general3A = arith.constant dense<0.000000e+00> : vector<1000x128xf32>
    %dot_general3A_5 = tpu.matmul %get3A_1, %get3A_4, %dot_general3A {dimension_numbers = #tpu.dot_dimension_numbers<[1], [0], [0], [1], [0, 0, 1, 1], [], []>, transpose_lhs_hint = false} : vector<1000x128xf32>, vector<128x128xf32>, vector<1000x128xf32> -> vector<1000x128xf32>
    %get3A_6 = arith.constant 0 : index
    %get3A_7 = arith.constant 0 : index
    %get3A_8 = vector.load %arg3[%get3A_6, %get3A_7] : memref<1x128xf32, #tpu.memory_space<vmem>>, vector<1x128xf32>
    %add3A = vector.broadcast %get3A_8 : vector<1x128xf32> to vector<1000x128xf32>
    %add3A_9 = arith.addf %dot_general3A_5, %add3A : vector<1000x128xf32>
    %max3A = arith.constant 0.000000e+00 : f32
    %max3A_10 = vector.broadcast %max3A : f32 to vector<1000x128xf32>
    %max3A_11 = arith.maximumf %add3A_9, %max3A_10 : vector<1000x128xf32>
    %get3A_12 = arith.constant 0 : index
    %get3A_13 = arith.constant 0 : index
    %get3A_14 = vector.load %arg4[%get3A_12, %get3A_13] : memref<128x256xf32, #tpu.memory_space<vmem>>, vector<128x256xf32>
    %dot_general3A_15 = arith.constant dense<0.000000e+00> : vector<1000x256xf32>
    %dot_general3A_16 = tpu.matmul %max3A_11, %get3A_14, %dot_general3A_15 {dimension_numbers = #tpu.dot_dimension_numbers<[1], [0], [0], [1], [0, 0, 1, 1], [], []>, transpose_lhs_hint = false} : vector<1000x128xf32>, vector<128x256xf32>, vector<1000x256xf32> -> vector<1000x256xf32>
    %get3A_17 = arith.constant 0 : index
    %get3A_18 = arith.constant 0 : index
    %get3A_19 = vector.load %arg5[%get3A_17, %get3A_18] : memref<1x256xf32, #tpu.memory_space<vmem>>, vector<1x256xf32>
    %add3A_20 = vector.broadcast %get3A_19 : vector<1x256xf32> to vector<1000x256xf32>
    %add3A_21 = arith.addf %dot_general3A_16, %add3A_20 : vector<1000x256xf32>
    %get3A_22 = arith.constant 0 : index
    %get3A_23 = arith.constant 0 : index
    %get3A_24 = vector.load %arg6[%get3A_22, %get3A_23] : memref<256x128xf32, #tpu.memory_space<vmem>>, vector<256x128xf32>
    %dot_general3A_25 = arith.constant dense<0.000000e+00> : vector<1000x128xf32>
    %dot_general3A_26 = tpu.matmul %add3A_21, %get3A_24, %dot_general3A_25 {dimension_numbers = #tpu.dot_dimension_numbers<[1], [0], [0], [1], [0, 0, 1, 1], [], []>, transpose_lhs_hint = false} : vector<1000x256xf32>, vector<256x128xf32>, vector<1000x128xf32> -> vector<1000x128xf32>
    %get3A_27 = arith.constant 0 : index
    %get3A_28 = arith.constant 0 : index
    %get3A_29 = vector.load %arg7[%get3A_27, %get3A_28] : memref<1x128xf32, #tpu.memory_space<vmem>>, vector<1x128xf32>
    %add3A_30 = vector.broadcast %get3A_29 : vector<1x128xf32> to vector<1000x128xf32>
    %add3A_31 = arith.addf %dot_general3A_26, %add3A_30 : vector<1000x128xf32>
    %swap3A = arith.constant 0 : index
    %swap3A_32 = arith.constant 0 : index
    %swap3A_33 = vector.load %arg8[%swap3A, %swap3A_32] : memref<1000x128xf32, #tpu.memory_space<vmem>>, vector<1000x128xf32>
    tpu.vector_store %arg8[%swap3A, %swap3A_32], %add3A_31 {strides = array<i32>} : memref<1000x128xf32, #tpu.memory_space<vmem>>, vector<1000x128xf32>,
    return
  }
  func.func @transform_0(%arg0: i32) -> (i32, i32) {
    %c0_i32 = arith.constant 0 : i32
    %c0_i32_0 = arith.constant 0 : i32
    return %arg0, %c0_i32 : i32, i32
  }
  func.func @transform_1(%arg0: i32) -> (i32, i32) {
    %c0_i32 = arith.constant 0 : i32
    %c0_i32_0 = arith.constant 0 : i32
    %c0_i32_1 = arith.constant 0 : i32
    return %c0_i32, %c0_i32_0 : i32, i32
  }
  func.func @transform_2(%arg0: i32) -> (i32, i32) {
    %c0_i32 = arith.constant 0 : i32
    %c0_i32_0 = arith.constant 0 : i32
    %c0_i32_1 = arith.constant 0 : i32
    return %c0_i32, %c0_i32_0 : i32, i32
  }
  func.func @transform_3(%arg0: i32) -> (i32, i32) {
    %c0_i32 = arith.constant 0 : i32
    %c0_i32_0 = arith.constant 0 : i32
    %c0_i32_1 = arith.constant 0 : i32
    return %c0_i32, %c0_i32_0 : i32, i32
  }
  func.func @transform_4(%arg0: i32) -> (i32, i32) {
    %c0_i32 = arith.constant 0 : i32
    %c0_i32_0 = arith.constant 0 : i32
    %c0_i32_1 = arith.constant 0 : i32
    return %c0_i32, %c0_i32_0 : i32, i32
  }
  func.func @transform_5(%arg0: i32) -> (i32, i32) {
    %c0_i32 = arith.constant 0 : i32
    %c0_i32_0 = arith.constant 0 : i32
    %c0_i32_1 = arith.constant 0 : i32
    return %c0_i32, %c0_i32_0 : i32, i32
  }
  func.func @transform_6(%arg0: i32) -> (i32, i32) {
    %c0_i32 = arith.constant 0 : i32
    %c0_i32_0 = arith.constant 0 : i32
    %c0_i32_1 = arith.constant 0 : i32
    return %c0_i32, %c0_i32_0 : i32, i32
  }
  func.func @transform_7(%arg0: i32) -> (i32, i32) {
    %c0_i32 = arith.constant 0 : i32
    %c0_i32_0 = arith.constant 0 : i32
    return %arg0, %c0_i32 : i32, i32
  }
}

</mosaic_0001>

<sc_bundles>
// kernel: kernel.4.cloned.1.call-start
scs
__scs_entry_jumppad:
0x0: {  	(pc) =	sbr.rel $0x88, $3  }
0x1: {  	(tag) =	ssettag $0x0;
	lr =	simm.s32 $0x1  }
0x2: {  	[smem:$0x3F97] =	sst lr;
	_ =	strace $0xD0000000  }
0x3: {  	_ = 	snop  }
0x4: {  	_ = 	snop  }
0x5: {  	_ = 	snop  }
0x6: {  	_ = 	snop  }
0x7: {  	_ = 	snop  }
__scs_overlays_trampoline_lowered:
0x8: {  	[smem:$0x3FA6] =	sst s0  }
0x9: {  	[smem:$0x3FA7] =	sst s1  }
0xa: {  	[smem:$0x3FA8] =	sst s2  }
0xb: {  	[smem:$0x3FA9] =	sst s3  }
0xc: {  	[smem:$0x3FAA] =	sst s4  }
0xd: {  	[smem:$0x3FAB] =	sst s5  }
0xe: {  	[smem:$0x3FAC] =	sst s6  }
0xf: {  	[smem:$0x3FAD] =	sst s7  }
0x10: {  	[smem:$0x3FAE] =	sst s8  }
0x11: {  	[smem:$0x3FAF] =	sst s9;
	s0 =	simm.s32 @!p0 $0x0  }
0x12: {  	s1 =	sld [smem:$0x3F95];
	s0 =	simm.s32 @p0 $0x1  }
0x13: {  	[smem:$0x3FB0] =	sst s0;
	s0 =	simm.s32 @!p1 $0x0  }
0x14: {  	s2 =	sld [smem:$0x3F94];
	s0 =	simm.s32 @p1 $0x1  }
0x15: {  	[smem:$0x3FB1] =	sst s0;
	s0 =	simm.s32 @!p2 $0x0  }
0x16: {  	s3 =	sld [smem:$0x3FDB];
	s0 =	simm.s32 @p2 $0x1  }
0x17: {  	s4 =	simm.s32 $0x1BF5;
	[smem:$0x3FB3] =	sst s0  }
0x18: {  	s0 =	sld [smem:$0x3F96];
	_ =	swait.ge [sflag:s4], $0x0  }
0x19: {  	s7 =	sld [smem:$0x3F97]  }
0x1a: {  	s8 =	sadd.s32 $0xFFFFE003, lr  }
0x1b: {  	s9 =	sadd.s32 $0xFFFFFEF7, lr;
	s5 =	simm.s32 $0xFFFFFFFF;
	p2 =	slt.u32 s8, $0xFFFFF086  }
0x1c: {  	p1 =	slt.u32 s9, $0xF7A;
	s5 =	simm.s32 @!p2 $0x0  }
0x1d: {  	s5 =	simm.s32 @p1 $0x1;
	p0 =	seq.s32 s7, s2  }
0x1e: {  	s7 =	smul.u32 @!p0 $0xF7A, s2;
	p2 =	seq.s32 @!p0 s5, $0x0  }
0x1f: {  	s9 =	smul.u32 $0xF7A, s1;
	s8 =	simm.s32 @!p0 $0x1BF5;
	p2 =	por !p2, p0  }
0x20: {  	[sflag:s8] =	ssyncset.s32 @!p0 $0xFFFFF086;
	s6 =	sadd.s32 @!p0 s3, s7;
	s7 =	simm.s32 @!p0 $0x108  }
0x21: {  	s3 =	sadd.s32 s3, s9;
	s6 =	sadd.s32 @!p0 $0x88, s6;
	s7 =	simm.s32 @p2 $0x1082  }
0x22: {  	[simem:s7], [sflag:s8] =	dma.local @!p0 [hbm:s6], $0xF7A  }
0x23: {  	s9 =	sor.u32 $0xD0000000, s2;
	s6 =	simm.s32 $0x108;
	_ =	swait.ge @!p0 [sflag:s8], $0x0  }
0x24: {  	s3 =	sadd.s32 $0x88, s3;
	s6 =	simm.s32 @!p1 $0x1082;
	[sflag:s4] =	ssyncset.s32 $0xFFFFF086  }
0x25: {  	[simem:s6], [sflag:s4] =	dma.local [hbm:s3], $0xF7A  }
0x26: {  	[smem:$0x3F97] =	sst s1;
	(tag) =	ssettag s2;
	_ =	strace s9  }
0x27: {  	s1 =	sld [smem:$0x3FA7]  }
0x28: {  	s2 =	sld [smem:$0x3FA8]  }
0x29: {  	s4 =	sld [smem:$0x3FAA]  }
0x2a: {  	p0 =	seq.s32 s5, $0x0;
	s5 =	sld [smem:$0x3FAB]  }
0x2b: {  	s6 =	sld [smem:$0x3FAC]  }
0x2c: {  	s7 =	sld [smem:$0x3FAD]  }
0x2d: {  	s3 =	simm.s32 $0x108;
	s8 =	sld [smem:$0x3FAE]  }
0x2e: {  	s3 =	simm.s32 @!p0 $0x1082;
	s9 =	sld [smem:$0x3FAF]  }
0x2f: {  	lr =	sadd.s32 s0, s3;
	s0 =	sld [smem:$0x3FA6]  }
0x30: {  	s3 =	sld [smem:$0x3FA9]  }
0x31: {  	[smem:$0x3FB2] =	sst s10  }
0x32: {  	s10 =	sld [smem:$0x3FB0];
	_ =	sdelay $0x3  }
0x33: {  	p0 =	seq.s32 s10, $0x1;
	s10 =	sld [smem:$0x3FB2];
	_ =	sdelay $0x3  }
0x34: {  	[smem:$0x3FB2] =	sst s10  }
0x35: {  	s10 =	sld [smem:$0x3FB1];
	_ =	sdelay $0x3  }
0x36: {  	p1 =	seq.s32 s10, $0x1;
	s10 =	sld [smem:$0x3FB2];
	_ =	sdelay $0x3  }
0x37: {  	[smem:$0x3FB2] =	sst s10  }
0x38: {  	s10 =	sld [smem:$0x3FB3]  }
0x39: {  	_ = 	snop;
	(pc) =	sbr.ind lr, $3  }
0x3a: {  	_ = 	snop  }
0x3b: {  	_ = 	snop  }
0x3c: {  	p2 =	seq.s32 s10, $0x1;
	s10 =	sld [smem:$0x3FB2]  }
0x3d: {  	_ =	shalt  }
0x3e: {  	_ =	shalt  }
0x3f: {  	_ =	shalt  }
0x40: {  	_ =	shalt  }
0x41: {  	_ =	shalt  }
0x42: {  	_ =	shalt  }
0x43: {  	_ =	shalt  }
0x44: {  	_ =	shalt  }
0x45: {  	_ =	shalt  }
0x46: {  	_ =	shalt  }
0x47: {  	_ =	shalt  }
0x48: {  	_ =	shalt  }
0x49: {  	_ =	shalt  }
0x4a: {  	_ =	shalt  }
0x4b: {  	_ =	shalt  }
0x4c: {  	_ =	shalt  }
0x4d: {  	_ =	shalt  }
0x4e: {  	_ =	shalt  }
0x4f: {  	_ =	shalt  }
0x50: {  	_ =	shalt  }
0x51: {  	_ =	shalt  }
0x52: {  	_ =	shalt  }
0x53: {  	_ =	shalt  }
0x54: {  	_ =	shalt  }
0x55: {  	_ =	shalt  }
0x56: {  	_ =	shalt  }
0x57: {  	_ =	shalt  }
0x58: {  	_ =	shalt  }
0x59: {  	_ =	shalt  }
0x5a: {  	_ =	shalt  }
0x5b: {  	_ =	shalt  }
0x5c: {  	_ =	shalt  }
0x5d: {  	_ =	shalt  }
0x5e: {  	_ =	shalt  }
0x5f: {  	_ =	shalt  }
0x60: {  	_ =	shalt  }
0x61: {  	_ =	shalt  }
0x62: {  	_ =	shalt  }
0x63: {  	_ =	shalt  }
0x64: {  	_ =	shalt  }
0x65: {  	_ =	shalt  }
0x66: {  	_ =	shalt  }
0x67: {  	_ =	shalt  }
0x68: {  	_ =	shalt  }
0x69: {  	_ =	shalt  }
0x6a: {  	_ =	shalt  }
0x6b: {  	_ =	shalt  }
0x6c: {  	_ =	shalt  }
0x6d: {  	_ =	shalt  }
0x6e: {  	_ =	shalt  }
0x6f: {  	_ =	shalt  }
0x70: {  	_ =	shalt  }
0x71: {  	_ =	shalt  }
0x72: {  	_ =	shalt  }
0x73: {  	_ =	shalt  }
0x74: {  	_ =	shalt  }
0x75: {  	_ =	shalt  }
0x76: {  	_ =	shalt  }
0x77: {  	_ =	shalt  }
0x78: {  	_ =	shalt  }
0x79: {  	_ =	shalt  }
0x7a: {  	_ =	shalt  }
0x7b: {  	_ =	shalt  }
0x7c: {  	_ =	shalt  }
0x7d: {  	_ =	shalt  }
0x7e: {  	_ =	shalt  }
0x7f: {  	_ =	shalt  }
0x80: {  	_ =	shalt  }
0x81: {  	_ =	shalt  }
0x82: {  	_ =	shalt  }
0x83: {  	_ =	shalt  }
0x84: {  	_ =	shalt  }
0x85: {  	_ =	shalt  }
0x86: {  	_ =	shalt  }
0x87: {  	_ =	shalt  }
.Lfunc_end0:
.L_simem_size_0:
called_computation_lowered:
.L_overlay_start_0:
0x88: {  	s2 =	sld [smem:$0x3FD9]  }
0x89: {  	s3 =	sld [smem:$0x3FFE];
	_ =	sdelay $0x1  }
0x8a: {  	s1 =	srdreg.scid  }
0x8b: {  	s0 =	sand.u32 $0x1, s1  }
0x8c: {  	s14 =	sshll.u32 s0, $0xA;
	s2 =	sadd.s32 s3, s2  }
0x8d: {  	s2 =	sadd.s32 s2, s14  }
0x8e: {  	[smem:$0x3FBE] =	sst s2  }
0x8f: {  	_ = 	snop  }
0x90: {  	s2 =	sld [smem:$0x3FD0];
	_ =	sdelay $0x2  }
0x91: {  	s4 =	simm.s32 $0xA;
	s5 =	simm.s32 $0x10;
	s15 =	sld [smem:$0x3FC9]  }
0x92: {  	[smem:s5], [sflag:s4] =	dma.local [hbm:s2], $0x1  }
0x93: {  	_ =	swait.eq [sflag:s4], $0x1  }
0x94: {  	[sflag:s4] =	ssyncset.done $0x0  }
0x95: {  	s16 =	sld [smem:$0x10];
	[sflag:s4] =	ssyncadd.s32 $0xFFFFFFFF  }
0x96: {  	s17 =	sld [smem:$0x11];
	(tm) =	ssettm $0x1  }
0x97: {  	s18 =	sld [smem:$0x3FFB];
	_ =	sdelay $0x3  }
0x98: {  	_ =	strace s18  }
0x99: {  	s5 =	sld [smem:$0x3FFC];
	_ =	sdelay $0x3  }
0x9a: {  	_ =	strace s5  }
0x9b: {  	s5 =	sld [smem:$0x3FFD];
	_ =	sdelay $0x3  }
0x9c: {  	_ =	strace s5  }
0x9d: {  	_ =	strace $0x8FFFFFFF  }
0x9e: {  	s19 =	sld [smem:$0x3FDB];
	_ =	sdelay $0x1  }
0x9f: {  	s6 =	simm.s32 $_scs_section_size  }
0xa0: {  	s7 =	simm.s32 $_size__tile_overlayer_lowered;
	s8 =	simm.s32 $_tile_overlayer_lowered  }
0xa1: {  	s22 =	simm.s32 $0x1BFF;
	s21 =	sshll.u32 s8, $0x1;
	s5 =	sadd.s32 s6, s19  }
0xa2: {  	s9 =	simm.s32 $0x0;
	s20 =	sshll.u32 s7, $0x1;
	s7 =	sadd.s32 s21, s5  }
0xa3: {  	[timem:s9], [sflag:s22] =	dma.local [hbm:s7], s20  }
0xa4: {  	_ =	swait.ge [sflag:s22], s20  }
0xa5: {  	s6 =	ssub.s32 $0x0, s20;
	[sflag:s22] =	ssyncset.done $0x0  }
0xa6: {  	[sflag:s22] =	ssyncadd.s32 s6;
	_ =	sdelay $0x1  }
0xa7: {  	s23 =	simm.s32 $0x1B8B  }
0xa8: {  	_ =	swait.ge [sflag:s23], $0x1  }
0xa9: {  	[sflag:s23] =	ssyncset.done $0x0  }
0xaa: {  	s25 =	simm.s32 $0x1B8E;
	s24 =	sld [smem:$0x3FFE];
	[sflag:s23] =	ssyncadd.s32 $0xFFFFFFFF  }
0xab: {  	s26 =	simm.s32 $execute0_lowered;
	[smem:$0x3FD2] =	sst s25  }
0xac: {  	s7 =	sshll.u32 s26, $0x1;
	_ =	strace $0x80000046;
	[dreg:$0x1] =	wrdreg $0xFFFFFFFF  }
0xad: {  	s28 =	simm.s32 $_size_execute0_lowered;
	s5 =	sadd.s32 s5, s7;
	[dreg:$0x0] =	wrdreg $0x0  }
0xae: {  	s7 =	sshll.u32 s28, $0x1;
	[dreg:$0x2] =	wrdreg s5  }
0xaf: {  	[dreg:$0x3] =	wrdreg s7  }
0xb0: {  	[dreg:$0x4] =	wrdreg $0xC0  }
0xb1: {  	_ =	task [dreg:s9], $0x5FFFF  }
0xb2: {  	[dreg:$0x1] =	wrdreg $0xFFFFFFFF  }
0xb3: {  	[dreg:$0x0] =	wrdreg $0x60  }
0xb4: {  	[dreg:$0x2] =	wrdreg s24  }
0xb5: {  	[dreg:$0x3] =	wrdreg s15  }
0xb6: {  	[dreg:$0x4] =	wrdreg s16  }
0xb7: {  	[dreg:$0x5] =	wrdreg s17  }
0xb8: {  	[dreg:$0x6] =	wrdreg $0x9  }
0xb9: {  	_ =	task.clear_ibuf [dreg:s9], $0x7FFFF;
	_ =	strace $0x90000046  }
0xba: {  	s29 =	simm.s32 $0x9;
	_ =	strace $0x80000048  }
0xbb: {  	_ =	swait.ge [sflag:s29], $0x1  }
0xbc: {  	[sflag:s29] =	ssyncadd.s32 $0xFFFFFFFF  }
0xbd: {  	_ =	strace $0x90000048  }
0xbe: {  	_ =	sfence  }
0xbf: {  	s30 =	sld [smem:$0x0];
	_ =	sdelay $0x2  }
0xc0: {  	s31 =	sshll.u32 s1, $0xD;
	s1 =	sshrl.u32 s1, $0x2  }
0xc1: {  	s3 =	sand.u32 $0x4000, s31;
	s1 =	sadd.s32 s1, s30  }
0xc2: {  	s0 =	sor.u32 s3, s0;
	s1 =	sshll.u32 s1, $0x11  }
0xc3: {  	s0 =	sor.u32 s1, s0  }
0xc4: {  	s0 =	sadd.s32 $0x8F2B, s0  }
0xc5: {  	[sflag:s0] =	ssyncadd.remote.s32 $0x1  }
0xc6: {  	_ =	sfence.sel $0xFFFF  }
0xc7: {  	[dreg:$0x0] =	wrdreg $0xFFFFFFFF;
	(pc) =	sbr.abs _section_cstart, $3  }
0xc8: {  	[dreg:$0x1] =	wrdreg $0xFFFFFFFF  }
0xc9: {  	_ =	task.clear_ibuf [dreg:s9], $0x2FFFF;
	_ =	strace $0x9FFFFFFF  }
0xca: {  	(tm) =	ssettm $0x7FFFFFFF  }
0xcb: {  	_ =	shalt  }
tec
execute0_lowered:
.L_overlay_start_1:
0x0: {  	(tag) =	ssettag $0x1  }
0x1: {  	s0 =	rddreg [dreg:$0x0]  }
0x2: {  	s1 =	srdreg.scid;
	s31 =	stileid.u32  }
0x3: {  	s7 =	rddreg [dreg:$0x2];
	s2 =	sand.u32 $0x1, s1;
	s16 =	sshll.u32 s31, $0x1  }
0x4: {  	s5 =	rddreg [dreg:$0x3];
	s6 =	sor.u32 s2, s16  }
0x5: {  	s3 =	simm.s32 $0x0;
	s1 =	smul.u32 $0xC800, s6;
	s12 =	sor.u32 $0x20, s6  }
0x6: {  	[smem:$0x7FF] =	sst s3;
	s4 =	sor.u32 $0x40, s6;
	s17 =	smul.u32 $0xC800, s12  }
0x7: {  	[smem:$0x7FC] =	sst s2;
	s16 =	sor.u32 $0x60, s6;
	s18 =	smul.u32 $0xC800, s4  }
0x8: {  	_ =	strace $0x80000047;
	s15 =	sor.u32 $0x80, s6;
	s11 =	smul.u32 $0xC800, s16  }
0x9: {  	s22 =	sor.u32 $0xC0, s6;
	s13 =	smul.u32 $0xC800, s15;
	s8 =	sshrl.u32 s1, $0x3  }
0xa: {  	s9 =	sadd.s32 s7, s8;
	s10 =	sshrl.u32 s17, $0x3;
	s11 =	sshrl.u32 s11, $0x3  }
0xb: {  	s17 =	sor.u32 $0xA0, s6;
	[dreg:$0x5] =	wrdreg s9;
	s19 =	sadd.s32 s7, s10  }
0xc: {  	s13 =	sshrl.u32 s13, $0x3;
	s20 =	sadd.s32 s7, s11;
	[dreg:$0x6] =	wrdreg s19  }
0xd: {  	s9 =	sshrl.u32 s18, $0x3;
	s21 =	sadd.s32 s7, s13;
	[dreg:$0x8] =	wrdreg s20  }
0xe: {  	s14 =	smul.u32 $0xC800, s17;
	s1 =	sadd.s32 s7, s9;
	[dreg:$0x9] =	wrdreg s21  }
0xf: {  	s18 =	smul.u32 $0xC800, s22;
	s21 =	sadd.s32 $0x186A00, s8;
	[dreg:$0x7] =	wrdreg s1  }
0x10: {  	s14 =	sshrl.u32 s14, $0x3;
	s1 =	sor.u32 $0xE0, s6;
	s25 =	sadd.s32 s7, s21  }
0x11: {  	s18 =	sshrl.u32 s18, $0x3;
	s19 =	sadd.s32 s7, s14;
	[dreg:$0xd] =	wrdreg s25  }
0x12: {  	s20 =	smul.u32 $0x1900, s1;
	s23 =	sadd.s32 s7, s18;
	[dreg:$0xa] =	wrdreg s19  }
0x13: {  	s25 =	sadd.s32 $0x186A00, s11;
	s11 =	sadd.s32 s5, s11;
	[dreg:$0xb] =	wrdreg s23  }
0x14: {  	s29 =	sadd.s32 s7, s25;
	[dreg:$0x18] =	wrdreg s11  }
0x15: {  	s23 =	sadd.s32 $0x186A00, s10;
	s24 =	sadd.s32 s7, s20;
	[dreg:$0x10] =	wrdreg s29  }
0x16: {  	s19 =	sadd.s32 $0x186A00, s14;
	s26 =	sadd.s32 s7, s23;
	[dreg:$0xc] =	wrdreg s24  }
0x17: {  	s29 =	sadd.s32 s7, s19;
	[dreg:$0xe] =	wrdreg s26  }
0x18: {  	s26 =	sadd.s32 $0x186A00, s13;
	[dreg:$0x12] =	wrdreg s29;
	s13 =	sadd.s32 s5, s13  }
0x19: {  	s29 =	sadd.s32 s5, s14;
	[dreg:$0x19] =	wrdreg s13  }
0x1a: {  	s24 =	sadd.s32 $0x186A00, s9;
	s14 =	sadd.s32 s5, s25;
	[dreg:$0x1a] =	wrdreg s29  }
0x1b: {  	s28 =	sadd.s32 s7, s24;
	[smem:$0x7F3] =	sst s14  }
0x1c: {  	s30 =	sadd.s32 s7, s26;
	[dreg:$0xf] =	wrdreg s28  }
0x1d: {  	s11 =	sadd.s32 s5, s24;
	[dreg:$0x11] =	wrdreg s30  }
0x1e: {  	s24 =	sadd.s32 s5, s19;
	s30 =	sadd.s32 $0x186A00, s18;
	[dreg:$0x1f] =	wrdreg s11  }
0x1f: {  	[smem:$0x7F7] =	sst s24;
	s2 =	sadd.s32 s7, s30  }
0x20: {  	s25 =	sadd.s32 s5, s30;
	[dreg:$0x13] =	wrdreg s2  }
0x21: {  	s12 =	sshll.u32 s12, $0x9;
	s2 =	sadd.s32 s5, s8;
	[smem:$0x7F9] =	sst s25  }
0x22: {  	s28 =	smul.u32 $0xC800, s1;
	s8 =	sadd.s32 s5, s10;
	[dreg:$0x15] =	wrdreg s2  }
0x23: {  	s13 =	sshll.u32 s31, $0xA;
	s10 =	sadd.s32 s5, s9;
	[dreg:$0x16] =	wrdreg s8  }
0x24: {  	s28 =	sshrl.u32 s28, $0x3;
	s9 =	sadd.s32 s5, s21;
	[dreg:$0x17] =	wrdreg s10  }
0x25: {  	s21 =	sadd.s32 s5, s26;
	s28 =	sadd.s32 $0x186A00, s28;
	[dreg:$0x1d] =	wrdreg s9  }
0x26: {  	s2 =	sadd.s32 s5, s18;
	s8 =	sadd.s32 s5, s20;
	[smem:$0x7F5] =	sst s21  }
0x27: {  	s10 =	sadd.s32 s5, s23;
	s20 =	sshll.u32 s6, $0x7;
	[dreg:$0x1b] =	wrdreg s2  }
0x28: {  	s7 =	sadd.s32 s7, s28;
	[dreg:$0x1c] =	wrdreg s8;
	s23 =	sor.u32 s13, s20  }
0x29: {  	s18 =	sadd.s32 $0x1800, s0;
	[dreg:$0x14] =	wrdreg s7;
	s7 =	sand.u32 $0x3380, s23  }
0x2a: {  	[dreg:$0x1e] =	wrdreg s10;
	s5 =	sadd.s32 s5, s28;
	s30 =	sshrl.u32 s7, $0x3  }
0x2b: {  	s6 =	simm.s32 $0x400;
	[smem:$0x7FB] =	sst s5;
	s26 =	sadd.s32 s18, s30  }
0x2c: {  	s5 =	simm.s32 $0x80;
	s7 =	simm.s32 $0x4;
	[smem:$0x7E7] =	sst s26  }
0x2d: {  	[tilespmem:s3], [sflag:$0x4] =	stream.strided.gather [hbm4b:s26+s5], $0x200, s6, s5, $0x38;
	[tilespmem:$0x19200] =	vst v63  }
0x2e: {  	s12 =	sand.u32 $0x7000, s12;
	s11 =	simm.s32 $0x1;
	_ =	swait.ge [sflag:s7], $0x200  }
0x2f: {  	s9 =	simm.s32 $0x190;
	s8 =	sadd.s32 $0x9800, s0;
	[sflag:s7] =	ssyncset.done $0x0  }
0x30: {  	s10 =	simm.s32 $0x200;
	s19 =	sand.u32 $0x380, s20;
	[sflag:s7] =	ssyncadd.s32 $0xFFFFFE00  }
0x31: {  	[tilespmem:s10], [sflag:$0x1] =	stream.indirect.gather [hbm4b:s8+s9], $0x80, s3, s9, $0xb8;
	[tilespmem:$0x19200] =	vst v63  }
0x32: {  	s12 =	sor.u32 s19, s12;
	_ =	swait.ge [sflag:s11], $0xC800  }
0x33: {  	s20 =	sshrl.u32 s12, $0x3;
	[sflag:s11] =	ssyncset.done $0x0  }
0x34: {  	s29 =	sadd.s32 s18, s20;
	s28 =	rddreg [dreg:$0x5];
	[sflag:s11] =	ssyncadd.s32 $0xFFFF3800  }
0x35: {  	[hbm4b:s28+s3] =	stream.linear.scatter [tilespmem:s10], [sflag:$0x2], $0xC800, $0x38;
	[tilespmem:$0x19200] =	vst v63  }
0x36: {  	[smem:$0x7E8] =	sst s29  }
0x37: {  	[tilespmem:s3], [sflag:$0x4] =	stream.strided.gather [hbm4b:s29+s5], $0x200, s6, s5, $0x38;
	[tilespmem:$0x19200] =	vst v63  }
0x38: {  	_ =	swait.ge [sflag:s7], $0x200  }
0x39: {  	[sflag:s7] =	ssyncset.done $0x0  }
0x3a: {  	s13 =	simm.s32 $0xCA00;
	[sflag:s7] =	ssyncadd.s32 $0xFFFFFE00  }
0x3b: {  	[tilespmem:s13], [sflag:$0x1] =	stream.indirect.gather [hbm4b:s8+s9], $0x80, s3, s9, $0xb8;
	[tilespmem:$0x19200] =	vst v63  }
0x3c: {  	s4 =	sshll.u32 s4, $0x9;
	_ =	swait.ge [sflag:s11], $0xC800  }
0x3d: {  	s4 =	sand.u32 $0xB000, s4;
	s14 =	simm.s32 $0x2;
	[sflag:s11] =	ssyncset.done $0x0  }
0x3e: {  	s4 =	sor.u32 s19, s4;
	s2 =	rddreg [dreg:$0x6];
	[sflag:s11] =	ssyncadd.s32 $0xFFFF3800  }
0x3f: {  	[hbm4b:s2+s3] =	stream.linear.scatter [tilespmem:s13], [sflag:$0x3], $0xC800, $0x38;
	[tilespmem:$0x19200] =	vst v63  }
0x40: {  	s21 =	sshrl.u32 s4, $0x3;
	_ =	swait.ge [sflag:s14], $0xC800  }
0x41: {  	s12 =	sadd.s32 s18, s21;
	[sflag:s14] =	ssyncset.done $0x0  }
0x42: {  	[smem:$0x7E9] =	sst s12;
	[sflag:s14] =	ssyncadd.s32 $0xFFFF3800  }
0x43: {  	[tilespmem:s3], [sflag:$0x4] =	stream.strided.gather [hbm4b:s12+s5], $0x200, s6, s5, $0x38;
	[tilespmem:$0x19200] =	vst v63  }
0x44: {  	_ =	swait.ge [sflag:s7], $0x200  }
0x45: {  	[sflag:s7] =	ssyncset.done $0x0  }
0x46: {  	[sflag:s7] =	ssyncadd.s32 $0xFFFFFE00  }
0x47: {  	[tilespmem:s10], [sflag:$0x1] =	stream.indirect.gather [hbm4b:s8+s9], $0x80, s3, s9, $0xb8;
	[tilespmem:$0x19200] =	vst v63  }
0x48: {  	s24 =	sshll.u32 s16, $0x9;
	_ =	swait.ge [sflag:s11], $0xC800  }
0x49: {  	s16 =	simm.s32 $0x3;
	s4 =	sand.u32 $0xF000, s24;
	[sflag:s11] =	ssyncset.done $0x0  }
0x4a: {  	s4 =	sor.u32 s19, s4;
	s23 =	rddreg [dreg:$0x7];
	[sflag:s11] =	ssyncadd.s32 $0xFFFF3800  }
0x4b: {  	[hbm4b:s23+s3] =	stream.linear.scatter [tilespmem:s10], [sflag:$0x2], $0xC800, $0x38;
	[tilespmem:$0x19200] =	vst v63  }
0x4c: {  	s4 =	sshrl.u32 s4, $0x3;
	_ =	swait.ge [sflag:s16], $0xC800  }
0x4d: {  	s25 =	sadd.s32 s18, s4;
	[sflag:s16] =	ssyncset.done $0x0  }
0x4e: {  	[smem:$0x7EA] =	sst s25;
	[sflag:s16] =	ssyncadd.s32 $0xFFFF3800  }
0x4f: {  	[tilespmem:s3], [sflag:$0x4] =	stream.strided.gather [hbm4b:s25+s5], $0x200, s6, s5, $0x38;
	[tilespmem:$0x19200] =	vst v63  }
0x50: {  	_ =	swait.ge [sflag:s7], $0x200  }
0x51: {  	[sflag:s7] =	ssyncset.done $0x0  }
0x52: {  	[sflag:s7] =	ssyncadd.s32 $0xFFFFFE00  }
0x53: {  	[tilespmem:s13], [sflag:$0x1] =	stream.indirect.gather [hbm4b:s8+s9], $0x80, s3, s9, $0xb8;
	[tilespmem:$0x19200] =	vst v63  }
0x54: {  	s28 =	sshll.u32 s15, $0x9;
	_ =	swait.ge [sflag:s11], $0xC800  }
0x55: {  	s12 =	sand.u32 $0x13000, s28;
	[sflag:s11] =	ssyncset.done $0x0  }
0x56: {  	s12 =	sor.u32 s19, s12;
	s26 =	rddreg [dreg:$0x8];
	[sflag:s11] =	ssyncadd.s32 $0xFFFF3800  }
0x57: {  	[hbm4b:s26+s3] =	stream.linear.scatter [tilespmem:s13], [sflag:$0x3], $0xC800, $0x38;
	[tilespmem:$0x19200] =	vst v63  }
0x58: {  	s12 =	sshrl.u32 s12, $0x3;
	_ =	swait.ge [sflag:s14], $0xC800  }
0x59: {  	s29 =	sadd.s32 s18, s12;
	[sflag:s14] =	ssyncset.done $0x0  }
0x5a: {  	[smem:$0x7EB] =	sst s29;
	[sflag:s14] =	ssyncadd.s32 $0xFFFF3800  }
0x5b: {  	[tilespmem:s3], [sflag:$0x4] =	stream.strided.gather [hbm4b:s29+s5], $0x200, s6, s5, $0x38;
	[tilespmem:$0x19200] =	vst v63  }
0x5c: {  	_ =	swait.ge [sflag:s7], $0x200  }
0x5d: {  	[sflag:s7] =	ssyncset.done $0x0  }
0x5e: {  	[sflag:s7] =	ssyncadd.s32 $0xFFFFFE00  }
0x5f: {  	[tilespmem:s10], [sflag:$0x1] =	stream.indirect.gather [hbm4b:s8+s9], $0x80, s3, s9, $0xb8;
	[tilespmem:$0x19200] =	vst v63  }
0x60: {  	_ =	swait.ge [sflag:s11], $0xC800  }
0x61: {  	s23 =	sshll.u32 s17, $0x9;
	[sflag:s11] =	ssyncset.done $0x0  }
0x62: {  	s15 =	sand.u32 $0x17000, s23;
	s2 =	rddreg [dreg:$0x9];
	[sflag:s11] =	ssyncadd.s32 $0xFFFF3800  }
0x63: {  	[hbm4b:s2+s3] =	stream.linear.scatter [tilespmem:s10], [sflag:$0x2], $0xC800, $0x38;
	[tilespmem:$0x19200] =	vst v63  }
0x64: {  	s15 =	sor.u32 s19, s15;
	_ =	swait.ge [sflag:s16], $0xC800  }
0x65: {  	s28 =	sshrl.u32 s15, $0x3;
	[sflag:s16] =	ssyncset.done $0x0  }
0x66: {  	s26 =	sadd.s32 s18, s28;
	[sflag:s16] =	ssyncadd.s32 $0xFFFF3800  }
0x67: {  	[tilespmem:s3], [sflag:$0x4] =	stream.strided.gather [hbm4b:s26+s5], $0x200, s6, s5, $0x38;
	[tilespmem:$0x19200] =	vst v63  }
0x68: {  	_ =	swait.ge [sflag:s7], $0x200  }
0x69: {  	[sflag:s7] =	ssyncset.done $0x0  }
0x6a: {  	[sflag:s7] =	ssyncadd.s32 $0xFFFFFE00  }
0x6b: {  	[tilespmem:s13], [sflag:$0x1] =	stream.indirect.gather [hbm4b:s8+s9], $0x80, s3, s9, $0xb8;
	[tilespmem:$0x19200] =	vst v63  }
0x6c: {  	_ =	swait.ge [sflag:s11], $0xC800  }
0x6d: {  	s25 =	sshll.u32 s22, $0x9;
	[sflag:s11] =	ssyncset.done $0x0  }
0x6e: {  	s17 =	sand.u32 $0x1B000, s25;
	s24 =	rddreg [dreg:$0xa];
	[sflag:s11] =	ssyncadd.s32 $0xFFFF3800  }
0x6f: {  	[hbm4b:s24+s3] =	stream.linear.scatter [tilespmem:s13], [sflag:$0x3], $0xC800, $0x38;
	[tilespmem:$0x19200] =	vst v63  }
0x70: {  	s17 =	sor.u32 s19, s17;
	_ =	swait.ge [sflag:s14], $0xC800  }
0x71: {  	s15 =	sshrl.u32 s17, $0x3;
	[sflag:s14] =	ssyncset.done $0x0  }
0x72: {  	s24 =	sadd.s32 s18, s15;
	[sflag:s14] =	ssyncadd.s32 $0xFFFF3800  }
0x73: {  	[tilespmem:s3], [sflag:$0x4] =	stream.strided.gather [hbm4b:s24+s5], $0x200, s6, s5, $0x38;
	[tilespmem:$0x19200] =	vst v63  }
0x74: {  	_ =	swait.ge [sflag:s7], $0x200  }
0x75: {  	[sflag:s7] =	ssyncset.done $0x0  }
0x76: {  	[sflag:s7] =	ssyncadd.s32 $0xFFFFFE00  }
0x77: {  	[tilespmem:s10], [sflag:$0x1] =	stream.indirect.gather [hbm4b:s8+s9], $0x80, s3, s9, $0xb8;
	[tilespmem:$0x19200] =	vst v63  }
0x78: {  	s1 =	sshll.u32 s1, $0x9;
	_ =	swait.ge [sflag:s11], $0xC800  }
0x79: {  	p0 =	sgt.u32 s31, $0xC;
	s1 =	sand.u32 $0x1F000, s1;
	[sflag:s11] =	ssyncset.done $0x0  }
0x7a: {  	s1 =	sor.u32 s19, s1;
	s29 =	rddreg [dreg:$0xb];
	[sflag:s11] =	ssyncadd.s32 $0xFFFF3800  }
0x7b: {  	[hbm4b:s29+s3] =	stream.linear.scatter [tilespmem:s10], [sflag:$0x2], $0xC800, $0x38;
	[tilespmem:$0x19200] =	vst v63  }
0x7c: {  	s25 =	simm.s32 @!p0 $0x4;
	s19 =	sshrl.u32 s1, $0x3;
	_ =	swait.ge [sflag:s16], $0xC800  }
0x7d: {  	s1 =	simm.s32 @!p0 $0x400;
	s23 =	sadd.s32 s18, s19;
	[sflag:s16] =	ssyncset.done $0x0  }
0x7e: {  	s17 =	simm.s32 @!p0 $0x0;
	s2 =	simm.s32 @!p0 $0x80;
	[sflag:s16] =	ssyncadd.s32 $0xFFFF3800  }
0x7f: {  	[tilespmem:s17], [sflag:$0x4] =	stream.strided.gather @!p0 [hbm4b:s23+s2], $0x200, s1, s2, $0x38;
	[tilespmem:$0x19200] =	vst v63  }
0x80: {  	_ =	swait.ge @!p0 [sflag:s25], $0x200  }
0x81: {  	s18 =	simm.s32 @!p0 $0xCA00;
	[sflag:s25] =	ssyncset.done @!p0 $0x0  }
0x82: {  	s1 =	simm.s32 @!p0 $0x190;
	s2 =	simm.s32 @!p0 $0x1;
	[sflag:s25] =	ssyncadd.s32 @!p0 $0xFFFFFE00  }
0x83: {  	[tilespmem:s18], [sflag:$0x1] =	stream.indirect.gather @!p0 [hbm4b:s8+s1], $0x80, s17, s1, $0xb8;
	[tilespmem:$0x19200] =	vst v63  }
0x84: {  	_ =	swait.ge @!p0 [sflag:s2], $0xC800  }
0x85: {  	[sflag:s2] =	ssyncset.done @!p0 $0x0  }
0x86: {  	s1 =	rddreg [dreg:$0xc];
	[sflag:s2] =	ssyncadd.s32 @!p0 $0xFFFF3800  }
0x87: {  	[hbm4b:s1+s17] =	stream.linear.scatter @!p0 [tilespmem:s18], [sflag:$0x3], $0xC800, $0x38;
	[tilespmem:$0x19200] =	vst v63  }
0x88: {  	_ =	swait.ge [sflag:s14], $0xC800  }
0x89: {  	s31 =	sadd.s32 $0x5800, s0;
	[sflag:s14] =	ssyncset.done $0x0  }
0x8a: {  	s1 =	sadd.s32 s31, s30;
	[sflag:s14] =	ssyncadd.s32 $0xFFFF3800  }
0x8b: {  	[tilespmem:s3], [sflag:$0x4] =	stream.strided.gather [hbm4b:s1+s5], $0x200, s6, s5, $0x38;
	[tilespmem:$0x19200] =	vst v63  }
0x8c: {  	_ =	swait.ge [sflag:s7], $0x200  }
0x8d: {  	[sflag:s7] =	ssyncset.done $0x0  }
0x8e: {  	[sflag:s7] =	ssyncadd.s32 $0xFFFFFE00  }
0x8f: {  	[tilespmem:s10], [sflag:$0x1] =	stream.indirect.gather [hbm4b:s8+s9], $0x80, s3, s9, $0xb8;
	[tilespmem:$0x19200] =	vst v63  }
0x90: {  	_ =	swait.ge [sflag:s11], $0xC800  }
0x91: {  	[sflag:s11] =	ssyncset.done $0x0  }
0x92: {  	s22 =	simm.s32 @!p0 $0x3;
	s30 =	rddreg [dreg:$0xd];
	[sflag:s11] =	ssyncadd.s32 $0xFFFF3800  }
0x93: {  	[hbm4b:s30+s3] =	stream.linear.scatter [tilespmem:s10], [sflag:$0x2], $0xC800, $0x38;
	[tilespmem:$0x19200] =	vst v63  }
0x94: {  	_ =	swait.ge @!p0 [sflag:s22], $0xC800  }
0x95: {  	[sflag:s22] =	ssyncset.done @!p0 $0x0  }
0x96: {  	s30 =	sadd.s32 s31, s20;
	[sflag:s22] =	ssyncadd.s32 @!p0 $0xFFFF3800  }
0x97: {  	[tilespmem:s3], [sflag:$0x4] =	stream.strided.gather [hbm4b:s30+s5], $0x200, s6, s5, $0x38;
	[tilespmem:$0x19200] =	vst v63  }
0x98: {  	_ =	swait.ge [sflag:s7], $0x200  }
0x99: {  	[sflag:s7] =	ssyncset.done $0x0  }
0x9a: {  	[sflag:s7] =	ssyncadd.s32 $0xFFFFFE00  }
0x9b: {  	[tilespmem:s13], [sflag:$0x1] =	stream.indirect.gather [hbm4b:s8+s9], $0x80, s3, s9, $0xb8;
	[tilespmem:$0x19200] =	vst v63  }
0x9c: {  	_ =	swait.ge [sflag:s11], $0xC800  }
0x9d: {  	[sflag:s11] =	ssyncset.done $0x0  }
0x9e: {  	s20 =	rddreg [dreg:$0xe];
	[sflag:s11] =	ssyncadd.s32 $0xFFFF3800  }
0x9f: {  	[hbm4b:s20+s3] =	stream.linear.scatter [tilespmem:s13], [sflag:$0x3], $0xC800, $0x38;
	[tilespmem:$0x19200] =	vst v63  }
0xa0: {  	_ =	swait.ge [sflag:s14], $0xC800  }
0xa1: {  	[sflag:s14] =	ssyncset.done $0x0  }
0xa2: {  	s0 =	sadd.s32 s31, s21;
	[sflag:s14] =	ssyncadd.s32 $0xFFFF3800  }
0xa3: {  	[tilespmem:s3], [sflag:$0x4] =	stream.strided.gather [hbm4b:s0+s5], $0x200, s6, s5, $0x38;
	[tilespmem:$0x19200] =	vst v63  }
0xa4: {  	_ =	swait.ge [sflag:s7], $0x200  }
0xa5: {  	[sflag:s7] =	ssyncset.done $0x0  }
0xa6: {  	[sflag:s7] =	ssyncadd.s32 $0xFFFFFE00  }
0xa7: {  	[tilespmem:s10], [sflag:$0x1] =	stream.indirect.gather [hbm4b:s8+s9], $0x80, s3, s9, $0xb8;
	[tilespmem:$0x19200] =	vst v63  }
0xa8: {  	_ =	swait.ge [sflag:s11], $0xC800  }
0xa9: {  	[sflag:s11] =	ssyncset.done $0x0  }
0xaa: {  	s21 =	rddreg [dreg:$0xf];
	[sflag:s11] =	ssyncadd.s32 $0xFFFF3800  }
0xab: {  	[hbm4b:s21+s3] =	stream.linear.scatter [tilespmem:s10], [sflag:$0x2], $0xC800, $0x38;
	[tilespmem:$0x19200] =	vst v63  }
0xac: {  	_ =	swait.ge [sflag:s16], $0xC800  }
0xad: {  	[sflag:s16] =	ssyncset.done $0x0  }
0xae: {  	s4 =	sadd.s32 s31, s4;
	[sflag:s16] =	ssyncadd.s32 $0xFFFF3800  }
0xaf: {  	[tilespmem:s3], [sflag:$0x4] =	stream.strided.gather [hbm4b:s4+s5], $0x200, s6, s5, $0x38;
	[tilespmem:$0x19200] =	vst v63  }
0xb0: {  	_ =	swait.ge [sflag:s7], $0x200  }
0xb1: {  	[sflag:s7] =	ssyncset.done $0x0  }
0xb2: {  	[sflag:s7] =	ssyncadd.s32 $0xFFFFFE00  }
0xb3: {  	[tilespmem:s13], [sflag:$0x1] =	stream.indirect.gather [hbm4b:s8+s9], $0x80, s3, s9, $0xb8;
	[tilespmem:$0x19200] =	vst v63  }
0xb4: {  	_ =	swait.ge [sflag:s11], $0xC800  }
0xb5: {  	[sflag:s11] =	ssyncset.done $0x0  }
0xb6: {  	s21 =	rddreg [dreg:$0x10];
	[sflag:s11] =	ssyncadd.s32 $0xFFFF3800  }
0xb7: {  	[hbm4b:s21+s3] =	stream.linear.scatter [tilespmem:s13], [sflag:$0x3], $0xC800, $0x38;
	[tilespmem:$0x19200] =	vst v63  }
0xb8: {  	_ =	swait.ge [sflag:s14], $0xC800  }
0xb9: {  	[sflag:s14] =	ssyncset.done $0x0  }
0xba: {  	s12 =	sadd.s32 s31, s12;
	[sflag:s14] =	ssyncadd.s32 $0xFFFF3800  }
0xbb: {  	[tilespmem:s3], [sflag:$0x4] =	stream.strided.gather [hbm4b:s12+s5], $0x200, s6, s5, $0x38;
	[tilespmem:$0x19200] =	vst v63  }
0xbc: {  	_ =	swait.ge [sflag:s7], $0x200  }
0xbd: {  	[sflag:s7] =	ssyncset.done $0x0  }
0xbe: {  	[sflag:s7] =	ssyncadd.s32 $0xFFFFFE00  }
0xbf: {  	[tilespmem:s10], [sflag:$0x1] =	stream.indirect.gather [hbm4b:s8+s9], $0x80, s3, s9, $0xb8;
	[tilespmem:$0x19200] =	vst v63  }
0xc0: {  	_ =	swait.ge [sflag:s11], $0xC800  }
0xc1: {  	[sflag:s11] =	ssyncset.done $0x0  }
0xc2: {  	s21 =	rddreg [dreg:$0x11];
	[sflag:s11] =	ssyncadd.s32 $0xFFFF3800  }
0xc3: {  	[hbm4b:s21+s3] =	stream.linear.scatter [tilespmem:s10], [sflag:$0x2], $0xC800, $0x38;
	[tilespmem:$0x19200] =	vst v63  }
0xc4: {  	_ =	swait.ge [sflag:s16], $0xC800  }
0xc5: {  	[sflag:s16] =	ssyncset.done $0x0  }
0xc6: {  	s21 =	sadd.s32 s31, s28;
	[sflag:s16] =	ssyncadd.s32 $0xFFFF3800  }
0xc7: {  	[tilespmem:s3], [sflag:$0x4] =	stream.strided.gather [hbm4b:s21+s5], $0x200, s6, s5, $0x38;
	[tilespmem:$0x19200] =	vst v63  }
0xc8: {  	_ =	swait.ge [sflag:s7], $0x200  }
0xc9: {  	[sflag:s7] =	ssyncset.done $0x0  }
0xca: {  	[sflag:s7] =	ssyncadd.s32 $0xFFFFFE00  }
0xcb: {  	[tilespmem:s13], [sflag:$0x1] =	stream.indirect.gather [hbm4b:s8+s9], $0x80, s3, s9, $0xb8;
	[tilespmem:$0x19200] =	vst v63  }
0xcc: {  	_ =	swait.ge [sflag:s11], $0xC800  }
0xcd: {  	[sflag:s11] =	ssyncset.done $0x0  }
0xce: {  	s28 =	rddreg [dreg:$0x12];
	[sflag:s11] =	ssyncadd.s32 $0xFFFF3800  }
0xcf: {  	[hbm4b:s28+s3] =	stream.linear.scatter [tilespmem:s13], [sflag:$0x3], $0xC800, $0x38;
	[tilespmem:$0x19200] =	vst v63  }
0xd0: {  	_ =	swait.ge [sflag:s14], $0xC800  }
0xd1: {  	[sflag:s14] =	ssyncset.done $0x0  }
0xd2: {  	s15 =	sadd.s32 s31, s15;
	[sflag:s14] =	ssyncadd.s32 $0xFFFF3800  }
0xd3: {  	[tilespmem:s3], [sflag:$0x4] =	stream.strided.gather [hbm4b:s15+s5], $0x200, s6, s5, $0x38;
	[tilespmem:$0x19200] =	vst v63  }
0xd4: {  	_ =	swait.ge [sflag:s7], $0x200  }
0xd5: {  	[sflag:s7] =	ssyncset.done $0x0  }
0xd6: {  	[sflag:s7] =	ssyncadd.s32 $0xFFFFFE00  }
0xd7: {  	[tilespmem:s10], [sflag:$0x1] =	stream.indirect.gather [hbm4b:s8+s9], $0x80, s3, s9, $0xb8;
	[tilespmem:$0x19200] =	vst v63  }
0xd8: {  	_ =	swait.ge [sflag:s11], $0xC800  }
0xd9: {  	[sflag:s11] =	ssyncset.done $0x0  }
0xda: {  	s28 =	rddreg [dreg:$0x13];
	[sflag:s11] =	ssyncadd.s32 $0xFFFF3800  }
0xdb: {  	[hbm4b:s28+s3] =	stream.linear.scatter [tilespmem:s10], [sflag:$0x2], $0xC800, $0x38;
	[tilespmem:$0x19200] =	vst v63  }
0xdc: {  	_ =	swait.ge [sflag:s16], $0xC800  }
0xdd: {  	s29 =	simm.s32 @!p0 $0x80;
	[sflag:s16] =	ssyncset.done $0x0  }
0xde: {  	s20 =	sadd.s32 s31, s19;
	s31 =	simm.s32 @!p0 $0x400;
	[sflag:s16] =	ssyncadd.s32 $0xFFFF3800  }
0xdf: {  	[tilespmem:s17], [sflag:$0x4] =	stream.strided.gather @!p0 [hbm4b:s20+s29], $0x200, s31, s29, $0x38;
	[tilespmem:$0x19200] =	vst v63  }
0xe0: {  	_ =	swait.ge @!p0 [sflag:s25], $0x200  }
0xe1: {  	[sflag:s25] =	ssyncset.done @!p0 $0x0  }
0xe2: {  	s29 =	simm.s32 @!p0 $0x190;
	[sflag:s25] =	ssyncadd.s32 @!p0 $0xFFFFFE00  }
0xe3: {  	[tilespmem:s18], [sflag:$0x1] =	stream.indirect.gather @!p0 [hbm4b:s8+s29], $0x80, s17, s29, $0xb8;
	[tilespmem:$0x19200] =	vst v63  }
0xe4: {  	_ =	swait.ge @!p0 [sflag:s2], $0xC800  }
0xe5: {  	[sflag:s2] =	ssyncset.done @!p0 $0x0  }
0xe6: {  	s19 =	rddreg [dreg:$0x14];
	[sflag:s2] =	ssyncadd.s32 @!p0 $0xFFFF3800  }
0xe7: {  	[hbm4b:s19+s17] =	stream.linear.scatter @!p0 [tilespmem:s18], [sflag:$0x3], $0xC800, $0x38;
	[tilespmem:$0x19200] =	vst v63  }
0xe8: {  	_ =	swait.ge [sflag:s14], $0xC800  }
0xe9: {  	s28 =	sld [smem:$0x7E7]  }
0xea: {  	[sflag:s14] =	ssyncset.done $0x0  }
0xeb: {  	[sflag:s14] =	ssyncadd.s32 $0xFFFF3800  }
0xec: {  	[tilespmem:s3], [sflag:$0x4] =	stream.strided.gather [hbm4b:s28+s5], $0x200, s6, s5, $0x38;
	[tilespmem:$0x19200] =	vst v63  }
0xed: {  	_ =	swait.ge [sflag:s7], $0x200  }
0xee: {  	[sflag:s7] =	ssyncset.done $0x0  }
0xef: {  	[sflag:s7] =	ssyncadd.s32 $0xFFFFFE00  }
0xf0: {  	s28 =	rddreg [dreg:$0x1]  }
0xf1: {  	[tilespmem:s10], [sflag:$0x1] =	stream.indirect.gather [hbm4b:s28+s9], $0x80, s3, s9, $0xb8;
	[tilespmem:$0x19200] =	vst v63  }
0xf2: {  	_ =	swait.ge [sflag:s11], $0xC800  }
0xf3: {  	[sflag:s11] =	ssyncset.done $0x0  }
0xf4: {  	s19 =	rddreg [dreg:$0x15];
	[sflag:s11] =	ssyncadd.s32 $0xFFFF3800  }
0xf5: {  	[hbm4b:s19+s3] =	stream.linear.scatter [tilespmem:s10], [sflag:$0x2], $0xC800, $0x38;
	[tilespmem:$0x19200] =	vst v63  }
0xf6: {  	_ =	swait.ge @!p0 [sflag:s22], $0xC800  }
0xf7: {  	s19 =	sld [smem:$0x7E8]  }
0xf8: {  	[sflag:s22] =	ssyncset.done @!p0 $0x0  }
0xf9: {  	[sflag:s22] =	ssyncadd.s32 @!p0 $0xFFFF3800  }
0xfa: {  	[tilespmem:s3], [sflag:$0x4] =	stream.strided.gather [hbm4b:s19+s5], $0x200, s6, s5, $0x38;
	[tilespmem:$0x19200] =	vst v63  }
0xfb: {  	_ =	swait.ge [sflag:s7], $0x200  }
0xfc: {  	[sflag:s7] =	ssyncset.done $0x0  }
0xfd: {  	[sflag:s7] =	ssyncadd.s32 $0xFFFFFE00  }
0xfe: {  	[tilespmem:s13], [sflag:$0x1] =	stream.indirect.gather [hbm4b:s28+s9], $0x80, s3, s9, $0xb8;
	[tilespmem:$0x19200] =	vst v63  }
0xff: {  	_ =	swait.ge [sflag:s11], $0xC800  }
0x100: {  	[sflag:s11] =	ssyncset.done $0x0  }
0x101: {  	s19 =	rddreg [dreg:$0x16];
	[sflag:s11] =	ssyncadd.s32 $0xFFFF3800  }
0x102: {  	[hbm4b:s19+s3] =	stream.linear.scatter [tilespmem:s13], [sflag:$0x3], $0xC800, $0x38;
	[tilespmem:$0x19200] =	vst v63  }
0x103: {  	_ =	swait.ge [sflag:s14], $0xC800  }
0x104: {  	s19 =	sld [smem:$0x7E9]  }
0x105: {  	[sflag:s14] =	ssyncset.done $0x0  }
0x106: {  	[sflag:s14] =	ssyncadd.s32 $0xFFFF3800  }
0x107: {  	[tilespmem:s3], [sflag:$0x4] =	stream.strided.gather [hbm4b:s19+s5], $0x200, s6, s5, $0x38;
	[tilespmem:$0x19200] =	vst v63  }
0x108: {  	_ =	swait.ge [sflag:s7], $0x200  }
0x109: {  	[sflag:s7] =	ssyncset.done $0x0  }
0x10a: {  	[sflag:s7] =	ssyncadd.s32 $0xFFFFFE00  }
0x10b: {  	[tilespmem:s10], [sflag:$0x1] =	stream.indirect.gather [hbm4b:s28+s9], $0x80, s3, s9, $0xb8;
	[tilespmem:$0x19200] =	vst v63  }
0x10c: {  	_ =	swait.ge [sflag:s11], $0xC800  }
0x10d: {  	[sflag:s11] =	ssyncset.done $0x0  }
0x10e: {  	s19 =	rddreg [dreg:$0x17];
	[sflag:s11] =	ssyncadd.s32 $0xFFFF3800  }
0x10f: {  	[hbm4b:s19+s3] =	stream.linear.scatter [tilespmem:s10], [sflag:$0x2], $0xC800, $0x38;
	[tilespmem:$0x19200] =	vst v63  }
0x110: {  	_ =	swait.ge [sflag:s16], $0xC800  }
0x111: {  	s19 =	sld [smem:$0x7EA]  }
0x112: {  	[sflag:s16] =	ssyncset.done $0x0  }
0x113: {  	[sflag:s16] =	ssyncadd.s32 $0xFFFF3800  }
0x114: {  	[tilespmem:s3], [sflag:$0x4] =	stream.strided.gather [hbm4b:s19+s5], $0x200, s6, s5, $0x38;
	[tilespmem:$0x19200] =	vst v63  }
0x115: {  	_ =	swait.ge [sflag:s7], $0x200  }
0x116: {  	[sflag:s7] =	ssyncset.done $0x0  }
0x117: {  	[sflag:s7] =	ssyncadd.s32 $0xFFFFFE00  }
0x118: {  	[tilespmem:s13], [sflag:$0x1] =	stream.indirect.gather [hbm4b:s28+s9], $0x80, s3, s9, $0xb8;
	[tilespmem:$0x19200] =	vst v63  }
0x119: {  	_ =	swait.ge [sflag:s11], $0xC800  }
0x11a: {  	[sflag:s11] =	ssyncset.done $0x0  }
0x11b: {  	s19 =	rddreg [dreg:$0x18];
	[sflag:s11] =	ssyncadd.s32 $0xFFFF3800  }
0x11c: {  	[hbm4b:s19+s3] =	stream.linear.scatter [tilespmem:s13], [sflag:$0x3], $0xC800, $0x38;
	[tilespmem:$0x19200] =	vst v63  }
0x11d: {  	_ =	swait.ge [sflag:s14], $0xC800  }
0x11e: {  	s19 =	sld [smem:$0x7EB]  }
0x11f: {  	[sflag:s14] =	ssyncset.done $0x0  }
0x120: {  	[sflag:s14] =	ssyncadd.s32 $0xFFFF3800  }
0x121: {  	[tilespmem:s3], [sflag:$0x4] =	stream.strided.gather [hbm4b:s19+s5], $0x200, s6, s5, $0x38;
	[tilespmem:$0x19200] =	vst v63  }
0x122: {  	_ =	swait.ge [sflag:s7], $0x200  }
0x123: {  	[sflag:s7] =	ssyncset.done $0x0  }
0x124: {  	[sflag:s7] =	ssyncadd.s32 $0xFFFFFE00  }
0x125: {  	[tilespmem:s10], [sflag:$0x1] =	stream.indirect.gather [hbm4b:s28+s9], $0x80, s3, s9, $0xb8;
	[tilespmem:$0x19200] =	vst v63  }
0x126: {  	_ =	swait.ge [sflag:s11], $0xC800  }
0x127: {  	[sflag:s11] =	ssyncset.done $0x0  }
0x128: {  	s19 =	rddreg [dreg:$0x19];
	[sflag:s11] =	ssyncadd.s32 $0xFFFF3800  }
0x129: {  	[hbm4b:s19+s3] =	stream.linear.scatter [tilespmem:s10], [sflag:$0x2], $0xC800, $0x38;
	[tilespmem:$0x19200] =	vst v63  }
0x12a: {  	_ =	swait.ge [sflag:s16], $0xC800  }
0x12b: {  	[sflag:s16] =	ssyncset.done $0x0  }
0x12c: {  	[smem:$0x7EC] =	sst s26;
	[sflag:s16] =	ssyncadd.s32 $0xFFFF3800  }
0x12d: {  	[tilespmem:s3], [sflag:$0x4] =	stream.strided.gather [hbm4b:s26+s5], $0x200, s6, s5, $0x38;
	[tilespmem:$0x19200] =	vst v63  }
0x12e: {  	_ =	swait.ge [sflag:s7], $0x200  }
0x12f: {  	[sflag:s7] =	ssyncset.done $0x0  }
0x130: {  	[sflag:s7] =	ssyncadd.s32 $0xFFFFFE00  }
0x131: {  	[tilespmem:s13], [sflag:$0x1] =	stream.indirect.gather [hbm4b:s28+s9], $0x80, s3, s9, $0xb8;
	[tilespmem:$0x19200] =	vst v63  }
0x132: {  	_ =	swait.ge [sflag:s11], $0xC800  }
0x133: {  	[sflag:s11] =	ssyncset.done $0x0  }
0x134: {  	s26 =	rddreg [dreg:$0x1a];
	[sflag:s11] =	ssyncadd.s32 $0xFFFF3800  }
0x135: {  	[hbm4b:s26+s3] =	stream.linear.scatter [tilespmem:s13], [sflag:$0x3], $0xC800, $0x38;
	[tilespmem:$0x19200] =	vst v63  }
0x136: {  	_ =	swait.ge [sflag:s14], $0xC800  }
0x137: {  	[sflag:s14] =	ssyncset.done $0x0  }
0x138: {  	[smem:$0x7ED] =	sst s24;
	[sflag:s14] =	ssyncadd.s32 $0xFFFF3800  }
0x139: {  	[tilespmem:s3], [sflag:$0x4] =	stream.strided.gather [hbm4b:s24+s5], $0x200, s6, s5, $0x38;
	[tilespmem:$0x19200] =	vst v63  }
0x13a: {  	_ =	swait.ge [sflag:s7], $0x200  }
0x13b: {  	[sflag:s7] =	ssyncset.done $0x0  }
0x13c: {  	[sflag:s7] =	ssyncadd.s32 $0xFFFFFE00  }
0x13d: {  	[tilespmem:s10], [sflag:$0x1] =	stream.indirect.gather [hbm4b:s28+s9], $0x80, s3, s9, $0xb8;
	[tilespmem:$0x19200] =	vst v63  }
0x13e: {  	_ =	swait.ge [sflag:s11], $0xC800  }
0x13f: {  	[sflag:s11] =	ssyncset.done $0x0  }
0x140: {  	s26 =	rddreg [dreg:$0x1b];
	[sflag:s11] =	ssyncadd.s32 $0xFFFF3800  }
0x141: {  	[hbm4b:s26+s3] =	stream.linear.scatter [tilespmem:s10], [sflag:$0x2], $0xC800, $0x38;
	[tilespmem:$0x19200] =	vst v63  }
0x142: {  	_ =	swait.ge [sflag:s16], $0xC800  }
0x143: {  	[sflag:s16] =	ssyncset.done $0x0  }
0x144: {  	s19 =	simm.s32 @!p0 $0x80;
	[smem:$0x7EE] =	sst s23;
	[sflag:s16] =	ssyncadd.s32 $0xFFFF3800  }
0x145: {  	[tilespmem:s17], [sflag:$0x4] =	stream.strided.gather @!p0 [hbm4b:s23+s19], $0x200, s31, s19, $0x38;
	[tilespmem:$0x19200] =	vst v63  }
0x146: {  	_ =	swait.ge @!p0 [sflag:s25], $0x200  }
0x147: {  	[sflag:s25] =	ssyncset.done @!p0 $0x0  }
0x148: {  	[sflag:s25] =	ssyncadd.s32 @!p0 $0xFFFFFE00  }
0x149: {  	[tilespmem:s18], [sflag:$0x1] =	stream.indirect.gather @!p0 [hbm4b:s28+s29], $0x80, s17, s29, $0xb8;
	[tilespmem:$0x19200] =	vst v63  }
0x14a: {  	_ =	swait.ge @!p0 [sflag:s2], $0xC800  }
0x14b: {  	[sflag:s2] =	ssyncset.done @!p0 $0x0  }
0x14c: {  	s19 =	rddreg [dreg:$0x1c];
	[sflag:s2] =	ssyncadd.s32 @!p0 $0xFFFF3800  }
0x14d: {  	[hbm4b:s19+s17] =	stream.linear.scatter @!p0 [tilespmem:s18], [sflag:$0x3], $0xC800, $0x38;
	[tilespmem:$0x19200] =	vst v63  }
0x14e: {  	_ =	swait.ge [sflag:s14], $0xC800  }
0x14f: {  	[sflag:s14] =	ssyncset.done $0x0  }
0x150: {  	[smem:$0x7EF] =	sst s1;
	[sflag:s14] =	ssyncadd.s32 $0xFFFF3800  }
0x151: {  	[tilespmem:s3], [sflag:$0x4] =	stream.strided.gather [hbm4b:s1+s5], $0x200, s6, s5, $0x38;
	[tilespmem:$0x19200] =	vst v63  }
0x152: {  	_ =	swait.ge [sflag:s7], $0x200  }
0x153: {  	[sflag:s7] =	ssyncset.done $0x0  }
0x154: {  	[sflag:s7] =	ssyncadd.s32 $0xFFFFFE00  }
0x155: {  	[tilespmem:s10], [sflag:$0x1] =	stream.indirect.gather [hbm4b:s28+s9], $0x80, s3, s9, $0xb8;
	[tilespmem:$0x19200] =	vst v63  }
0x156: {  	_ =	swait.ge [sflag:s11], $0xC800  }
0x157: {  	[sflag:s11] =	ssyncset.done $0x0  }
0x158: {  	s29 =	rddreg [dreg:$0x1d];
	[sflag:s11] =	ssyncadd.s32 $0xFFFF3800  }
0x159: {  	[hbm4b:s29+s3] =	stream.linear.scatter [tilespmem:s10], [sflag:$0x2], $0xC800, $0x38;
	[tilespmem:$0x19200] =	vst v63  }
0x15a: {  	_ =	swait.ge @!p0 [sflag:s22], $0xC800  }
0x15b: {  	[sflag:s22] =	ssyncset.done @!p0 $0x0  }
0x15c: {  	[smem:$0x7F0] =	sst s30;
	[sflag:s22] =	ssyncadd.s32 @!p0 $0xFFFF3800  }
0x15d: {  	[tilespmem:s3], [sflag:$0x4] =	stream.strided.gather [hbm4b:s30+s5], $0x200, s6, s5, $0x38;
	[tilespmem:$0x19200] =	vst v63  }
0x15e: {  	_ =	swait.ge [sflag:s7], $0x200  }
0x15f: {  	[sflag:s7] =	ssyncset.done $0x0  }
0x160: {  	[sflag:s7] =	ssyncadd.s32 $0xFFFFFE00  }
0x161: {  	[tilespmem:s13], [sflag:$0x1] =	stream.indirect.gather [hbm4b:s28+s9], $0x80, s3, s9, $0xb8;
	[tilespmem:$0x19200] =	vst v63  }
0x162: {  	_ =	swait.ge [sflag:s11], $0xC800  }
0x163: {  	[sflag:s11] =	ssyncset.done $0x0  }
0x164: {  	s31 =	rddreg [dreg:$0x1e];
	[sflag:s11] =	ssyncadd.s32 $0xFFFF3800  }
0x165: {  	[hbm4b:s31+s3] =	stream.linear.scatter [tilespmem:s13], [sflag:$0x3], $0xC800, $0x38;
	[tilespmem:$0x19200] =	vst v63  }
0x166: {  	_ =	swait.ge [sflag:s14], $0xC800  }
0x167: {  	[sflag:s14] =	ssyncset.done $0x0  }
0x168: {  	[smem:$0x7F1] =	sst s0;
	[sflag:s14] =	ssyncadd.s32 $0xFFFF3800  }
0x169: {  	[tilespmem:s3], [sflag:$0x4] =	stream.strided.gather [hbm4b:s0+s5], $0x200, s6, s5, $0x38;
	[tilespmem:$0x19200] =	vst v63  }
0x16a: {  	_ =	swait.ge [sflag:s7], $0x200  }
0x16b: {  	[sflag:s7] =	ssyncset.done $0x0  }
0x16c: {  	[sflag:s7] =	ssyncadd.s32 $0xFFFFFE00  }
0x16d: {  	[tilespmem:s10], [sflag:$0x1] =	stream.indirect.gather [hbm4b:s28+s9], $0x80, s3, s9, $0xb8;
	[tilespmem:$0x19200] =	vst v63  }
0x16e: {  	_ =	swait.ge [sflag:s11], $0xC800  }
0x16f: {  	[sflag:s11] =	ssyncset.done $0x0  }
0x170: {  	s1 =	rddreg [dreg:$0x1f];
	[sflag:s11] =	ssyncadd.s32 $0xFFFF3800  }
0x171: {  	[hbm4b:s1+s3] =	stream.linear.scatter [tilespmem:s10], [sflag:$0x2], $0xC800, $0x38;
	[tilespmem:$0x19200] =	vst v63  }
0x172: {  	_ =	swait.ge [sflag:s16], $0xC800  }
0x173: {  	[sflag:s16] =	ssyncset.done $0x0  }
0x174: {  	[smem:$0x7F2] =	sst s4;
	[sflag:s16] =	ssyncadd.s32 $0xFFFF3800  }
0x175: {  	[tilespmem:s3], [sflag:$0x4] =	stream.strided.gather [hbm4b:s4+s5], $0x200, s6, s5, $0x38;
	[tilespmem:$0x19200] =	vst v63  }
0x176: {  	_ =	swait.ge [sflag:s7], $0x200  }
0x177: {  	[sflag:s7] =	ssyncset.done $0x0  }
0x178: {  	[sflag:s7] =	ssyncadd.s32 $0xFFFFFE00  }
0x179: {  	[tilespmem:s13], [sflag:$0x1] =	stream.indirect.gather [hbm4b:s28+s9], $0x80, s3, s9, $0xb8;
	[tilespmem:$0x19200] =	vst v63  }
0x17a: {  	_ =	swait.ge [sflag:s11], $0xC800  }
0x17b: {  	s4 =	sld [smem:$0x7F3]  }
0x17c: {  	[sflag:s11] =	ssyncset.done $0x0  }
0x17d: {  	[sflag:s11] =	ssyncadd.s32 $0xFFFF3800  }
0x17e: {  	[hbm4b:s4+s3] =	stream.linear.scatter [tilespmem:s13], [sflag:$0x3], $0xC800, $0x38;
	[tilespmem:$0x19200] =	vst v63  }
0x17f: {  	_ =	swait.ge [sflag:s14], $0xC800  }
0x180: {  	[sflag:s14] =	ssyncset.done $0x0  }
0x181: {  	[smem:$0x7F4] =	sst s12;
	[sflag:s14] =	ssyncadd.s32 $0xFFFF3800  }
0x182: {  	[tilespmem:s3], [sflag:$0x4] =	stream.strided.gather [hbm4b:s12+s5], $0x200, s6, s5, $0x38;
	[tilespmem:$0x19200] =	vst v63  }
0x183: {  	_ =	swait.ge [sflag:s7], $0x200  }
0x184: {  	[sflag:s7] =	ssyncset.done $0x0  }
0x185: {  	[sflag:s7] =	ssyncadd.s32 $0xFFFFFE00  }
0x186: {  	[tilespmem:s10], [sflag:$0x1] =	stream.indirect.gather [hbm4b:s28+s9], $0x80, s3, s9, $0xb8;
	[tilespmem:$0x19200] =	vst v63  }
0x187: {  	_ =	swait.ge [sflag:s11], $0xC800  }
0x188: {  	s12 =	sld [smem:$0x7F5]  }
0x189: {  	[sflag:s11] =	ssyncset.done $0x0  }
0x18a: {  	[sflag:s11] =	ssyncadd.s32 $0xFFFF3800  }
0x18b: {  	[hbm4b:s12+s3] =	stream.linear.scatter [tilespmem:s10], [sflag:$0x2], $0xC800, $0x38;
	[tilespmem:$0x19200] =	vst v63  }
0x18c: {  	_ =	swait.ge [sflag:s16], $0xC800  }
0x18d: {  	[sflag:s16] =	ssyncset.done $0x0  }
0x18e: {  	[smem:$0x7F6] =	sst s21;
	[sflag:s16] =	ssyncadd.s32 $0xFFFF3800  }
0x18f: {  	[tilespmem:s3], [sflag:$0x4] =	stream.strided.gather [hbm4b:s21+s5], $0x200, s6, s5, $0x38;
	[tilespmem:$0x19200] =	vst v63  }
0x190: {  	_ =	swait.ge [sflag:s7], $0x200  }
0x191: {  	[sflag:s7] =	ssyncset.done $0x0  }
0x192: {  	[sflag:s7] =	ssyncadd.s32 $0xFFFFFE00  }
0x193: {  	[tilespmem:s13], [sflag:$0x1] =	stream.indirect.gather [hbm4b:s28+s9], $0x80, s3, s9, $0xb8;
	[tilespmem:$0x19200] =	vst v63  }
0x194: {  	_ =	swait.ge [sflag:s11], $0xC800  }
0x195: {  	s21 =	sld [smem:$0x7F7]  }
0x196: {  	[sflag:s11] =	ssyncset.done $0x0  }
0x197: {  	[sflag:s11] =	ssyncadd.s32 $0xFFFF3800  }
0x198: {  	[hbm4b:s21+s3] =	stream.linear.scatter [tilespmem:s13], [sflag:$0x3], $0xC800, $0x38;
	[tilespmem:$0x19200] =	vst v63  }
0x199: {  	_ =	swait.ge [sflag:s14], $0xC800  }
0x19a: {  	[sflag:s14] =	ssyncset.done $0x0  }
0x19b: {  	[smem:$0x7F8] =	sst s15;
	[sflag:s14] =	ssyncadd.s32 $0xFFFF3800  }
0x19c: {  	[tilespmem:s3], [sflag:$0x4] =	stream.strided.gather [hbm4b:s15+s5], $0x200, s6, s5, $0x38;
	[tilespmem:$0x19200] =	vst v63  }
0x19d: {  	_ =	swait.ge [sflag:s7], $0x200  }
0x19e: {  	[sflag:s7] =	ssyncset.done $0x0  }
0x19f: {  	[sflag:s7] =	ssyncadd.s32 $0xFFFFFE00  }
0x1a0: {  	[tilespmem:s10], [sflag:$0x1] =	stream.indirect.gather [hbm4b:s28+s9], $0x80, s3, s9, $0xb8;
	[tilespmem:$0x19200] =	vst v63  }
0x1a1: {  	_ =	swait.ge [sflag:s11], $0xC800  }
0x1a2: {  	s22 =	sld [smem:$0x7F9]  }
0x1a3: {  	[sflag:s11] =	ssyncset.done $0x0  }
0x1a4: {  	[sflag:s11] =	ssyncadd.s32 $0xFFFF3800  }
0x1a5: {  	[hbm4b:s22+s3] =	stream.linear.scatter [tilespmem:s10], [sflag:$0x2], $0xC800, $0x38;
	[tilespmem:$0x19200] =	vst v63  }
0x1a6: {  	_ =	swait.ge [sflag:s16], $0xC800  }
0x1a7: {  	s26 =	simm.s32 @!p0 $0x80;
	[sflag:s16] =	ssyncset.done $0x0  }
0x1a8: {  	s23 =	simm.s32 @!p0 $0x400;
	[smem:$0x7FA] =	sst s20;
	[sflag:s16] =	ssyncadd.s32 $0xFFFF3800  }
0x1a9: {  	[tilespmem:s17], [sflag:$0x4] =	stream.strided.gather @!p0 [hbm4b:s20+s26], $0x200, s23, s26, $0x38;
	[tilespmem:$0x19200] =	vst v63  }
0x1aa: {  	_ =	swait.ge @!p0 [sflag:s25], $0x200  }
0x1ab: {  	[sflag:s25] =	ssyncset.done @!p0 $0x0  }
0x1ac: {  	s24 =	simm.s32 @!p0 $0x190;
	[sflag:s25] =	ssyncadd.s32 @!p0 $0xFFFFFE00  }
0x1ad: {  	[tilespmem:s18], [sflag:$0x1] =	stream.indirect.gather @!p0 [hbm4b:s28+s24], $0x80, s17, s24, $0xb8;
	[tilespmem:$0x19200] =	vst v63  }
0x1ae: {  	_ =	swait.ge @!p0 [sflag:s2], $0xC800  }
0x1af: {  	s19 =	sld [smem:$0x7FB]  }
0x1b0: {  	[sflag:s2] =	ssyncset.done @!p0 $0x0;
	s29 =	sld [smem:$0x7FC]  }
0x1b1: {  	[sflag:s2] =	ssyncadd.s32 @!p0 $0xFFFF3800  }
0x1b2: {  	[hbm4b:s19+s17] =	stream.linear.scatter @!p0 [tilespmem:s18], [sflag:$0x3], $0xC800, $0x38;
	[tilespmem:$0x19200] =	vst v63  }
0x1b3: {  	s30 =	ssub.s32 $0x2, s29  }
0x1b4: {  	s31 =	sshrl.u32 s30, $0x1  }
0x1b5: {  	s20 =	ssub.s32 s30, s31  }
0x1b6: {  	s21 =	smax.u32 s20, $0x1  }
0x1b7: {  	s15 =	sadd.s32 $0xFFFFFFFF, s21  }
0x1b8: {  	s0 =	simm.s32 @!p0 $0x2;
	p1 =	sne.s32 s15, $0x0  }
.Ltmp0:
0x1b9: {  	_ =	swait.ge @!p0 [sflag:s0], $0xC800;
	(pc) =	sbr.rel @!p1 .LBB2_2-.Ltmp0, $4  }
0x1ba: {  	s1 =	simm.s32 @!p0 $0x3;
	[sflag:s0] =	ssyncset.done @!p0 $0x0  }
0x1bb: {  	s1 =	simm.s32 @p0 $0x2;
	[sflag:s0] =	ssyncadd.s32 @!p0 $0xFFFF3800  }
0x1bc: {  	_ =	swait.ge [sflag:s1], $0xC800  }
0x1bd: {  	[sflag:s1] =	ssyncset.done $0x0;
	[smem:$0x7FD] =	sst s1  }
.LBB2_1:
0x1be: {  	s24 =	sld [smem:$0x7E7];
	_ =	sdelay $0x1  }
0x1bf: {  	[sflag:s1] =	ssyncadd.s32 $0xFFFF3800  }
0x1c0: {  	[tilespmem:s3], [sflag:$0x4] =	stream.strided.gather [hbm4b:s24+s5], $0x200, s6, s5, $0x38;
	[tilespmem:$0x19200] =	vst v63  }
0x1c1: {  	_ =	swait.ge [sflag:s7], $0x200  }
0x1c2: {  	[sflag:s7] =	ssyncset.done $0x0  }
0x1c3: {  	[sflag:s7] =	ssyncadd.s32 $0xFFFFFE00  }
0x1c4: {  	[tilespmem:s10], [sflag:$0x1] =	stream.indirect.gather [hbm4b:s8+s9], $0x80, s3, s9, $0xb8;
	[tilespmem:$0x19200] =	vst v63  }
0x1c5: {  	_ =	swait.ge [sflag:s11], $0xC800  }
0x1c6: {  	s23 =	rddreg [dreg:$0x5];
	[sflag:s11] =	ssyncset.done $0x0  }
0x1c7: {  	s26 =	sld [smem:$0x7E8];
	[sflag:s11] =	ssyncadd.s32 $0xFFFF3800  }
0x1c8: {  	[hbm4b:s23+s3] =	stream.linear.scatter [tilespmem:s10], [sflag:$0x2], $0xC800, $0x38;
	[tilespmem:$0x19200] =	vst v63  }
0x1c9: {  	_ = 	snop  }
0x1ca: {  	[tilespmem:s3], [sflag:$0x4] =	stream.strided.gather [hbm4b:s26+s5], $0x200, s6, s5, $0x38;
	[tilespmem:$0x19200] =	vst v63  }
0x1cb: {  	_ =	swait.ge [sflag:s7], $0x200  }
0x1cc: {  	[sflag:s7] =	ssyncset.done $0x0  }
0x1cd: {  	[sflag:s7] =	ssyncadd.s32 $0xFFFFFE00  }
0x1ce: {  	[tilespmem:s13], [sflag:$0x1] =	stream.indirect.gather [hbm4b:s8+s9], $0x80, s3, s9, $0xb8;
	[tilespmem:$0x19200] =	vst v63  }
0x1cf: {  	_ =	swait.ge [sflag:s11], $0xC800  }
0x1d0: {  	[sflag:s11] =	ssyncset.done $0x0  }
0x1d1: {  	s31 =	rddreg [dreg:$0x6];
	[sflag:s11] =	ssyncadd.s32 $0xFFFF3800  }
0x1d2: {  	[hbm4b:s31+s3] =	stream.linear.scatter [tilespmem:s13], [sflag:$0x3], $0xC800, $0x38;
	[tilespmem:$0x19200] =	vst v63  }
0x1d3: {  	_ =	swait.ge [sflag:s14], $0xC800  }
0x1d4: {  	s30 =	sld [smem:$0x7E9]  }
0x1d5: {  	[sflag:s14] =	ssyncset.done $0x0  }
0x1d6: {  	[sflag:s14] =	ssyncadd.s32 $0xFFFF3800  }
0x1d7: {  	[tilespmem:s3], [sflag:$0x4] =	stream.strided.gather [hbm4b:s30+s5], $0x200, s6, s5, $0x38;
	[tilespmem:$0x19200] =	vst v63  }
0x1d8: {  	_ =	swait.ge [sflag:s7], $0x200  }
0x1d9: {  	[sflag:s7] =	ssyncset.done $0x0  }
0x1da: {  	[sflag:s7] =	ssyncadd.s32 $0xFFFFFE00  }
0x1db: {  	[tilespmem:s10], [sflag:$0x1] =	stream.indirect.gather [hbm4b:s8+s9], $0x80, s3, s9, $0xb8;
	[tilespmem:$0x19200] =	vst v63  }
0x1dc: {  	_ =	swait.ge [sflag:s11], $0xC800  }
0x1dd: {  	[sflag:s11] =	ssyncset.done $0x0  }
0x1de: {  	s0 =	rddreg [dreg:$0x7];
	[sflag:s11] =	ssyncadd.s32 $0xFFFF3800  }
0x1df: {  	[hbm4b:s0+s3] =	stream.linear.scatter [tilespmem:s10], [sflag:$0x2], $0xC800, $0x38;
	[tilespmem:$0x19200] =	vst v63  }
0x1e0: {  	_ =	swait.ge [sflag:s16], $0xC800  }
0x1e1: {  	s0 =	sld [smem:$0x7EA]  }
0x1e2: {  	[sflag:s16] =	ssyncset.done $0x0  }
0x1e3: {  	[sflag:s16] =	ssyncadd.s32 $0xFFFF3800  }
0x1e4: {  	[tilespmem:s3], [sflag:$0x4] =	stream.strided.gather [hbm4b:s0+s5], $0x200, s6, s5, $0x38;
	[tilespmem:$0x19200] =	vst v63  }
0x1e5: {  	_ =	swait.ge [sflag:s7], $0x200  }
0x1e6: {  	[sflag:s7] =	ssyncset.done $0x0  }
0x1e7: {  	[sflag:s7] =	ssyncadd.s32 $0xFFFFFE00  }
0x1e8: {  	[tilespmem:s13], [sflag:$0x1] =	stream.indirect.gather [hbm4b:s8+s9], $0x80, s3, s9, $0xb8;
	[tilespmem:$0x19200] =	vst v63  }
0x1e9: {  	_ =	swait.ge [sflag:s11], $0xC800  }
0x1ea: {  	[sflag:s11] =	ssyncset.done $0x0  }
0x1eb: {  	s1 =	rddreg [dreg:$0x8];
	[sflag:s11] =	ssyncadd.s32 $0xFFFF3800  }
0x1ec: {  	[hbm4b:s1+s3] =	stream.linear.scatter [tilespmem:s13], [sflag:$0x3], $0xC800, $0x38;
	[tilespmem:$0x19200] =	vst v63  }
0x1ed: {  	_ =	swait.ge [sflag:s14], $0xC800  }
0x1ee: {  	s2 =	sld [smem:$0x7EB]  }
0x1ef: {  	[sflag:s14] =	ssyncset.done $0x0  }
0x1f0: {  	[sflag:s14] =	ssyncadd.s32 $0xFFFF3800  }
0x1f1: {  	[tilespmem:s3], [sflag:$0x4] =	stream.strided.gather [hbm4b:s2+s5], $0x200, s6, s5, $0x38;
	[tilespmem:$0x19200] =	vst v63  }
0x1f2: {  	_ =	swait.ge [sflag:s7], $0x200  }
0x1f3: {  	[sflag:s7] =	ssyncset.done $0x0  }
0x1f4: {  	[sflag:s7] =	ssyncadd.s32 $0xFFFFFE00  }
0x1f5: {  	[tilespmem:s10], [sflag:$0x1] =	stream.indirect.gather [hbm4b:s8+s9], $0x80, s3, s9, $0xb8;
	[tilespmem:$0x19200] =	vst v63  }
0x1f6: {  	_ =	swait.ge [sflag:s11], $0xC800  }
0x1f7: {  	[sflag:s11] =	ssyncset.done $0x0  }
0x1f8: {  	s4 =	rddreg [dreg:$0x9];
	[sflag:s11] =	ssyncadd.s32 $0xFFFF3800  }
0x1f9: {  	[hbm4b:s4+s3] =	stream.linear.scatter [tilespmem:s10], [sflag:$0x2], $0xC800, $0x38;
	[tilespmem:$0x19200] =	vst v63  }
0x1fa: {  	_ =	swait.ge [sflag:s16], $0xC800  }
0x1fb: {  	s19 =	sld [smem:$0x7EC]  }
0x1fc: {  	[sflag:s16] =	ssyncset.done $0x0  }
0x1fd: {  	[sflag:s16] =	ssyncadd.s32 $0xFFFF3800  }
0x1fe: {  	[tilespmem:s3], [sflag:$0x4] =	stream.strided.gather [hbm4b:s19+s5], $0x200, s6, s5, $0x38;
	[tilespmem:$0x19200] =	vst v63  }
0x1ff: {  	_ =	swait.ge [sflag:s7], $0x200  }
0x200: {  	[sflag:s7] =	ssyncset.done $0x0  }
0x201: {  	[sflag:s7] =	ssyncadd.s32 $0xFFFFFE00  }
0x202: {  	[tilespmem:s13], [sflag:$0x1] =	stream.indirect.gather [hbm4b:s8+s9], $0x80, s3, s9, $0xb8;
	[tilespmem:$0x19200] =	vst v63  }
0x203: {  	_ =	swait.ge [sflag:s11], $0xC800  }
0x204: {  	[sflag:s11] =	ssyncset.done $0x0  }
0x205: {  	s12 =	rddreg [dreg:$0xa];
	[sflag:s11] =	ssyncadd.s32 $0xFFFF3800  }
0x206: {  	[hbm4b:s12+s3] =	stream.linear.scatter [tilespmem:s13], [sflag:$0x3], $0xC800, $0x38;
	[tilespmem:$0x19200] =	vst v63  }
0x207: {  	_ =	swait.ge [sflag:s14], $0xC800  }
0x208: {  	s4 =	sld [smem:$0x7ED]  }
0x209: {  	[sflag:s14] =	ssyncset.done $0x0  }
0x20a: {  	[sflag:s14] =	ssyncadd.s32 $0xFFFF3800  }
0x20b: {  	[tilespmem:s3], [sflag:$0x4] =	stream.strided.gather [hbm4b:s4+s5], $0x200, s6, s5, $0x38;
	[tilespmem:$0x19200] =	vst v63  }
0x20c: {  	_ =	swait.ge [sflag:s7], $0x200  }
0x20d: {  	[sflag:s7] =	ssyncset.done $0x0  }
0x20e: {  	[sflag:s7] =	ssyncadd.s32 $0xFFFFFE00  }
0x20f: {  	[tilespmem:s10], [sflag:$0x1] =	stream.indirect.gather [hbm4b:s8+s9], $0x80, s3, s9, $0xb8;
	[tilespmem:$0x19200] =	vst v63  }
0x210: {  	_ =	swait.ge [sflag:s11], $0xC800  }
0x211: {  	[sflag:s11] =	ssyncset.done $0x0  }
0x212: {  	s17 =	rddreg [dreg:$0xb];
	[sflag:s11] =	ssyncadd.s32 $0xFFFF3800  }
0x213: {  	[hbm4b:s17+s3] =	stream.linear.scatter [tilespmem:s10], [sflag:$0x2], $0xC800, $0x38;
	[tilespmem:$0x19200] =	vst v63  }
0x214: {  	_ =	swait.ge [sflag:s16], $0xC800  }
0x215: {  	s12 =	sld [smem:$0x7EE]  }
0x216: {  	s25 =	simm.s32 @!p0 $0x0;
	s29 =	simm.s32 @!p0 $0x4;
	[sflag:s16] =	ssyncset.done $0x0  }
0x217: {  	s0 =	simm.s32 @!p0 $0x80;
	s2 =	simm.s32 @!p0 $0x400;
	[sflag:s16] =	ssyncadd.s32 $0xFFFF3800  }
0x218: {  	[tilespmem:s25], [sflag:$0x4] =	stream.strided.gather @!p0 [hbm4b:s12+s0], $0x200, s2, s0, $0x38;
	[tilespmem:$0x19200] =	vst v63  }
0x219: {  	_ =	swait.ge @!p0 [sflag:s29], $0x200  }
0x21a: {  	[sflag:s29] =	ssyncset.done @!p0 $0x0  }
0x21b: {  	s0 =	simm.s32 @!p0 $0x190;
	s2 =	simm.s32 @!p0 $0xCA00;
	[sflag:s29] =	ssyncadd.s32 @!p0 $0xFFFFFE00  }
0x21c: {  	[tilespmem:s2], [sflag:$0x1] =	stream.indirect.gather @!p0 [hbm4b:s8+s0], $0x80, s25, s0, $0xb8;
	[tilespmem:$0x19200] =	vst v63  }
0x21d: {  	s2 =	simm.s32 @!p0 $0x1  }
0x21e: {  	_ =	swait.ge @!p0 [sflag:s2], $0xC800  }
0x21f: {  	[sflag:s2] =	ssyncset.done @!p0 $0x0  }
0x220: {  	s0 =	simm.s32 @!p0 $0xCA00;
	s23 =	rddreg [dreg:$0xc];
	[sflag:s2] =	ssyncadd.s32 @!p0 $0xFFFF3800  }
0x221: {  	[hbm4b:s23+s25] =	stream.linear.scatter @!p0 [tilespmem:s0], [sflag:$0x3], $0xC800, $0x38;
	[tilespmem:$0x19200] =	vst v63  }
0x222: {  	_ =	swait.ge [sflag:s14], $0xC800  }
0x223: {  	s28 =	sld [smem:$0x7EF]  }
0x224: {  	[sflag:s14] =	ssyncset.done $0x0  }
0x225: {  	[sflag:s14] =	ssyncadd.s32 $0xFFFF3800  }
0x226: {  	[tilespmem:s3], [sflag:$0x4] =	stream.strided.gather [hbm4b:s28+s5], $0x200, s6, s5, $0x38;
	[tilespmem:$0x19200] =	vst v63  }
0x227: {  	_ =	swait.ge [sflag:s7], $0x200  }
0x228: {  	[sflag:s7] =	ssyncset.done $0x0  }
0x229: {  	[sflag:s7] =	ssyncadd.s32 $0xFFFFFE00  }
0x22a: {  	[tilespmem:s10], [sflag:$0x1] =	stream.indirect.gather [hbm4b:s8+s9], $0x80, s3, s9, $0xb8;
	[tilespmem:$0x19200] =	vst v63  }
0x22b: {  	_ =	swait.ge [sflag:s11], $0xC800  }
0x22c: {  	[sflag:s11] =	ssyncset.done $0x0  }
0x22d: {  	s22 =	simm.s32 @!p0 $0x3;
	s18 =	rddreg [dreg:$0xd];
	[sflag:s11] =	ssyncadd.s32 $0xFFFF3800  }
0x22e: {  	[hbm4b:s18+s3] =	stream.linear.scatter [tilespmem:s10], [sflag:$0x2], $0xC800, $0x38;
	[tilespmem:$0x19200] =	vst v63  }
0x22f: {  	_ =	swait.ge @!p0 [sflag:s22], $0xC800  }
0x230: {  	s31 =	sld [smem:$0x7F0]  }
0x231: {  	[sflag:s22] =	ssyncset.done @!p0 $0x0  }
0x232: {  	[sflag:s22] =	ssyncadd.s32 @!p0 $0xFFFF3800  }
0x233: {  	[tilespmem:s3], [sflag:$0x4] =	stream.strided.gather [hbm4b:s31+s5], $0x200, s6, s5, $0x38;
	[tilespmem:$0x19200] =	vst v63  }
0x234: {  	_ =	swait.ge [sflag:s7], $0x200  }
0x235: {  	[sflag:s7] =	ssyncset.done $0x0  }
0x236: {  	[sflag:s7] =	ssyncadd.s32 $0xFFFFFE00  }
0x237: {  	[tilespmem:s13], [sflag:$0x1] =	stream.indirect.gather [hbm4b:s8+s9], $0x80, s3, s9, $0xb8;
	[tilespmem:$0x19200] =	vst v63  }
0x238: {  	_ =	swait.ge [sflag:s11], $0xC800  }
0x239: {  	[sflag:s11] =	ssyncset.done $0x0  }
0x23a: {  	s20 =	rddreg [dreg:$0xe];
	[sflag:s11] =	ssyncadd.s32 $0xFFFF3800  }
0x23b: {  	[hbm4b:s20+s3] =	stream.linear.scatter [tilespmem:s13], [sflag:$0x3], $0xC800, $0x38;
	[tilespmem:$0x19200] =	vst v63  }
0x23c: {  	_ =	swait.ge [sflag:s14], $0xC800  }
0x23d: {  	s18 =	sld [smem:$0x7F1]  }
0x23e: {  	[sflag:s14] =	ssyncset.done $0x0  }
0x23f: {  	[sflag:s14] =	ssyncadd.s32 $0xFFFF3800  }
0x240: {  	[tilespmem:s3], [sflag:$0x4] =	stream.strided.gather [hbm4b:s18+s5], $0x200, s6, s5, $0x38;
	[tilespmem:$0x19200] =	vst v63  }
0x241: {  	_ =	swait.ge [sflag:s7], $0x200  }
0x242: {  	[sflag:s7] =	ssyncset.done $0x0  }
0x243: {  	[sflag:s7] =	ssyncadd.s32 $0xFFFFFE00  }
0x244: {  	[tilespmem:s10], [sflag:$0x1] =	stream.indirect.gather [hbm4b:s8+s9], $0x80, s3, s9, $0xb8;
	[tilespmem:$0x19200] =	vst v63  }
0x245: {  	_ =	swait.ge [sflag:s11], $0xC800  }
0x246: {  	[sflag:s11] =	ssyncset.done $0x0  }
0x247: {  	s21 =	rddreg [dreg:$0xf];
	[sflag:s11] =	ssyncadd.s32 $0xFFFF3800  }
0x248: {  	[hbm4b:s21+s3] =	stream.linear.scatter [tilespmem:s10], [sflag:$0x2], $0xC800, $0x38;
	[tilespmem:$0x19200] =	vst v63  }
0x249: {  	_ =	swait.ge [sflag:s16], $0xC800  }
0x24a: {  	s23 =	sld [smem:$0x7F2]  }
0x24b: {  	[sflag:s16] =	ssyncset.done $0x0  }
0x24c: {  	[sflag:s16] =	ssyncadd.s32 $0xFFFF3800  }
0x24d: {  	[tilespmem:s3], [sflag:$0x4] =	stream.strided.gather [hbm4b:s23+s5], $0x200, s6, s5, $0x38;
	[tilespmem:$0x19200] =	vst v63  }
0x24e: {  	_ =	swait.ge [sflag:s7], $0x200  }
0x24f: {  	[sflag:s7] =	ssyncset.done $0x0  }
0x250: {  	[sflag:s7] =	ssyncadd.s32 $0xFFFFFE00  }
0x251: {  	[tilespmem:s13], [sflag:$0x1] =	stream.indirect.gather [hbm4b:s8+s9], $0x80, s3, s9, $0xb8;
	[tilespmem:$0x19200] =	vst v63  }
0x252: {  	_ =	swait.ge [sflag:s11], $0xC800  }
0x253: {  	[sflag:s11] =	ssyncset.done $0x0  }
0x254: {  	s17 =	rddreg [dreg:$0x10];
	[sflag:s11] =	ssyncadd.s32 $0xFFFF3800  }
0x255: {  	[hbm4b:s17+s3] =	stream.linear.scatter [tilespmem:s13], [sflag:$0x3], $0xC800, $0x38;
	[tilespmem:$0x19200] =	vst v63  }
0x256: {  	_ =	swait.ge [sflag:s14], $0xC800  }
0x257: {  	s17 =	sld [smem:$0x7F4]  }
0x258: {  	[sflag:s14] =	ssyncset.done $0x0  }
0x259: {  	[sflag:s14] =	ssyncadd.s32 $0xFFFF3800  }
0x25a: {  	[tilespmem:s3], [sflag:$0x4] =	stream.strided.gather [hbm4b:s17+s5], $0x200, s6, s5, $0x38;
	[tilespmem:$0x19200] =	vst v63  }
0x25b: {  	_ =	swait.ge [sflag:s7], $0x200  }
0x25c: {  	[sflag:s7] =	ssyncset.done $0x0  }
0x25d: {  	[sflag:s7] =	ssyncadd.s32 $0xFFFFFE00  }
0x25e: {  	[tilespmem:s10], [sflag:$0x1] =	stream.indirect.gather [hbm4b:s8+s9], $0x80, s3, s9, $0xb8;
	[tilespmem:$0x19200] =	vst v63  }
0x25f: {  	_ =	swait.ge [sflag:s11], $0xC800  }
0x260: {  	[sflag:s11] =	ssyncset.done $0x0  }
0x261: {  	s20 =	rddreg [dreg:$0x11];
	[sflag:s11] =	ssyncadd.s32 $0xFFFF3800  }
0x262: {  	[hbm4b:s20+s3] =	stream.linear.scatter [tilespmem:s10], [sflag:$0x2], $0xC800, $0x38;
	[tilespmem:$0x19200] =	vst v63  }
0x263: {  	_ =	swait.ge [sflag:s16], $0xC800  }
0x264: {  	s20 =	sld [smem:$0x7F6]  }
0x265: {  	[sflag:s16] =	ssyncset.done $0x0  }
0x266: {  	[sflag:s16] =	ssyncadd.s32 $0xFFFF3800  }
0x267: {  	[tilespmem:s3], [sflag:$0x4] =	stream.strided.gather [hbm4b:s20+s5], $0x200, s6, s5, $0x38;
	[tilespmem:$0x19200] =	vst v63  }
0x268: {  	_ =	swait.ge [sflag:s7], $0x200  }
0x269: {  	[sflag:s7] =	ssyncset.done $0x0  }
0x26a: {  	[sflag:s7] =	ssyncadd.s32 $0xFFFFFE00  }
0x26b: {  	[tilespmem:s13], [sflag:$0x1] =	stream.indirect.gather [hbm4b:s8+s9], $0x80, s3, s9, $0xb8;
	[tilespmem:$0x19200] =	vst v63  }
0x26c: {  	_ =	swait.ge [sflag:s11], $0xC800  }
0x26d: {  	[sflag:s11] =	ssyncset.done $0x0  }
0x26e: {  	s21 =	rddreg [dreg:$0x12];
	[sflag:s11] =	ssyncadd.s32 $0xFFFF3800  }
0x26f: {  	[hbm4b:s21+s3] =	stream.linear.scatter [tilespmem:s13], [sflag:$0x3], $0xC800, $0x38;
	[tilespmem:$0x19200] =	vst v63  }
0x270: {  	_ =	swait.ge [sflag:s14], $0xC800  }
0x271: {  	s23 =	sld [smem:$0x7F8]  }
0x272: {  	[sflag:s14] =	ssyncset.done $0x0  }
0x273: {  	[sflag:s14] =	ssyncadd.s32 $0xFFFF3800  }
0x274: {  	[tilespmem:s3], [sflag:$0x4] =	stream.strided.gather [hbm4b:s23+s5], $0x200, s6, s5, $0x38;
	[tilespmem:$0x19200] =	vst v63  }
0x275: {  	_ =	swait.ge [sflag:s7], $0x200  }
0x276: {  	[sflag:s7] =	ssyncset.done $0x0  }
0x277: {  	[sflag:s7] =	ssyncadd.s32 $0xFFFFFE00  }
0x278: {  	[tilespmem:s10], [sflag:$0x1] =	stream.indirect.gather [hbm4b:s8+s9], $0x80, s3, s9, $0xb8;
	[tilespmem:$0x19200] =	vst v63  }
0x279: {  	_ =	swait.ge [sflag:s11], $0xC800  }
0x27a: {  	[sflag:s11] =	ssyncset.done $0x0  }
0x27b: {  	s21 =	rddreg [dreg:$0x13];
	[sflag:s11] =	ssyncadd.s32 $0xFFFF3800  }
0x27c: {  	[hbm4b:s21+s3] =	stream.linear.scatter [tilespmem:s10], [sflag:$0x2], $0xC800, $0x38;
	[tilespmem:$0x19200] =	vst v63  }
0x27d: {  	_ =	swait.ge [sflag:s16], $0xC800  }
0x27e: {  	s21 =	sld [smem:$0x7FA]  }
0x27f: {  	[sflag:s16] =	ssyncset.done $0x0  }
0x280: {  	s1 =	simm.s32 @!p0 $0x80;
	s23 =	simm.s32 @!p0 $0x400;
	[sflag:s16] =	ssyncadd.s32 $0xFFFF3800  }
0x281: {  	[tilespmem:s25], [sflag:$0x4] =	stream.strided.gather @!p0 [hbm4b:s21+s1], $0x200, s23, s1, $0x38;
	[tilespmem:$0x19200] =	vst v63  }
0x282: {  	_ =	swait.ge @!p0 [sflag:s29], $0x200  }
0x283: {  	[sflag:s29] =	ssyncset.done @!p0 $0x0  }
0x284: {  	s23 =	simm.s32 @!p0 $0x190;
	[sflag:s29] =	ssyncadd.s32 @!p0 $0xFFFFFE00  }
0x285: {  	[tilespmem:s0], [sflag:$0x1] =	stream.indirect.gather @!p0 [hbm4b:s8+s23], $0x80, s25, s23, $0xb8;
	[tilespmem:$0x19200] =	vst v63  }
0x286: {  	_ =	swait.ge @!p0 [sflag:s2], $0xC800  }
0x287: {  	[sflag:s2] =	ssyncset.done @!p0 $0x0  }
0x288: {  	s23 =	rddreg [dreg:$0x14];
	[sflag:s2] =	ssyncadd.s32 @!p0 $0xFFFF3800  }
0x289: {  	[hbm4b:s23+s25] =	stream.linear.scatter @!p0 [tilespmem:s0], [sflag:$0x3], $0xC800, $0x38;
	[tilespmem:$0x19200] =	vst v63  }
0x28a: {  	_ =	swait.ge [sflag:s14], $0xC800  }
0x28b: {  	[sflag:s14] =	ssyncset.done $0x0  }
0x28c: {  	[sflag:s14] =	ssyncadd.s32 $0xFFFF3800  }
0x28d: {  	[tilespmem:s3], [sflag:$0x4] =	stream.strided.gather [hbm4b:s24+s5], $0x200, s6, s5, $0x38;
	[tilespmem:$0x19200] =	vst v63  }
0x28e: {  	_ =	swait.ge [sflag:s7], $0x200  }
0x28f: {  	[sflag:s7] =	ssyncset.done $0x0  }
0x290: {  	[sflag:s7] =	ssyncadd.s32 $0xFFFFFE00  }
0x291: {  	s24 =	rddreg [dreg:$0x1]  }
0x292: {  	[tilespmem:s10], [sflag:$0x1] =	stream.indirect.gather [hbm4b:s24+s9], $0x80, s3, s9, $0xb8;
	[tilespmem:$0x19200] =	vst v63  }
0x293: {  	_ =	swait.ge [sflag:s11], $0xC800  }
0x294: {  	[sflag:s11] =	ssyncset.done $0x0  }
0x295: {  	s0 =	rddreg [dreg:$0x15];
	[sflag:s11] =	ssyncadd.s32 $0xFFFF3800  }
0x296: {  	[hbm4b:s0+s3] =	stream.linear.scatter [tilespmem:s10], [sflag:$0x2], $0xC800, $0x38;
	[tilespmem:$0x19200] =	vst v63  }
0x297: {  	_ =	swait.ge @!p0 [sflag:s22], $0xC800  }
0x298: {  	[sflag:s22] =	ssyncset.done @!p0 $0x0  }
0x299: {  	[sflag:s22] =	ssyncadd.s32 @!p0 $0xFFFF3800  }
0x29a: {  	[tilespmem:s3], [sflag:$0x4] =	stream.strided.gather [hbm4b:s26+s5], $0x200, s6, s5, $0x38;
	[tilespmem:$0x19200] =	vst v63  }
0x29b: {  	_ =	swait.ge [sflag:s7], $0x200  }
0x29c: {  	[sflag:s7] =	ssyncset.done $0x0  }
0x29d: {  	[sflag:s7] =	ssyncadd.s32 $0xFFFFFE00  }
0x29e: {  	[tilespmem:s13], [sflag:$0x1] =	stream.indirect.gather [hbm4b:s24+s9], $0x80, s3, s9, $0xb8;
	[tilespmem:$0x19200] =	vst v63  }
0x29f: {  	_ =	swait.ge [sflag:s11], $0xC800  }
0x2a0: {  	[sflag:s11] =	ssyncset.done $0x0  }
0x2a1: {  	s1 =	rddreg [dreg:$0x16];
	[sflag:s11] =	ssyncadd.s32 $0xFFFF3800  }
0x2a2: {  	[hbm4b:s1+s3] =	stream.linear.scatter [tilespmem:s13], [sflag:$0x3], $0xC800, $0x38;
	[tilespmem:$0x19200] =	vst v63  }
0x2a3: {  	_ =	swait.ge [sflag:s14], $0xC800  }
0x2a4: {  	[sflag:s14] =	ssyncset.done $0x0  }
0x2a5: {  	[sflag:s14] =	ssyncadd.s32 $0xFFFF3800  }
0x2a6: {  	[tilespmem:s3], [sflag:$0x4] =	stream.strided.gather [hbm4b:s30+s5], $0x200, s6, s5, $0x38;
	[tilespmem:$0x19200] =	vst v63  }
0x2a7: {  	_ =	swait.ge [sflag:s7], $0x200  }
0x2a8: {  	[sflag:s7] =	ssyncset.done $0x0  }
0x2a9: {  	[sflag:s7] =	ssyncadd.s32 $0xFFFFFE00  }
0x2aa: {  	[tilespmem:s10], [sflag:$0x1] =	stream.indirect.gather [hbm4b:s24+s9], $0x80, s3, s9, $0xb8;
	[tilespmem:$0x19200] =	vst v63  }
0x2ab: {  	_ =	swait.ge [sflag:s11], $0xC800  }
0x2ac: {  	[sflag:s11] =	ssyncset.done $0x0  }
0x2ad: {  	s26 =	rddreg [dreg:$0x17];
	[sflag:s11] =	ssyncadd.s32 $0xFFFF3800  }
0x2ae: {  	[hbm4b:s26+s3] =	stream.linear.scatter [tilespmem:s10], [sflag:$0x2], $0xC800, $0x38;
	[tilespmem:$0x19200] =	vst v63  }
0x2af: {  	_ =	swait.ge [sflag:s16], $0xC800  }
0x2b0: {  	s30 =	sld [smem:$0x7EA]  }
0x2b1: {  	[sflag:s16] =	ssyncset.done $0x0  }
0x2b2: {  	[sflag:s16] =	ssyncadd.s32 $0xFFFF3800  }
0x2b3: {  	[tilespmem:s3], [sflag:$0x4] =	stream.strided.gather [hbm4b:s30+s5], $0x200, s6, s5, $0x38;
	[tilespmem:$0x19200] =	vst v63  }
0x2b4: {  	s1 =	sld [smem:$0x7FD];
	_ =	swait.ge [sflag:s7], $0x200  }
0x2b5: {  	[sflag:s7] =	ssyncset.done $0x0  }
0x2b6: {  	[sflag:s7] =	ssyncadd.s32 $0xFFFFFE00  }
0x2b7: {  	[tilespmem:s13], [sflag:$0x1] =	stream.indirect.gather [hbm4b:s24+s9], $0x80, s3, s9, $0xb8;
	[tilespmem:$0x19200] =	vst v63  }
0x2b8: {  	_ =	swait.ge [sflag:s11], $0xC800  }
0x2b9: {  	[sflag:s11] =	ssyncset.done $0x0  }
0x2ba: {  	s0 =	rddreg [dreg:$0x18];
	[sflag:s11] =	ssyncadd.s32 $0xFFFF3800  }
0x2bb: {  	[hbm4b:s0+s3] =	stream.linear.scatter [tilespmem:s13], [sflag:$0x3], $0xC800, $0x38;
	[tilespmem:$0x19200] =	vst v63  }
0x2bc: {  	_ =	swait.ge [sflag:s14], $0xC800  }
0x2bd: {  	s26 =	sld [smem:$0x7EB]  }
0x2be: {  	[sflag:s14] =	ssyncset.done $0x0  }
0x2bf: {  	[sflag:s14] =	ssyncadd.s32 $0xFFFF3800  }
0x2c0: {  	[tilespmem:s3], [sflag:$0x4] =	stream.strided.gather [hbm4b:s26+s5], $0x200, s6, s5, $0x38;
	[tilespmem:$0x19200] =	vst v63  }
0x2c1: {  	_ =	swait.ge [sflag:s7], $0x200  }
0x2c2: {  	[sflag:s7] =	ssyncset.done $0x0  }
0x2c3: {  	[sflag:s7] =	ssyncadd.s32 $0xFFFFFE00  }
0x2c4: {  	[tilespmem:s10], [sflag:$0x1] =	stream.indirect.gather [hbm4b:s24+s9], $0x80, s3, s9, $0xb8;
	[tilespmem:$0x19200] =	vst v63  }
0x2c5: {  	_ =	swait.ge [sflag:s11], $0xC800  }
0x2c6: {  	[sflag:s11] =	ssyncset.done $0x0  }
0x2c7: {  	s30 =	rddreg [dreg:$0x19];
	[sflag:s11] =	ssyncadd.s32 $0xFFFF3800  }
0x2c8: {  	[hbm4b:s30+s3] =	stream.linear.scatter [tilespmem:s10], [sflag:$0x2], $0xC800, $0x38;
	[tilespmem:$0x19200] =	vst v63  }
0x2c9: {  	_ =	swait.ge [sflag:s16], $0xC800  }
0x2ca: {  	[sflag:s16] =	ssyncset.done $0x0  }
0x2cb: {  	[sflag:s16] =	ssyncadd.s32 $0xFFFF3800  }
0x2cc: {  	[tilespmem:s3], [sflag:$0x4] =	stream.strided.gather [hbm4b:s19+s5], $0x200, s6, s5, $0x38;
	[tilespmem:$0x19200] =	vst v63  }
0x2cd: {  	_ =	swait.ge [sflag:s7], $0x200  }
0x2ce: {  	[sflag:s7] =	ssyncset.done $0x0  }
0x2cf: {  	[sflag:s7] =	ssyncadd.s32 $0xFFFFFE00  }
0x2d0: {  	[tilespmem:s13], [sflag:$0x1] =	stream.indirect.gather [hbm4b:s24+s9], $0x80, s3, s9, $0xb8;
	[tilespmem:$0x19200] =	vst v63  }
0x2d1: {  	_ =	swait.ge [sflag:s11], $0xC800  }
0x2d2: {  	[sflag:s11] =	ssyncset.done $0x0  }
0x2d3: {  	s0 =	rddreg [dreg:$0x1a];
	[sflag:s11] =	ssyncadd.s32 $0xFFFF3800  }
0x2d4: {  	[hbm4b:s0+s3] =	stream.linear.scatter [tilespmem:s13], [sflag:$0x3], $0xC800, $0x38;
	[tilespmem:$0x19200] =	vst v63  }
0x2d5: {  	_ =	swait.ge [sflag:s14], $0xC800  }
0x2d6: {  	[sflag:s14] =	ssyncset.done $0x0  }
0x2d7: {  	[sflag:s14] =	ssyncadd.s32 $0xFFFF3800  }
0x2d8: {  	[tilespmem:s3], [sflag:$0x4] =	stream.strided.gather [hbm4b:s4+s5], $0x200, s6, s5, $0x38;
	[tilespmem:$0x19200] =	vst v63  }
0x2d9: {  	_ =	swait.ge [sflag:s7], $0x200  }
0x2da: {  	[sflag:s7] =	ssyncset.done $0x0  }
0x2db: {  	[sflag:s7] =	ssyncadd.s32 $0xFFFFFE00  }
0x2dc: {  	[tilespmem:s10], [sflag:$0x1] =	stream.indirect.gather [hbm4b:s24+s9], $0x80, s3, s9, $0xb8;
	[tilespmem:$0x19200] =	vst v63  }
0x2dd: {  	_ =	swait.ge [sflag:s11], $0xC800  }
0x2de: {  	[sflag:s11] =	ssyncset.done $0x0  }
0x2df: {  	s19 =	rddreg [dreg:$0x1b];
	[sflag:s11] =	ssyncadd.s32 $0xFFFF3800  }
0x2e0: {  	[hbm4b:s19+s3] =	stream.linear.scatter [tilespmem:s10], [sflag:$0x2], $0xC800, $0x38;
	[tilespmem:$0x19200] =	vst v63  }
0x2e1: {  	_ =	swait.ge [sflag:s16], $0xC800  }
0x2e2: {  	[sflag:s16] =	ssyncset.done $0x0  }
0x2e3: {  	s0 =	simm.s32 @!p0 $0x400;
	s4 =	simm.s32 @!p0 $0x80;
	[sflag:s16] =	ssyncadd.s32 $0xFFFF3800  }
0x2e4: {  	[tilespmem:s25], [sflag:$0x4] =	stream.strided.gather @!p0 [hbm4b:s12+s4], $0x200, s0, s4, $0x38;
	[tilespmem:$0x19200] =	vst v63  }
0x2e5: {  	_ =	swait.ge @!p0 [sflag:s29], $0x200  }
0x2e6: {  	[sflag:s29] =	ssyncset.done @!p0 $0x0  }
0x2e7: {  	s0 =	simm.s32 @!p0 $0xCA00;
	s12 =	simm.s32 @!p0 $0x190;
	[sflag:s29] =	ssyncadd.s32 @!p0 $0xFFFFFE00  }
0x2e8: {  	[tilespmem:s0], [sflag:$0x1] =	stream.indirect.gather @!p0 [hbm4b:s24+s12], $0x80, s25, s12, $0xb8;
	[tilespmem:$0x19200] =	vst v63  }
0x2e9: {  	_ =	swait.ge @!p0 [sflag:s2], $0xC800  }
0x2ea: {  	[sflag:s2] =	ssyncset.done @!p0 $0x0  }
0x2eb: {  	s23 =	rddreg [dreg:$0x1c];
	[sflag:s2] =	ssyncadd.s32 @!p0 $0xFFFF3800  }
0x2ec: {  	[hbm4b:s23+s25] =	stream.linear.scatter @!p0 [tilespmem:s0], [sflag:$0x3], $0xC800, $0x38;
	[tilespmem:$0x19200] =	vst v63  }
0x2ed: {  	_ =	swait.ge [sflag:s14], $0xC800  }
0x2ee: {  	[sflag:s14] =	ssyncset.done $0x0  }
0x2ef: {  	[sflag:s14] =	ssyncadd.s32 $0xFFFF3800  }
0x2f0: {  	[tilespmem:s3], [sflag:$0x4] =	stream.strided.gather [hbm4b:s28+s5], $0x200, s6, s5, $0x38;
	[tilespmem:$0x19200] =	vst v63  }
0x2f1: {  	_ =	swait.ge [sflag:s7], $0x200  }
0x2f2: {  	[sflag:s7] =	ssyncset.done $0x0  }
0x2f3: {  	[sflag:s7] =	ssyncadd.s32 $0xFFFFFE00  }
0x2f4: {  	[tilespmem:s10], [sflag:$0x1] =	stream.indirect.gather [hbm4b:s24+s9], $0x80, s3, s9, $0xb8;
	[tilespmem:$0x19200] =	vst v63  }
0x2f5: {  	_ =	swait.ge [sflag:s11], $0xC800  }
0x2f6: {  	[sflag:s11] =	ssyncset.done $0x0  }
0x2f7: {  	s26 =	rddreg [dreg:$0x1d];
	[sflag:s11] =	ssyncadd.s32 $0xFFFF3800  }
0x2f8: {  	[hbm4b:s26+s3] =	stream.linear.scatter [tilespmem:s10], [sflag:$0x2], $0xC800, $0x38;
	[tilespmem:$0x19200] =	vst v63  }
0x2f9: {  	_ =	swait.ge @!p0 [sflag:s22], $0xC800  }
0x2fa: {  	[sflag:s22] =	ssyncset.done @!p0 $0x0  }
0x2fb: {  	[sflag:s22] =	ssyncadd.s32 @!p0 $0xFFFF3800  }
0x2fc: {  	[tilespmem:s3], [sflag:$0x4] =	stream.strided.gather [hbm4b:s31+s5], $0x200, s6, s5, $0x38;
	[tilespmem:$0x19200] =	vst v63  }
0x2fd: {  	_ =	swait.ge [sflag:s7], $0x200  }
0x2fe: {  	[sflag:s7] =	ssyncset.done $0x0  }
0x2ff: {  	[sflag:s7] =	ssyncadd.s32 $0xFFFFFE00  }
0x300: {  	[tilespmem:s13], [sflag:$0x1] =	stream.indirect.gather [hbm4b:s24+s9], $0x80, s3, s9, $0xb8;
	[tilespmem:$0x19200] =	vst v63  }
0x301: {  	_ =	swait.ge [sflag:s11], $0xC800  }
0x302: {  	[sflag:s11] =	ssyncset.done $0x0  }
0x303: {  	s28 =	rddreg [dreg:$0x1e];
	[sflag:s11] =	ssyncadd.s32 $0xFFFF3800  }
0x304: {  	[hbm4b:s28+s3] =	stream.linear.scatter [tilespmem:s13], [sflag:$0x3], $0xC800, $0x38;
	[tilespmem:$0x19200] =	vst v63  }
0x305: {  	_ =	swait.ge [sflag:s14], $0xC800  }
0x306: {  	[sflag:s14] =	ssyncset.done $0x0  }
0x307: {  	[sflag:s14] =	ssyncadd.s32 $0xFFFF3800  }
0x308: {  	[tilespmem:s3], [sflag:$0x4] =	stream.strided.gather [hbm4b:s18+s5], $0x200, s6, s5, $0x38;
	[tilespmem:$0x19200] =	vst v63  }
0x309: {  	_ =	swait.ge [sflag:s7], $0x200  }
0x30a: {  	[sflag:s7] =	ssyncset.done $0x0  }
0x30b: {  	[sflag:s7] =	ssyncadd.s32 $0xFFFFFE00  }
0x30c: {  	[tilespmem:s10], [sflag:$0x1] =	stream.indirect.gather [hbm4b:s24+s9], $0x80, s3, s9, $0xb8;
	[tilespmem:$0x19200] =	vst v63  }
0x30d: {  	_ =	swait.ge [sflag:s11], $0xC800  }
0x30e: {  	[sflag:s11] =	ssyncset.done $0x0  }
0x30f: {  	s30 =	rddreg [dreg:$0x1f];
	[sflag:s11] =	ssyncadd.s32 $0xFFFF3800  }
0x310: {  	[hbm4b:s30+s3] =	stream.linear.scatter [tilespmem:s10], [sflag:$0x2], $0xC800, $0x38;
	[tilespmem:$0x19200] =	vst v63  }
0x311: {  	_ =	swait.ge [sflag:s16], $0xC800  }
0x312: {  	s31 =	sld [smem:$0x7F2]  }
0x313: {  	[sflag:s16] =	ssyncset.done $0x0  }
0x314: {  	[sflag:s16] =	ssyncadd.s32 $0xFFFF3800  }
0x315: {  	[tilespmem:s3], [sflag:$0x4] =	stream.strided.gather [hbm4b:s31+s5], $0x200, s6, s5, $0x38;
	[tilespmem:$0x19200] =	vst v63  }
0x316: {  	_ =	swait.ge [sflag:s7], $0x200  }
0x317: {  	[sflag:s7] =	ssyncset.done $0x0  }
0x318: {  	[sflag:s7] =	ssyncadd.s32 $0xFFFFFE00  }
0x319: {  	[tilespmem:s13], [sflag:$0x1] =	stream.indirect.gather [hbm4b:s24+s9], $0x80, s3, s9, $0xb8;
	[tilespmem:$0x19200] =	vst v63  }
0x31a: {  	_ =	swait.ge [sflag:s11], $0xC800  }
0x31b: {  	s22 =	sld [smem:$0x7F3]  }
0x31c: {  	[sflag:s11] =	ssyncset.done $0x0  }
0x31d: {  	[sflag:s11] =	ssyncadd.s32 $0xFFFF3800  }
0x31e: {  	[hbm4b:s22+s3] =	stream.linear.scatter [tilespmem:s13], [sflag:$0x3], $0xC800, $0x38;
	[tilespmem:$0x19200] =	vst v63  }
0x31f: {  	_ =	swait.ge [sflag:s14], $0xC800  }
0x320: {  	[sflag:s14] =	ssyncset.done $0x0  }
0x321: {  	[sflag:s14] =	ssyncadd.s32 $0xFFFF3800  }
0x322: {  	[tilespmem:s3], [sflag:$0x4] =	stream.strided.gather [hbm4b:s17+s5], $0x200, s6, s5, $0x38;
	[tilespmem:$0x19200] =	vst v63  }
0x323: {  	_ =	swait.ge [sflag:s7], $0x200  }
0x324: {  	[sflag:s7] =	ssyncset.done $0x0  }
0x325: {  	[sflag:s7] =	ssyncadd.s32 $0xFFFFFE00  }
0x326: {  	[tilespmem:s10], [sflag:$0x1] =	stream.indirect.gather [hbm4b:s24+s9], $0x80, s3, s9, $0xb8;
	[tilespmem:$0x19200] =	vst v63  }
0x327: {  	_ =	swait.ge [sflag:s11], $0xC800  }
0x328: {  	s26 =	sld [smem:$0x7F5]  }
0x329: {  	[sflag:s11] =	ssyncset.done $0x0  }
0x32a: {  	[sflag:s11] =	ssyncadd.s32 $0xFFFF3800  }
0x32b: {  	[hbm4b:s26+s3] =	stream.linear.scatter [tilespmem:s10], [sflag:$0x2], $0xC800, $0x38;
	[tilespmem:$0x19200] =	vst v63  }
0x32c: {  	_ =	swait.ge [sflag:s16], $0xC800  }
0x32d: {  	[sflag:s16] =	ssyncset.done $0x0  }
0x32e: {  	[sflag:s16] =	ssyncadd.s32 $0xFFFF3800  }
0x32f: {  	[tilespmem:s3], [sflag:$0x4] =	stream.strided.gather [hbm4b:s20+s5], $0x200, s6, s5, $0x38;
	[tilespmem:$0x19200] =	vst v63  }
0x330: {  	_ =	swait.ge [sflag:s7], $0x200  }
0x331: {  	[sflag:s7] =	ssyncset.done $0x0  }
0x332: {  	[sflag:s7] =	ssyncadd.s32 $0xFFFFFE00  }
0x333: {  	[tilespmem:s13], [sflag:$0x1] =	stream.indirect.gather [hbm4b:s24+s9], $0x80, s3, s9, $0xb8;
	[tilespmem:$0x19200] =	vst v63  }
0x334: {  	_ =	swait.ge [sflag:s11], $0xC800  }
0x335: {  	s28 =	sld [smem:$0x7F7]  }
0x336: {  	[sflag:s11] =	ssyncset.done $0x0  }
0x337: {  	[sflag:s11] =	ssyncadd.s32 $0xFFFF3800  }
0x338: {  	[hbm4b:s28+s3] =	stream.linear.scatter [tilespmem:s13], [sflag:$0x3], $0xC800, $0x38;
	[tilespmem:$0x19200] =	vst v63  }
0x339: {  	_ =	swait.ge [sflag:s14], $0xC800  }
0x33a: {  	s30 =	sld [smem:$0x7F8]  }
0x33b: {  	[sflag:s14] =	ssyncset.done $0x0  }
0x33c: {  	[sflag:s14] =	ssyncadd.s32 $0xFFFF3800  }
0x33d: {  	[tilespmem:s3], [sflag:$0x4] =	stream.strided.gather [hbm4b:s30+s5], $0x200, s6, s5, $0x38;
	[tilespmem:$0x19200] =	vst v63  }
0x33e: {  	_ =	swait.ge [sflag:s7], $0x200  }
0x33f: {  	[sflag:s7] =	ssyncset.done $0x0  }
0x340: {  	[sflag:s7] =	ssyncadd.s32 $0xFFFFFE00  }
0x341: {  	[tilespmem:s10], [sflag:$0x1] =	stream.indirect.gather [hbm4b:s24+s9], $0x80, s3, s9, $0xb8;
	[tilespmem:$0x19200] =	vst v63  }
0x342: {  	_ =	swait.ge [sflag:s11], $0xC800  }
0x343: {  	s31 =	sld [smem:$0x7F9]  }
0x344: {  	[sflag:s11] =	ssyncset.done $0x0  }
0x345: {  	[sflag:s11] =	ssyncadd.s32 $0xFFFF3800  }
0x346: {  	[hbm4b:s31+s3] =	stream.linear.scatter [tilespmem:s10], [sflag:$0x2], $0xC800, $0x38;
	[tilespmem:$0x19200] =	vst v63  }
0x347: {  	_ =	swait.ge [sflag:s16], $0xC800  }
0x348: {  	[sflag:s16] =	ssyncset.done $0x0  }
0x349: {  	s19 =	simm.s32 @!p0 $0x80;
	s4 =	simm.s32 @!p0 $0x400;
	[sflag:s16] =	ssyncadd.s32 $0xFFFF3800  }
0x34a: {  	[tilespmem:s25], [sflag:$0x4] =	stream.strided.gather @!p0 [hbm4b:s21+s19], $0x200, s4, s19, $0x38;
	[tilespmem:$0x19200] =	vst v63  }
0x34b: {  	_ =	swait.ge @!p0 [sflag:s29], $0x200  }
0x34c: {  	[sflag:s29] =	ssyncset.done @!p0 $0x0  }
0x34d: {  	s12 =	simm.s32 @!p0 $0x190;
	s0 =	simm.s32 @!p0 $0xCA00;
	[sflag:s29] =	ssyncadd.s32 @!p0 $0xFFFFFE00  }
0x34e: {  	[tilespmem:s0], [sflag:$0x1] =	stream.indirect.gather @!p0 [hbm4b:s24+s12], $0x80, s25, s12, $0xb8;
	[tilespmem:$0x19200] =	vst v63  }
0x34f: {  	_ =	swait.ge @!p0 [sflag:s2], $0xC800  }
0x350: {  	s23 =	sld [smem:$0x7FB]  }
0x351: {  	[sflag:s2] =	ssyncset.done @!p0 $0x0  }
0x352: {  	s15 =	sadd.s32 $0xFFFFFFFF, s15;
	[sflag:s2] =	ssyncadd.s32 @!p0 $0xFFFF3800  }
0x353: {  	[hbm4b:s23+s25] =	stream.linear.scatter @!p0 [tilespmem:s0], [sflag:$0x3], $0xC800, $0x38;
	[tilespmem:$0x19200] =	vst v63  }
0x354: {  	p1 =	sne.s32 s15, $0x0;
	s0 =	simm.s32 @!p0 $0x2  }
.Ltmp1:
0x355: {  	_ =	swait.ge @!p0 [sflag:s0], $0xC800;
	(pc) =	sbr.rel @p1 .LBB2_1-.Ltmp1, $4  }
0x356: {  	[sflag:s0] =	ssyncset.done @!p0 $0x0  }
0x357: {  	[sflag:s0] =	ssyncadd.s32 @!p0 $0xFFFF3800  }
0x358: {  	_ =	swait.ge [sflag:s1], $0xC800  }
0x359: {  	[sflag:s1] =	ssyncset.done $0x0  }
.LBB2_2:
0x35a: {  	[sflag:s1] =	ssyncadd.s32 $0xFFFF3800  }
0x35b: {  	_ =	sfence.sel $0x180000  }
0x35c: {  	[bflag:$0x0] =	sbarrier.arrive $0xFFFF  }
0x35d: {  	_ =	strace $0x90000047  }
0x35e: {  	s0 =	stileid.u32;
	[bflag:$0x2] =	sbarrier.arrive $0xFFFF  }
0x35f: {  	p0 =	sne.s32 s0, $0x0;
	s0 =	rddreg [dreg:$0x4]  }
0x360: {  	s0 =	sadd.s32 @!p0 $0x100000, s0  }
0x361: {  	[sflag:s0] =	ssyncadd.tile.s32 @!p0 $0x1;
	_ =	shalt  }
.Lfunc_end2:
_tile_overlayer_lowered:
.L_overlay_start_2:
0x362: {  	(tag) =	ssettag $0x2  }
0x363: {  	s0 =	rddreg [dreg:$0x0];
	s2 =	stileid.u32  }
0x364: {  	s1 =	rddreg [dreg:$0x1];
	p0 =	sne.s32 s2, $0x0  }
0x365: {  	s3 =	rddreg [dreg:$0x2];
	[bflag:$0x3] =	sbarrier.arrive $0xFFFF;
	s2 =	simm.s32 @!p0 $0x1C04  }
0x366: {  	[timem:s3], [sflag:s2] =	dma.local @!p0 [hbm:s0], s1  }
0x367: {  	s0 =	simm.s32 @!p0 $0x4  }
0x368: {  	_ =	swait.ge @!p0 [sflag:s0], s1  }
0x369: {  	s1 =	ssub.s32 @!p0 $0x0, s1;
	[sflag:s0] =	ssyncset.done @!p0 $0x0  }
0x36a: {  	[sflag:s0] =	ssyncadd.s32 @!p0 s1  }
0x36b: {  	[bflag:$0x3] =	sbarrier.arrive $0xFFFF  }
0x36c: {  	_ =	shalt  }

</sc_bundles>
